<compile_context>
chip_gen: v7x
topology: tpu7x:2x2x1
jax: 0.10.2.dev20260603
libtpu: 0.0.44.dev20260713+nightly
codegen_flags: <defaults>
</compile_context>

<pallas_src>
import functools

import jax
import jax.numpy as jnp
from jax import lax
from jax.experimental import pallas as pl
from jax.experimental.pallas import tpu as pltpu
from jax.experimental.pallas import tpu_sc as plsc

BATCH = 1024
SEQ = 200
EMB = 64
LANES = 128
NC = 2
NS = 16
NW = NC * NS

TOTAL = BATCH * SEQ
ROWS_PER_W = TOTAL // NW
CHUNK = 128
NCHUNK = ROWS_PER_W // CHUNK
IROWS_PER_W = ROWS_PER_W // LANES
IROWS_STRIDE = 56
GROUP = 8

def _build_embed_sc():
    mesh = plsc.VectorSubcoreMesh(
        core_axis_name="c", subcore_axis_name="s",
        num_cores=NC, num_subcores=NS,
    )
    return functools.partial(
        pl.kernel,
        out_type=jax.ShapeDtypeStruct((BATCH, SEQ, EMB), jnp.float32),
        mesh=mesh,
        scratch_types=[
        pltpu.VMEM((IROWS_STRIDE, LANES), jnp.int32),
        pltpu.VMEM((CHUNK, LANES), jnp.float32),
        pltpu.VMEM((CHUNK, LANES), jnp.float32),
        pltpu.VMEM((CHUNK, EMB), jnp.float32),
        pltpu.VMEM((CHUNK, EMB), jnp.float32),
        pltpu.VMEM((SEQ, LANES), jnp.float32),
        pltpu.SemaphoreType.DMA,
        pltpu.SemaphoreType.DMA,
        pltpu.SemaphoreType.DMA,
        pltpu.SemaphoreType.DMA,
        ],
    )


def _embed_sc_body(idx_hbm, tok_hbm, pos_hbm, out_hbm,
              idx_v, gath_a, gath_b, res_a, res_b, pos_v,
              gsem_a, gsem_b, wsem_a, wsem_b):
    wid = lax.axis_index("s") * NC + lax.axis_index("c")
    irow0 = wid * IROWS_STRIDE
    row0 = wid * ROWS_PER_W

    out2 = out_hbm.reshape(TOTAL, EMB)

    pltpu.sync_copy(idx_hbm.at[pl.ds(irow0, IROWS_STRIDE)], idx_v)
    pltpu.sync_copy(pos_hbm, pos_v)

    gath = (gath_a, gath_b)
    res = (res_a, res_b)
    gsem = (gsem_a, gsem_b)
    wsem = (wsem_a, wsem_b)

    def start_gather(b, cc):
        pltpu.async_copy(tok_hbm.at[idx_v.at[cc]], gath[b], gsem[b])

    def wait_gather(b):
        pltpu.make_async_copy(
            tok_hbm.at[pl.ds(0, CHUNK)], gath[b], gsem[b]).wait()

    def compute(b, cc):
        g, o = gath[b], res[b]
        s0 = lax.rem(cc * CHUNK, SEQ)

        @plsc.parallel_loop(0, CHUNK // GROUP, unroll=1, carry=s0)
        def body(t, s):
            for r in range(GROUP):
                j = GROUP * t + r
                se = s + r
                se = jnp.where(se >= SEQ, se - SEQ, se)
                for k in range(EMB // 16):
                    sl = pl.ds(k * 16, 16)
                    o[j, sl] = g[j, sl] + pos_v[se, sl]
            s = s + GROUP
            return jnp.where(s >= SEQ, s - SEQ, s)

    start_gather(0, 0)
    start_gather(1, 1)

    @pl.loop(0, NCHUNK, step=2)
    def chunk_pair(c):
        for b in range(2):
            cc = c + b
            wait_gather(b)
            compute(b, cc)
            w = pltpu.async_copy(
                res[b],
                out2.at[pl.ds(row0 + cc * CHUNK, CHUNK)],
                wsem[b],
            )
            w.wait()

            @pl.when(cc + 2 < NCHUNK)
            def _():
                start_gather(b, cc + 2)


_embed_sc_cache = []


def _embed_sc(idx, tok, pos):
    if not _embed_sc_cache:
        _embed_sc_cache.append(_build_embed_sc()(_embed_sc_body))
    return _embed_sc_cache[0](idx, tok, pos)


def _worker_blocks(x):
    x = x.reshape(NW, IROWS_PER_W, LANES)
    x = jnp.pad(x, ((0, 0), (0, IROWS_STRIDE - IROWS_PER_W), (0, 0)))
    return x.reshape(NW * IROWS_STRIDE, LANES)


def kernel(inputs, token_table, position_table):
    flat = inputs.reshape(-1).astype(jnp.int32)
    idx = _worker_blocks(flat)
    widen = jnp.eye(EMB, LANES, dtype=jnp.float32)
    tokp = jax.lax.dot(token_table, widen,
                       precision=jax.lax.Precision.HIGHEST)
    posp = jnp.pad(position_table, ((0, 0), (0, LANES - EMB)))
    return _embed_sc(idx, tokp, posp)

# --- scband reference (transcript-rebuilt; emitter-appended) ---
"""Pipeline reference for scband-positional-embedding-7069516169534 (READ-ONLY COPY).

The authoritative reference and input builder live on the scoring server;
editing this copy changes nothing except your own understanding.
"""

import jax, jax.numpy as jnp
import numpy as np

SEQ_LEN = 200
VOCAB = 1000000
EMBED = 64
BATCH = 1024

def setup_inputs(seed: int = 0) -> dict:
    key = jax.random.key(seed)
    k1, k2, k3 = jax.random.split(key, 3)
    inputs = jax.random.randint(k1, (BATCH, SEQ_LEN), 0, VOCAB, dtype=jnp.int64 if jax.config.jax_enable_x64 else jnp.int32)
    token_table = jax.random.normal(k2, (VOCAB, EMBED), dtype=jnp.float32) * 0.02
    position_table = jax.random.normal(k3, (SEQ_LEN, EMBED), dtype=jnp.float32) * 0.02
    return {"inputs": inputs, "token_table": token_table, "position_table": position_table}

def reference(inputs, token_table, position_table):
    length = inputs.shape[-1]
    positions = jnp.arange(0, length)
    embedded_tokens = jnp.take(token_table, inputs, axis=0)
    embedded_positions = jnp.take(position_table, positions, axis=0)
    return embedded_tokens + embedded_positions[None, :, :]

if __name__ == "__main__":
    import jax
    _d = setup_inputs()
    print(jax.jit(kernel)(*tuple(_d.values())))

</pallas_src>

<mosaic_0001>
#map = affine_map<(d0, d1) -> (0, 0)>
#map1 = affine_map<(d0, d1) -> (0, 0, 0)>
module attributes {stable_mosaic.version = 14 : i64} {
  func.func @_embed_sc_body(%arg0: i32, %arg1: i32, %arg2: memref<1792x128xi32, #tpu.memory_space<hbm>>, %arg3: memref<1000000x128xf32, #tpu.memory_space<hbm>>, %arg4: memref<200x128xf32, #tpu.memory_space<hbm>>, %arg5: memref<1024x200x64xf32, #tpu.memory_space<hbm>>, %arg6: memref<56x128xi32, #tpu.memory_space<vmem>>, %arg7: memref<128x128xf32, #tpu.memory_space<vmem>>, %arg8: memref<128x128xf32, #tpu.memory_space<vmem>>, %arg9: memref<128x64xf32, #tpu.memory_space<vmem>>, %arg10: memref<128x64xf32, #tpu.memory_space<vmem>>, %arg11: memref<200x128xf32, #tpu.memory_space<vmem>>, %arg12: memref<!tpu.dma_semaphore, #tpu.memory_space<semaphore_mem>>, %arg13: memref<!tpu.dma_semaphore, #tpu.memory_space<semaphore_mem>>, %arg14: memref<!tpu.dma_semaphore, #tpu.memory_space<semaphore_mem>>, %arg15: memref<!tpu.dma_semaphore, #tpu.memory_space<semaphore_mem>>) attributes {dimension_semantics = [#tpu.dimension_semantics<core_parallel>, #tpu.dimension_semantics<subcore_parallel>], iteration_bounds = array<i64: 2, 16>, scalar_prefetch = 0 : i64, scratch_operands = 10 : i64, tpu.core_type = #tpu.core_type<sc_vector_subcore>, window_params = [{transform_indices = #map}, {transform_indices = #map}, {transform_indices = #map}, {transform_indices = #map1}]} {
    %mul3A = arith.constant 2 : i32
    %mul3A_0 = arith.muli %arg1, %mul3A : i32
    %add3A = arith.addi %mul3A_0, %arg0 : i32
    %mul3A_1 = arith.constant 56 : i32
    %mul3A_2 = arith.muli %add3A, %mul3A_1 : i32
    %mul3A_3 = arith.constant 6400 : i32
    %mul3A_4 = arith.muli %add3A, %mul3A_3 : i32
    "tpu.region"() ({
      %run_scoped3A = tpu.sem_alloc : memref<!tpu.dma_semaphore, #tpu.memory_space<semaphore_mem>>
      %dma_start3A_22 = arith.constant 0 : i32
      %dma_start3A_23 = tpu.memref_slice %arg2[%mul3A_2, %dma_start3A_22] : memref<1792x128xi32, #tpu.memory_space<hbm>> -> memref<56x128xi32, #tpu.memory_space<hbm>>
      %dma_start3A_24 = arith.constant 0 : i32
      %dma_start3A_25 = tpu.memref_slice %arg2[%mul3A_2, %dma_start3A_24] : memref<1792x128xi32, #tpu.memory_space<hbm>> -> memref<56x128xi32, #tpu.memory_space<hbm>>
      tpu.enqueue_dma source(%dma_start3A_25 : memref<56x128xi32, #tpu.memory_space<hbm>>) target(%arg6 : memref<56x128xi32, #tpu.memory_space<vmem>>) target_semaphore(%run_scoped3A : memref<!tpu.dma_semaphore, #tpu.memory_space<semaphore_mem>>)
      %dma_wait3A = arith.constant 0 : i32
      %dma_wait3A_26 = tpu.memref_slice %arg2[%mul3A_2, %dma_wait3A] : memref<1792x128xi32, #tpu.memory_space<hbm>> -> memref<56x128xi32, #tpu.memory_space<hbm>>
      %dma_wait3A_27 = arith.constant 0 : i32
      %dma_wait3A_28 = tpu.memref_slice %arg2[%mul3A_2, %dma_wait3A_27] : memref<1792x128xi32, #tpu.memory_space<hbm>> -> memref<56x128xi32, #tpu.memory_space<hbm>>
      tpu.wait_dma2 semaphore(%run_scoped3A : memref<!tpu.dma_semaphore, #tpu.memory_space<semaphore_mem>>) src(%dma_wait3A_28 : memref<56x128xi32, #tpu.memory_space<hbm>>) dst(%arg6 : memref<56x128xi32, #tpu.memory_space<vmem>>)
      tpu.yield
    }) : () -> ()
    "tpu.region"() ({
      %run_scoped3A = tpu.sem_alloc : memref<!tpu.dma_semaphore, #tpu.memory_space<semaphore_mem>>
      tpu.enqueue_dma source(%arg4 : memref<200x128xf32, #tpu.memory_space<hbm>>) target(%arg11 : memref<200x128xf32, #tpu.memory_space<vmem>>) target_semaphore(%run_scoped3A : memref<!tpu.dma_semaphore, #tpu.memory_space<semaphore_mem>>)
      tpu.wait_dma2 semaphore(%run_scoped3A : memref<!tpu.dma_semaphore, #tpu.memory_space<semaphore_mem>>) src(%arg4 : memref<200x128xf32, #tpu.memory_space<hbm>>) dst(%arg11 : memref<200x128xf32, #tpu.memory_space<vmem>>)
      tpu.yield
    }) : () -> ()
    %dma_start3A = arith.constant 0 : i32
    %dma_start3A_5 = arith.constant 0 : i32
    %dma_start3A_6 = tpu.memref_slice %arg6[%dma_start3A, %dma_start3A_5] : memref<56x128xi32, #tpu.memory_space<vmem>> -> memref<1x128xi32, #tpu.memory_space<vmem>>
    %dma_start3A_7 = tpu.memref_squeeze %dma_start3A_6 : memref<1x128xi32, #tpu.memory_space<vmem>> -> memref<128xi32, #tpu.memory_space<vmem>>
    %dma_start3A_8 = arith.constant 0 : i32
    %dma_start3A_9 = arith.constant 0 : i32
    %dma_start3A_10 = tpu.memref_slice %arg3[%dma_start3A_8, %dma_start3A_9] : memref<1000000x128xf32, #tpu.memory_space<hbm>> -> memref<1000000x128xf32, #tpu.memory_space<hbm>>
    tpu.enqueue_indirect_dma source(%dma_start3A_10 : memref<1000000x128xf32, #tpu.memory_space<hbm>>) target(%arg7 : memref<128x128xf32, #tpu.memory_space<vmem>>) offsets(%dma_start3A_7 : memref<128xi32, #tpu.memory_space<vmem>>) semaphore(%arg12 : memref<!tpu.dma_semaphore, #tpu.memory_space<semaphore_mem>>)
    %dma_start3A_11 = arith.constant 1 : i32
    %dma_start3A_12 = arith.constant 0 : i32
    %dma_start3A_13 = tpu.memref_slice %arg6[%dma_start3A_11, %dma_start3A_12] : memref<56x128xi32, #tpu.memory_space<vmem>> -> memref<1x128xi32, #tpu.memory_space<vmem>>
    %dma_start3A_14 = tpu.memref_squeeze %dma_start3A_13 : memref<1x128xi32, #tpu.memory_space<vmem>> -> memref<128xi32, #tpu.memory_space<vmem>>
    %dma_start3A_15 = arith.constant 0 : i32
    %dma_start3A_16 = arith.constant 0 : i32
    %dma_start3A_17 = tpu.memref_slice %arg3[%dma_start3A_15, %dma_start3A_16] : memref<1000000x128xf32, #tpu.memory_space<hbm>> -> memref<1000000x128xf32, #tpu.memory_space<hbm>>
    tpu.enqueue_indirect_dma source(%dma_start3A_17 : memref<1000000x128xf32, #tpu.memory_space<hbm>>) target(%arg8 : memref<128x128xf32, #tpu.memory_space<vmem>>) offsets(%dma_start3A_14 : memref<128xi32, #tpu.memory_space<vmem>>) semaphore(%arg13 : memref<!tpu.dma_semaphore, #tpu.memory_space<semaphore_mem>>)
    %scan3A = arith.constant 0 : i32
    %scan3A_18 = arith.constant 25 : i32
    %scan3A_19 = arith.addi %scan3A, %scan3A_18 : i32
    %scan3A_20 = arith.constant 1 : i32
    scf.for %scan3A_22 = %scan3A to %scan3A_19 step %scan3A_20  : i32 {
      %mul3A_23 = arith.constant 2 : i32
      %mul3A_24 = arith.muli %scan3A_22, %mul3A_23 : i32
      %add3A_25 = arith.constant 0 : i32
      %add3A_26 = arith.addi %add3A_25, %mul3A_24 : i32
      %add3A_27 = arith.constant 0 : i32
      %add3A_28 = arith.addi %add3A_26, %add3A_27 : i32
      %dma_wait3A = arith.constant 0 : i32
      %dma_wait3A_29 = arith.constant 0 : i32
      %dma_wait3A_30 = tpu.memref_slice %arg3[%dma_wait3A, %dma_wait3A_29] : memref<1000000x128xf32, #tpu.memory_space<hbm>> -> memref<128x128xf32, #tpu.memory_space<hbm>>
      %dma_wait3A_31 = arith.constant 0 : i32
      %dma_wait3A_32 = arith.constant 0 : i32
      %dma_wait3A_33 = tpu.memref_slice %arg3[%dma_wait3A_31, %dma_wait3A_32] : memref<1000000x128xf32, #tpu.memory_space<hbm>> -> memref<128x128xf32, #tpu.memory_space<hbm>>
      tpu.wait_dma2 semaphore(%arg12 : memref<!tpu.dma_semaphore, #tpu.memory_space<semaphore_mem>>) src(%dma_wait3A_33 : memref<128x128xf32, #tpu.memory_space<hbm>>) dst(%arg7 : memref<128x128xf32, #tpu.memory_space<vmem>>)
      %mul3A_34 = arith.constant 128 : i32
      %mul3A_35 = arith.muli %add3A_28, %mul3A_34 : i32
      %rem3A = arith.constant 200 : i32
      %rem3A_36 = arith.remsi %mul3A_35, %rem3A : i32
      %parallel_loop3A = arith.constant 0 : i32
      %parallel_loop3A_37 = arith.constant 16 : i32
      %parallel_loop3A_38 = arith.constant 1 : i32
      %parallel_loop3A_39 = scf.for %parallel_loop3A_97 = %parallel_loop3A to %parallel_loop3A_37 step %parallel_loop3A_38 iter_args(%parallel_loop3A_98 = %rem3A_36) -> (i32)  : i32 {
        %parallel_loop3A_99 = arith.constant 8 : i32
        %parallel_loop3A_100 = arith.muli %parallel_loop3A_99, %parallel_loop3A_97 : i32
        %parallel_loop3A_101 = arith.constant 0 : i32
        %parallel_loop3A_102 = arith.addi %parallel_loop3A_100, %parallel_loop3A_101 : i32
        %parallel_loop3A_103 = arith.constant 0 : i32
        %parallel_loop3A_104 = arith.addi %parallel_loop3A_98, %parallel_loop3A_103 : i32
        %parallel_loop3A_105 = arith.constant 200 : i32
        %parallel_loop3A_106 = arith.cmpi sge, %parallel_loop3A_104, %parallel_loop3A_105 : i32
        %parallel_loop3A_107 = arith.constant 200 : i32
        %parallel_loop3A_108 = arith.subi %parallel_loop3A_104, %parallel_loop3A_107 : i32
        %parallel_loop3A_109 = arith.select %parallel_loop3A_106, %parallel_loop3A_108, %parallel_loop3A_104 : i32
        %parallel_loop3A_110 = arith.index_cast %parallel_loop3A_102 : i32 to index
        %parallel_loop3A_111 = arith.constant 0 : index
        %parallel_loop3A_112 = tpu.vector_load %arg7[%parallel_loop3A_110, %parallel_loop3A_111] {strides = array<i32>} : memref<128x128xf32, #tpu.memory_space<vmem>>, vector<1x16xf32>,
        %parallel_loop3A_113 = vector.shape_cast %parallel_loop3A_112 : vector<1x16xf32> to vector<16xf32>
        %parallel_loop3A_114 = arith.index_cast %parallel_loop3A_109 : i32 to index
        %parallel_loop3A_115 = arith.constant 0 : index
        %parallel_loop3A_116 = tpu.vector_load %arg11[%parallel_loop3A_114, %parallel_loop3A_115] {strides = array<i32>} : memref<200x128xf32, #tpu.memory_space<vmem>>, vector<1x16xf32>,
        %parallel_loop3A_117 = vector.shape_cast %parallel_loop3A_116 : vector<1x16xf32> to vector<16xf32>
        %parallel_loop3A_118 = arith.addf %parallel_loop3A_113, %parallel_loop3A_117 : vector<16xf32>
        %parallel_loop3A_119 = arith.index_cast %parallel_loop3A_102 : i32 to index
        %parallel_loop3A_120 = arith.constant 0 : index
        %parallel_loop3A_121 = tpu.vector_load %arg9[%parallel_loop3A_119, %parallel_loop3A_120] {strides = array<i32>} : memref<128x64xf32, #tpu.memory_space<vmem>>, vector<1x16xf32>,
        %parallel_loop3A_122 = vector.shape_cast %parallel_loop3A_121 : vector<1x16xf32> to vector<16xf32>
        %parallel_loop3A_123 = vector.shape_cast %parallel_loop3A_118 : vector<16xf32> to vector<1x16xf32>
        tpu.vector_store %arg9[%parallel_loop3A_119, %parallel_loop3A_120], %parallel_loop3A_123 {strides = array<i32>} : memref<128x64xf32, #tpu.memory_space<vmem>>, vector<1x16xf32>,
        %parallel_loop3A_124 = arith.index_cast %parallel_loop3A_102 : i32 to index
        %parallel_loop3A_125 = arith.constant 16 : index
        %parallel_loop3A_126 = tpu.vector_load %arg7[%parallel_loop3A_124, %parallel_loop3A_125] {strides = array<i32>} : memref<128x128xf32, #tpu.memory_space<vmem>>, vector<1x16xf32>,
        %parallel_loop3A_127 = vector.shape_cast %parallel_loop3A_126 : vector<1x16xf32> to vector<16xf32>
        %parallel_loop3A_128 = arith.index_cast %parallel_loop3A_109 : i32 to index
        %parallel_loop3A_129 = arith.constant 16 : index
        %parallel_loop3A_130 = tpu.vector_load %arg11[%parallel_loop3A_128, %parallel_loop3A_129] {strides = array<i32>} : memref<200x128xf32, #tpu.memory_space<vmem>>, vector<1x16xf32>,
        %parallel_loop3A_131 = vector.shape_cast %parallel_loop3A_130 : vector<1x16xf32> to vector<16xf32>
        %parallel_loop3A_132 = arith.addf %parallel_loop3A_127, %parallel_loop3A_131 : vector<16xf32>
        %parallel_loop3A_133 = arith.index_cast %parallel_loop3A_102 : i32 to index
        %parallel_loop3A_134 = arith.constant 16 : index
        %parallel_loop3A_135 = tpu.vector_load %arg9[%parallel_loop3A_133, %parallel_loop3A_134] {strides = array<i32>} : memref<128x64xf32, #tpu.memory_space<vmem>>, vector<1x16xf32>,
        %parallel_loop3A_136 = vector.shape_cast %parallel_loop3A_135 : vector<1x16xf32> to vector<16xf32>
        %parallel_loop3A_137 = vector.shape_cast %parallel_loop3A_132 : vector<16xf32> to vector<1x16xf32>
        tpu.vector_store %arg9[%parallel_loop3A_133, %parallel_loop3A_134], %parallel_loop3A_137 {strides = array<i32>} : memref<128x64xf32, #tpu.memory_space<vmem>>, vector<1x16xf32>,
        %parallel_loop3A_138 = arith.index_cast %parallel_loop3A_102 : i32 to index
        %parallel_loop3A_139 = arith.constant 32 : index
        %parallel_loop3A_140 = tpu.vector_load %arg7[%parallel_loop3A_138, %parallel_loop3A_139] {strides = array<i32>} : memref<128x128xf32, #tpu.memory_space<vmem>>, vector<1x16xf32>,
        %parallel_loop3A_141 = vector.shape_cast %parallel_loop3A_140 : vector<1x16xf32> to vector<16xf32>
        %parallel_loop3A_142 = arith.index_cast %parallel_loop3A_109 : i32 to index
        %parallel_loop3A_143 = arith.constant 32 : index
        %parallel_loop3A_144 = tpu.vector_load %arg11[%parallel_loop3A_142, %parallel_loop3A_143] {strides = array<i32>} : memref<200x128xf32, #tpu.memory_space<vmem>>, vector<1x16xf32>,
        %parallel_loop3A_145 = vector.shape_cast %parallel_loop3A_144 : vector<1x16xf32> to vector<16xf32>
        %parallel_loop3A_146 = arith.addf %parallel_loop3A_141, %parallel_loop3A_145 : vector<16xf32>
        %parallel_loop3A_147 = arith.index_cast %parallel_loop3A_102 : i32 to index
        %parallel_loop3A_148 = arith.constant 32 : index
        %parallel_loop3A_149 = tpu.vector_load %arg9[%parallel_loop3A_147, %parallel_loop3A_148] {strides = array<i32>} : memref<128x64xf32, #tpu.memory_space<vmem>>, vector<1x16xf32>,
        %parallel_loop3A_150 = vector.shape_cast %parallel_loop3A_149 : vector<1x16xf32> to vector<16xf32>
        %parallel_loop3A_151 = vector.shape_cast %parallel_loop3A_146 : vector<16xf32> to vector<1x16xf32>
        tpu.vector_store %arg9[%parallel_loop3A_147, %parallel_loop3A_148], %parallel_loop3A_151 {strides = array<i32>} : memref<128x64xf32, #tpu.memory_space<vmem>>, vector<1x16xf32>,
        %parallel_loop3A_152 = arith.index_cast %parallel_loop3A_102 : i32 to index
        %parallel_loop3A_153 = arith.constant 48 : index
        %parallel_loop3A_154 = tpu.vector_load %arg7[%parallel_loop3A_152, %parallel_loop3A_153] {strides = array<i32>} : memref<128x128xf32, #tpu.memory_space<vmem>>, vector<1x16xf32>,
        %parallel_loop3A_155 = vector.shape_cast %parallel_loop3A_154 : vector<1x16xf32> to vector<16xf32>
        %parallel_loop3A_156 = arith.index_cast %parallel_loop3A_109 : i32 to index
        %parallel_loop3A_157 = arith.constant 48 : index
        %parallel_loop3A_158 = tpu.vector_load %arg11[%parallel_loop3A_156, %parallel_loop3A_157] {strides = array<i32>} : memref<200x128xf32, #tpu.memory_space<vmem>>, vector<1x16xf32>,
        %parallel_loop3A_159 = vector.shape_cast %parallel_loop3A_158 : vector<1x16xf32> to vector<16xf32>
        %parallel_loop3A_160 = arith.addf %parallel_loop3A_155, %parallel_loop3A_159 : vector<16xf32>
        %parallel_loop3A_161 = arith.index_cast %parallel_loop3A_102 : i32 to index
        %parallel_loop3A_162 = arith.constant 48 : index
        %parallel_loop3A_163 = tpu.vector_load %arg9[%parallel_loop3A_161, %parallel_loop3A_162] {strides = array<i32>} : memref<128x64xf32, #tpu.memory_space<vmem>>, vector<1x16xf32>,
        %parallel_loop3A_164 = vector.shape_cast %parallel_loop3A_163 : vector<1x16xf32> to vector<16xf32>
        %parallel_loop3A_165 = vector.shape_cast %parallel_loop3A_160 : vector<16xf32> to vector<1x16xf32>
        tpu.vector_store %arg9[%parallel_loop3A_161, %parallel_loop3A_162], %parallel_loop3A_165 {strides = array<i32>} : memref<128x64xf32, #tpu.memory_space<vmem>>, vector<1x16xf32>,
        %parallel_loop3A_166 = arith.constant 8 : i32
        %parallel_loop3A_167 = arith.muli %parallel_loop3A_166, %parallel_loop3A_97 : i32
        %parallel_loop3A_168 = arith.constant 1 : i32
        %parallel_loop3A_169 = arith.addi %parallel_loop3A_167, %parallel_loop3A_168 : i32
        %parallel_loop3A_170 = arith.constant 1 : i32
        %parallel_loop3A_171 = arith.addi %parallel_loop3A_98, %parallel_loop3A_170 : i32
        %parallel_loop3A_172 = arith.constant 200 : i32
        %parallel_loop3A_173 = arith.cmpi sge, %parallel_loop3A_171, %parallel_loop3A_172 : i32
        %parallel_loop3A_174 = arith.constant 200 : i32
        %parallel_loop3A_175 = arith.subi %parallel_loop3A_171, %parallel_loop3A_174 : i32
        %parallel_loop3A_176 = arith.select %parallel_loop3A_173, %parallel_loop3A_175, %parallel_loop3A_171 : i32
        %parallel_loop3A_177 = arith.index_cast %parallel_loop3A_169 : i32 to index
        %parallel_loop3A_178 = arith.constant 0 : index
        %parallel_loop3A_179 = tpu.vector_load %arg7[%parallel_loop3A_177, %parallel_loop3A_178] {strides = array<i32>} : memref<128x128xf32, #tpu.memory_space<vmem>>, vector<1x16xf32>,
        %parallel_loop3A_180 = vector.shape_cast %parallel_loop3A_179 : vector<1x16xf32> to vector<16xf32>
        %parallel_loop3A_181 = arith.index_cast %parallel_loop3A_176 : i32 to index
        %parallel_loop3A_182 = arith.constant 0 : index
        %parallel_loop3A_183 = tpu.vector_load %arg11[%parallel_loop3A_181, %parallel_loop3A_182] {strides = array<i32>} : memref<200x128xf32, #tpu.memory_space<vmem>>, vector<1x16xf32>,
        %parallel_loop3A_184 = vector.shape_cast %parallel_loop3A_183 : vector<1x16xf32> to vector<16xf32>
        %parallel_loop3A_185 = arith.addf %parallel_loop3A_180, %parallel_loop3A_184 : vector<16xf32>
        %parallel_loop3A_186 = arith.index_cast %parallel_loop3A_169 : i32 to index
        %parallel_loop3A_187 = arith.constant 0 : index
        %parallel_loop3A_188 = tpu.vector_load %arg9[%parallel_loop3A_186, %parallel_loop3A_187] {strides = array<i32>} : memref<128x64xf32, #tpu.memory_space<vmem>>, vector<1x16xf32>,
        %parallel_loop3A_189 = vector.shape_cast %parallel_loop3A_188 : vector<1x16xf32> to vector<16xf32>
        %parallel_loop3A_190 = vector.shape_cast %parallel_loop3A_185 : vector<16xf32> to vector<1x16xf32>
        tpu.vector_store %arg9[%parallel_loop3A_186, %parallel_loop3A_187], %parallel_loop3A_190 {strides = array<i32>} : memref<128x64xf32, #tpu.memory_space<vmem>>, vector<1x16xf32>,
        %parallel_loop3A_191 = arith.index_cast %parallel_loop3A_169 : i32 to index
        %parallel_loop3A_192 = arith.constant 16 : index
        %parallel_loop3A_193 = tpu.vector_load %arg7[%parallel_loop3A_191, %parallel_loop3A_192] {strides = array<i32>} : memref<128x128xf32, #tpu.memory_space<vmem>>, vector<1x16xf32>,
        %parallel_loop3A_194 = vector.shape_cast %parallel_loop3A_193 : vector<1x16xf32> to vector<16xf32>
        %parallel_loop3A_195 = arith.index_cast %parallel_loop3A_176 : i32 to index
        %parallel_loop3A_196 = arith.constant 16 : index
        %parallel_loop3A_197 = tpu.vector_load %arg11[%parallel_loop3A_195, %parallel_loop3A_196] {strides = array<i32>} : memref<200x128xf32, #tpu.memory_space<vmem>>, vector<1x16xf32>,
        %parallel_loop3A_198 = vector.shape_cast %parallel_loop3A_197 : vector<1x16xf32> to vector<16xf32>
        %parallel_loop3A_199 = arith.addf %parallel_loop3A_194, %parallel_loop3A_198 : vector<16xf32>
        %parallel_loop3A_200 = arith.index_cast %parallel_loop3A_169 : i32 to index
        %parallel_loop3A_201 = arith.constant 16 : index
        %parallel_loop3A_202 = tpu.vector_load %arg9[%parallel_loop3A_200, %parallel_loop3A_201] {strides = array<i32>} : memref<128x64xf32, #tpu.memory_space<vmem>>, vector<1x16xf32>,
        %parallel_loop3A_203 = vector.shape_cast %parallel_loop3A_202 : vector<1x16xf32> to vector<16xf32>
        %parallel_loop3A_204 = vector.shape_cast %parallel_loop3A_199 : vector<16xf32> to vector<1x16xf32>
        tpu.vector_store %arg9[%parallel_loop3A_200, %parallel_loop3A_201], %parallel_loop3A_204 {strides = array<i32>} : memref<128x64xf32, #tpu.memory_space<vmem>>, vector<1x16xf32>,
        %parallel_loop3A_205 = arith.index_cast %parallel_loop3A_169 : i32 to index
        %parallel_loop3A_206 = arith.constant 32 : index
        %parallel_loop3A_207 = tpu.vector_load %arg7[%parallel_loop3A_205, %parallel_loop3A_206] {strides = array<i32>} : memref<128x128xf32, #tpu.memory_space<vmem>>, vector<1x16xf32>,
        %parallel_loop3A_208 = vector.shape_cast %parallel_loop3A_207 : vector<1x16xf32> to vector<16xf32>
        %parallel_loop3A_209 = arith.index_cast %parallel_loop3A_176 : i32 to index
        %parallel_loop3A_210 = arith.constant 32 : index
        %parallel_loop3A_211 = tpu.vector_load %arg11[%parallel_loop3A_209, %parallel_loop3A_210] {strides = array<i32>} : memref<200x128xf32, #tpu.memory_space<vmem>>, vector<1x16xf32>,
        %parallel_loop3A_212 = vector.shape_cast %parallel_loop3A_211 : vector<1x16xf32> to vector<16xf32>
        %parallel_loop3A_213 = arith.addf %parallel_loop3A_208, %parallel_loop3A_212 : vector<16xf32>
        %parallel_loop3A_214 = arith.index_cast %parallel_loop3A_169 : i32 to index
        %parallel_loop3A_215 = arith.constant 32 : index
        %parallel_loop3A_216 = tpu.vector_load %arg9[%parallel_loop3A_214, %parallel_loop3A_215] {strides = array<i32>} : memref<128x64xf32, #tpu.memory_space<vmem>>, vector<1x16xf32>,
        %parallel_loop3A_217 = vector.shape_cast %parallel_loop3A_216 : vector<1x16xf32> to vector<16xf32>
        %parallel_loop3A_218 = vector.shape_cast %parallel_loop3A_213 : vector<16xf32> to vector<1x16xf32>
        tpu.vector_store %arg9[%parallel_loop3A_214, %parallel_loop3A_215], %parallel_loop3A_218 {strides = array<i32>} : memref<128x64xf32, #tpu.memory_space<vmem>>, vector<1x16xf32>,
        %parallel_loop3A_219 = arith.index_cast %parallel_loop3A_169 : i32 to index
        %parallel_loop3A_220 = arith.constant 48 : index
        %parallel_loop3A_221 = tpu.vector_load %arg7[%parallel_loop3A_219, %parallel_loop3A_220] {strides = array<i32>} : memref<128x128xf32, #tpu.memory_space<vmem>>, vector<1x16xf32>,
        %parallel_loop3A_222 = vector.shape_cast %parallel_loop3A_221 : vector<1x16xf32> to vector<16xf32>
        %parallel_loop3A_223 = arith.index_cast %parallel_loop3A_176 : i32 to index
        %parallel_loop3A_224 = arith.constant 48 : index
        %parallel_loop3A_225 = tpu.vector_load %arg11[%parallel_loop3A_223, %parallel_loop3A_224] {strides = array<i32>} : memref<200x128xf32, #tpu.memory_space<vmem>>, vector<1x16xf32>,
        %parallel_loop3A_226 = vector.shape_cast %parallel_loop3A_225 : vector<1x16xf32> to vector<16xf32>
        %parallel_loop3A_227 = arith.addf %parallel_loop3A_222, %parallel_loop3A_226 : vector<16xf32>
        %parallel_loop3A_228 = arith.index_cast %parallel_loop3A_169 : i32 to index
        %parallel_loop3A_229 = arith.constant 48 : index
        %parallel_loop3A_230 = tpu.vector_load %arg9[%parallel_loop3A_228, %parallel_loop3A_229] {strides = array<i32>} : memref<128x64xf32, #tpu.memory_space<vmem>>, vector<1x16xf32>,
        %parallel_loop3A_231 = vector.shape_cast %parallel_loop3A_230 : vector<1x16xf32> to vector<16xf32>
        %parallel_loop3A_232 = vector.shape_cast %parallel_loop3A_227 : vector<16xf32> to vector<1x16xf32>
        tpu.vector_store %arg9[%parallel_loop3A_228, %parallel_loop3A_229], %parallel_loop3A_232 {strides = array<i32>} : memref<128x64xf32, #tpu.memory_space<vmem>>, vector<1x16xf32>,
        %parallel_loop3A_233 = arith.constant 8 : i32
        %parallel_loop3A_234 = arith.muli %parallel_loop3A_233, %parallel_loop3A_97 : i32
        %parallel_loop3A_235 = arith.constant 2 : i32
        %parallel_loop3A_236 = arith.addi %parallel_loop3A_234, %parallel_loop3A_235 : i32
        %parallel_loop3A_237 = arith.constant 2 : i32
        %parallel_loop3A_238 = arith.addi %parallel_loop3A_98, %parallel_loop3A_237 : i32
        %parallel_loop3A_239 = arith.constant 200 : i32
        %parallel_loop3A_240 = arith.cmpi sge, %parallel_loop3A_238, %parallel_loop3A_239 : i32
        %parallel_loop3A_241 = arith.constant 200 : i32
        %parallel_loop3A_242 = arith.subi %parallel_loop3A_238, %parallel_loop3A_241 : i32
        %parallel_loop3A_243 = arith.select %parallel_loop3A_240, %parallel_loop3A_242, %parallel_loop3A_238 : i32
        %parallel_loop3A_244 = arith.index_cast %parallel_loop3A_236 : i32 to index
        %parallel_loop3A_245 = arith.constant 0 : index
        %parallel_loop3A_246 = tpu.vector_load %arg7[%parallel_loop3A_244, %parallel_loop3A_245] {strides = array<i32>} : memref<128x128xf32, #tpu.memory_space<vmem>>, vector<1x16xf32>,
        %parallel_loop3A_247 = vector.shape_cast %parallel_loop3A_246 : vector<1x16xf32> to vector<16xf32>
        %parallel_loop3A_248 = arith.index_cast %parallel_loop3A_243 : i32 to index
        %parallel_loop3A_249 = arith.constant 0 : index
        %parallel_loop3A_250 = tpu.vector_load %arg11[%parallel_loop3A_248, %parallel_loop3A_249] {strides = array<i32>} : memref<200x128xf32, #tpu.memory_space<vmem>>, vector<1x16xf32>,
        %parallel_loop3A_251 = vector.shape_cast %parallel_loop3A_250 : vector<1x16xf32> to vector<16xf32>
        %parallel_loop3A_252 = arith.addf %parallel_loop3A_247, %parallel_loop3A_251 : vector<16xf32>
        %parallel_loop3A_253 = arith.index_cast %parallel_loop3A_236 : i32 to index
        %parallel_loop3A_254 = arith.constant 0 : index
        %parallel_loop3A_255 = tpu.vector_load %arg9[%parallel_loop3A_253, %parallel_loop3A_254] {strides = array<i32>} : memref<128x64xf32, #tpu.memory_space<vmem>>, vector<1x16xf32>,
        %parallel_loop3A_256 = vector.shape_cast %parallel_loop3A_255 : vector<1x16xf32> to vector<16xf32>
        %parallel_loop3A_257 = vector.shape_cast %parallel_loop3A_252 : vector<16xf32> to vector<1x16xf32>
        tpu.vector_store %arg9[%parallel_loop3A_253, %parallel_loop3A_254], %parallel_loop3A_257 {strides = array<i32>} : memref<128x64xf32, #tpu.memory_space<vmem>>, vector<1x16xf32>,
        %parallel_loop3A_258 = arith.index_cast %parallel_loop3A_236 : i32 to index
        %parallel_loop3A_259 = arith.constant 16 : index
        %parallel_loop3A_260 = tpu.vector_load %arg7[%parallel_loop3A_258, %parallel_loop3A_259] {strides = array<i32>} : memref<128x128xf32, #tpu.memory_space<vmem>>, vector<1x16xf32>,
        %parallel_loop3A_261 = vector.shape_cast %parallel_loop3A_260 : vector<1x16xf32> to vector<16xf32>
        %parallel_loop3A_262 = arith.index_cast %parallel_loop3A_243 : i32 to index
        %parallel_loop3A_263 = arith.constant 16 : index
        %parallel_loop3A_264 = tpu.vector_load %arg11[%parallel_loop3A_262, %parallel_loop3A_263] {strides = array<i32>} : memref<200x128xf32, #tpu.memory_space<vmem>>, vector<1x16xf32>,
        %parallel_loop3A_265 = vector.shape_cast %parallel_loop3A_264 : vector<1x16xf32> to vector<16xf32>
        %parallel_loop3A_266 = arith.addf %parallel_loop3A_261, %parallel_loop3A_265 : vector<16xf32>
        %parallel_loop3A_267 = arith.index_cast %parallel_loop3A_236 : i32 to index
        %parallel_loop3A_268 = arith.constant 16 : index
        %parallel_loop3A_269 = tpu.vector_load %arg9[%parallel_loop3A_267, %parallel_loop3A_268] {strides = array<i32>} : memref<128x64xf32, #tpu.memory_space<vmem>>, vector<1x16xf32>,
        %parallel_loop3A_270 = vector.shape_cast %parallel_loop3A_269 : vector<1x16xf32> to vector<16xf32>
        %parallel_loop3A_271 = vector.shape_cast %parallel_loop3A_266 : vector<16xf32> to vector<1x16xf32>
        tpu.vector_store %arg9[%parallel_loop3A_267, %parallel_loop3A_268], %parallel_loop3A_271 {strides = array<i32>} : memref<128x64xf32, #tpu.memory_space<vmem>>, vector<1x16xf32>,
        %parallel_loop3A_272 = arith.index_cast %parallel_loop3A_236 : i32 to index
        %parallel_loop3A_273 = arith.constant 32 : index
        %parallel_loop3A_274 = tpu.vector_load %arg7[%parallel_loop3A_272, %parallel_loop3A_273] {strides = array<i32>} : memref<128x128xf32, #tpu.memory_space<vmem>>, vector<1x16xf32>,
        %parallel_loop3A_275 = vector.shape_cast %parallel_loop3A_274 : vector<1x16xf32> to vector<16xf32>
        %parallel_loop3A_276 = arith.index_cast %parallel_loop3A_243 : i32 to index
        %parallel_loop3A_277 = arith.constant 32 : index
        %parallel_loop3A_278 = tpu.vector_load %arg11[%parallel_loop3A_276, %parallel_loop3A_277] {strides = array<i32>} : memref<200x128xf32, #tpu.memory_space<vmem>>, vector<1x16xf32>,
        %parallel_loop3A_279 = vector.shape_cast %parallel_loop3A_278 : vector<1x16xf32> to vector<16xf32>
        %parallel_loop3A_280 = arith.addf %parallel_loop3A_275, %parallel_loop3A_279 : vector<16xf32>
        %parallel_loop3A_281 = arith.index_cast %parallel_loop3A_236 : i32 to index
        %parallel_loop3A_282 = arith.constant 32 : index
        %parallel_loop3A_283 = tpu.vector_load %arg9[%parallel_loop3A_281, %parallel_loop3A_282] {strides = array<i32>} : memref<128x64xf32, #tpu.memory_space<vmem>>, vector<1x16xf32>,
        %parallel_loop3A_284 = vector.shape_cast %parallel_loop3A_283 : vector<1x16xf32> to vector<16xf32>
        %parallel_loop3A_285 = vector.shape_cast %parallel_loop3A_280 : vector<16xf32> to vector<1x16xf32>
        tpu.vector_store %arg9[%parallel_loop3A_281, %parallel_loop3A_282], %parallel_loop3A_285 {strides = array<i32>} : memref<128x64xf32, #tpu.memory_space<vmem>>, vector<1x16xf32>,
        %parallel_loop3A_286 = arith.index_cast %parallel_loop3A_236 : i32 to index
        %parallel_loop3A_287 = arith.constant 48 : index
        %parallel_loop3A_288 = tpu.vector_load %arg7[%parallel_loop3A_286, %parallel_loop3A_287] {strides = array<i32>} : memref<128x128xf32, #tpu.memory_space<vmem>>, vector<1x16xf32>,
        %parallel_loop3A_289 = vector.shape_cast %parallel_loop3A_288 : vector<1x16xf32> to vector<16xf32>
        %parallel_loop3A_290 = arith.index_cast %parallel_loop3A_243 : i32 to index
        %parallel_loop3A_291 = arith.constant 48 : index
        %parallel_loop3A_292 = tpu.vector_load %arg11[%parallel_loop3A_290, %parallel_loop3A_291] {strides = array<i32>} : memref<200x128xf32, #tpu.memory_space<vmem>>, vector<1x16xf32>,
        %parallel_loop3A_293 = vector.shape_cast %parallel_loop3A_292 : vector<1x16xf32> to vector<16xf32>
        %parallel_loop3A_294 = arith.addf %parallel_loop3A_289, %parallel_loop3A_293 : vector<16xf32>
        %parallel_loop3A_295 = arith.index_cast %parallel_loop3A_236 : i32 to index
        %parallel_loop3A_296 = arith.constant 48 : index
        %parallel_loop3A_297 = tpu.vector_load %arg9[%parallel_loop3A_295, %parallel_loop3A_296] {strides = array<i32>} : memref<128x64xf32, #tpu.memory_space<vmem>>, vector<1x16xf32>,
        %parallel_loop3A_298 = vector.shape_cast %parallel_loop3A_297 : vector<1x16xf32> to vector<16xf32>
        %parallel_loop3A_299 = vector.shape_cast %parallel_loop3A_294 : vector<16xf32> to vector<1x16xf32>
        tpu.vector_store %arg9[%parallel_loop3A_295, %parallel_loop3A_296], %parallel_loop3A_299 {strides = array<i32>} : memref<128x64xf32, #tpu.memory_space<vmem>>, vector<1x16xf32>,
        %parallel_loop3A_300 = arith.constant 8 : i32
        %parallel_loop3A_301 = arith.muli %parallel_loop3A_300, %parallel_loop3A_97 : i32
        %parallel_loop3A_302 = arith.constant 3 : i32
        %parallel_loop3A_303 = arith.addi %parallel_loop3A_301, %parallel_loop3A_302 : i32
        %parallel_loop3A_304 = arith.constant 3 : i32
        %parallel_loop3A_305 = arith.addi %parallel_loop3A_98, %parallel_loop3A_304 : i32
        %parallel_loop3A_306 = arith.constant 200 : i32
        %parallel_loop3A_307 = arith.cmpi sge, %parallel_loop3A_305, %parallel_loop3A_306 : i32
        %parallel_loop3A_308 = arith.constant 200 : i32
        %parallel_loop3A_309 = arith.subi %parallel_loop3A_305, %parallel_loop3A_308 : i32
        %parallel_loop3A_310 = arith.select %parallel_loop3A_307, %parallel_loop3A_309, %parallel_loop3A_305 : i32
        %parallel_loop3A_311 = arith.index_cast %parallel_loop3A_303 : i32 to index
        %parallel_loop3A_312 = arith.constant 0 : index
        %parallel_loop3A_313 = tpu.vector_load %arg7[%parallel_loop3A_311, %parallel_loop3A_312] {strides = array<i32>} : memref<128x128xf32, #tpu.memory_space<vmem>>, vector<1x16xf32>,
        %parallel_loop3A_314 = vector.shape_cast %parallel_loop3A_313 : vector<1x16xf32> to vector<16xf32>
        %parallel_loop3A_315 = arith.index_cast %parallel_loop3A_310 : i32 to index
        %parallel_loop3A_316 = arith.constant 0 : index
        %parallel_loop3A_317 = tpu.vector_load %arg11[%parallel_loop3A_315, %parallel_loop3A_316] {strides = array<i32>} : memref<200x128xf32, #tpu.memory_space<vmem>>, vector<1x16xf32>,
        %parallel_loop3A_318 = vector.shape_cast %parallel_loop3A_317 : vector<1x16xf32> to vector<16xf32>
        %parallel_loop3A_319 = arith.addf %parallel_loop3A_314, %parallel_loop3A_318 : vector<16xf32>
        %parallel_loop3A_320 = arith.index_cast %parallel_loop3A_303 : i32 to index
        %parallel_loop3A_321 = arith.constant 0 : index
        %parallel_loop3A_322 = tpu.vector_load %arg9[%parallel_loop3A_320, %parallel_loop3A_321] {strides = array<i32>} : memref<128x64xf32, #tpu.memory_space<vmem>>, vector<1x16xf32>,
        %parallel_loop3A_323 = vector.shape_cast %parallel_loop3A_322 : vector<1x16xf32> to vector<16xf32>
        %parallel_loop3A_324 = vector.shape_cast %parallel_loop3A_319 : vector<16xf32> to vector<1x16xf32>
        tpu.vector_store %arg9[%parallel_loop3A_320, %parallel_loop3A_321], %parallel_loop3A_324 {strides = array<i32>} : memref<128x64xf32, #tpu.memory_space<vmem>>, vector<1x16xf32>,
        %parallel_loop3A_325 = arith.index_cast %parallel_loop3A_303 : i32 to index
        %parallel_loop3A_326 = arith.constant 16 : index
        %parallel_loop3A_327 = tpu.vector_load %arg7[%parallel_loop3A_325, %parallel_loop3A_326] {strides = array<i32>} : memref<128x128xf32, #tpu.memory_space<vmem>>, vector<1x16xf32>,
        %parallel_loop3A_328 = vector.shape_cast %parallel_loop3A_327 : vector<1x16xf32> to vector<16xf32>
        %parallel_loop3A_329 = arith.index_cast %parallel_loop3A_310 : i32 to index
        %parallel_loop3A_330 = arith.constant 16 : index
        %parallel_loop3A_331 = tpu.vector_load %arg11[%parallel_loop3A_329, %parallel_loop3A_330] {strides = array<i32>} : memref<200x128xf32, #tpu.memory_space<vmem>>, vector<1x16xf32>,
        %parallel_loop3A_332 = vector.shape_cast %parallel_loop3A_331 : vector<1x16xf32> to vector<16xf32>
        %parallel_loop3A_333 = arith.addf %parallel_loop3A_328, %parallel_loop3A_332 : vector<16xf32>
        %parallel_loop3A_334 = arith.index_cast %parallel_loop3A_303 : i32 to index
        %parallel_loop3A_335 = arith.constant 16 : index
        %parallel_loop3A_336 = tpu.vector_load %arg9[%parallel_loop3A_334, %parallel_loop3A_335] {strides = array<i32>} : memref<128x64xf32, #tpu.memory_space<vmem>>, vector<1x16xf32>,
        %parallel_loop3A_337 = vector.shape_cast %parallel_loop3A_336 : vector<1x16xf32> to vector<16xf32>
        %parallel_loop3A_338 = vector.shape_cast %parallel_loop3A_333 : vector<16xf32> to vector<1x16xf32>
        tpu.vector_store %arg9[%parallel_loop3A_334, %parallel_loop3A_335], %parallel_loop3A_338 {strides = array<i32>} : memref<128x64xf32, #tpu.memory_space<vmem>>, vector<1x16xf32>,
        %parallel_loop3A_339 = arith.index_cast %parallel_loop3A_303 : i32 to index
        %parallel_loop3A_340 = arith.constant 32 : index
        %parallel_loop3A_341 = tpu.vector_load %arg7[%parallel_loop3A_339, %parallel_loop3A_340] {strides = array<i32>} : memref<128x128xf32, #tpu.memory_space<vmem>>, vector<1x16xf32>,
        %parallel_loop3A_342 = vector.shape_cast %parallel_loop3A_341 : vector<1x16xf32> to vector<16xf32>
        %parallel_loop3A_343 = arith.index_cast %parallel_loop3A_310 : i32 to index
        %parallel_loop3A_344 = arith.constant 32 : index
        %parallel_loop3A_345 = tpu.vector_load %arg11[%parallel_loop3A_343, %parallel_loop3A_344] {strides = array<i32>} : memref<200x128xf32, #tpu.memory_space<vmem>>, vector<1x16xf32>,
        %parallel_loop3A_346 = vector.shape_cast %parallel_loop3A_345 : vector<1x16xf32> to vector<16xf32>
        %parallel_loop3A_347 = arith.addf %parallel_loop3A_342, %parallel_loop3A_346 : vector<16xf32>
        %parallel_loop3A_348 = arith.index_cast %parallel_loop3A_303 : i32 to index
        %parallel_loop3A_349 = arith.constant 32 : index
        %parallel_loop3A_350 = tpu.vector_load %arg9[%parallel_loop3A_348, %parallel_loop3A_349] {strides = array<i32>} : memref<128x64xf32, #tpu.memory_space<vmem>>, vector<1x16xf32>,
        %parallel_loop3A_351 = vector.shape_cast %parallel_loop3A_350 : vector<1x16xf32> to vector<16xf32>
        %parallel_loop3A_352 = vector.shape_cast %parallel_loop3A_347 : vector<16xf32> to vector<1x16xf32>
        tpu.vector_store %arg9[%parallel_loop3A_348, %parallel_loop3A_349], %parallel_loop3A_352 {strides = array<i32>} : memref<128x64xf32, #tpu.memory_space<vmem>>, vector<1x16xf32>,
        %parallel_loop3A_353 = arith.index_cast %parallel_loop3A_303 : i32 to index
        %parallel_loop3A_354 = arith.constant 48 : index
        %parallel_loop3A_355 = tpu.vector_load %arg7[%parallel_loop3A_353, %parallel_loop3A_354] {strides = array<i32>} : memref<128x128xf32, #tpu.memory_space<vmem>>, vector<1x16xf32>,
        %parallel_loop3A_356 = vector.shape_cast %parallel_loop3A_355 : vector<1x16xf32> to vector<16xf32>
        %parallel_loop3A_357 = arith.index_cast %parallel_loop3A_310 : i32 to index
        %parallel_loop3A_358 = arith.constant 48 : index
        %parallel_loop3A_359 = tpu.vector_load %arg11[%parallel_loop3A_357, %parallel_loop3A_358] {strides = array<i32>} : memref<200x128xf32, #tpu.memory_space<vmem>>, vector<1x16xf32>,
        %parallel_loop3A_360 = vector.shape_cast %parallel_loop3A_359 : vector<1x16xf32> to vector<16xf32>
        %parallel_loop3A_361 = arith.addf %parallel_loop3A_356, %parallel_loop3A_360 : vector<16xf32>
        %parallel_loop3A_362 = arith.index_cast %parallel_loop3A_303 : i32 to index
        %parallel_loop3A_363 = arith.constant 48 : index
        %parallel_loop3A_364 = tpu.vector_load %arg9[%parallel_loop3A_362, %parallel_loop3A_363] {strides = array<i32>} : memref<128x64xf32, #tpu.memory_space<vmem>>, vector<1x16xf32>,
        %parallel_loop3A_365 = vector.shape_cast %parallel_loop3A_364 : vector<1x16xf32> to vector<16xf32>
        %parallel_loop3A_366 = vector.shape_cast %parallel_loop3A_361 : vector<16xf32> to vector<1x16xf32>
        tpu.vector_store %arg9[%parallel_loop3A_362, %parallel_loop3A_363], %parallel_loop3A_366 {strides = array<i32>} : memref<128x64xf32, #tpu.memory_space<vmem>>, vector<1x16xf32>,
        %parallel_loop3A_367 = arith.constant 8 : i32
        %parallel_loop3A_368 = arith.muli %parallel_loop3A_367, %parallel_loop3A_97 : i32
        %parallel_loop3A_369 = arith.constant 4 : i32
        %parallel_loop3A_370 = arith.addi %parallel_loop3A_368, %parallel_loop3A_369 : i32
        %parallel_loop3A_371 = arith.constant 4 : i32
        %parallel_loop3A_372 = arith.addi %parallel_loop3A_98, %parallel_loop3A_371 : i32
        %parallel_loop3A_373 = arith.constant 200 : i32
        %parallel_loop3A_374 = arith.cmpi sge, %parallel_loop3A_372, %parallel_loop3A_373 : i32
        %parallel_loop3A_375 = arith.constant 200 : i32
        %parallel_loop3A_376 = arith.subi %parallel_loop3A_372, %parallel_loop3A_375 : i32
        %parallel_loop3A_377 = arith.select %parallel_loop3A_374, %parallel_loop3A_376, %parallel_loop3A_372 : i32
        %parallel_loop3A_378 = arith.index_cast %parallel_loop3A_370 : i32 to index
        %parallel_loop3A_379 = arith.constant 0 : index
        %parallel_loop3A_380 = tpu.vector_load %arg7[%parallel_loop3A_378, %parallel_loop3A_379] {strides = array<i32>} : memref<128x128xf32, #tpu.memory_space<vmem>>, vector<1x16xf32>,
        %parallel_loop3A_381 = vector.shape_cast %parallel_loop3A_380 : vector<1x16xf32> to vector<16xf32>
        %parallel_loop3A_382 = arith.index_cast %parallel_loop3A_377 : i32 to index
        %parallel_loop3A_383 = arith.constant 0 : index
        %parallel_loop3A_384 = tpu.vector_load %arg11[%parallel_loop3A_382, %parallel_loop3A_383] {strides = array<i32>} : memref<200x128xf32, #tpu.memory_space<vmem>>, vector<1x16xf32>,
        %parallel_loop3A_385 = vector.shape_cast %parallel_loop3A_384 : vector<1x16xf32> to vector<16xf32>
        %parallel_loop3A_386 = arith.addf %parallel_loop3A_381, %parallel_loop3A_385 : vector<16xf32>
        %parallel_loop3A_387 = arith.index_cast %parallel_loop3A_370 : i32 to index
        %parallel_loop3A_388 = arith.constant 0 : index
        %parallel_loop3A_389 = tpu.vector_load %arg9[%parallel_loop3A_387, %parallel_loop3A_388] {strides = array<i32>} : memref<128x64xf32, #tpu.memory_space<vmem>>, vector<1x16xf32>,
        %parallel_loop3A_390 = vector.shape_cast %parallel_loop3A_389 : vector<1x16xf32> to vector<16xf32>
        %parallel_loop3A_391 = vector.shape_cast %parallel_loop3A_386 : vector<16xf32> to vector<1x16xf32>
        tpu.vector_store %arg9[%parallel_loop3A_387, %parallel_loop3A_388], %parallel_loop3A_391 {strides = array<i32>} : memref<128x64xf32, #tpu.memory_space<vmem>>, vector<1x16xf32>,
        %parallel_loop3A_392 = arith.index_cast %parallel_loop3A_370 : i32 to index
        %parallel_loop3A_393 = arith.constant 16 : index
        %parallel_loop3A_394 = tpu.vector_load %arg7[%parallel_loop3A_392, %parallel_loop3A_393] {strides = array<i32>} : memref<128x128xf32, #tpu.memory_space<vmem>>, vector<1x16xf32>,
        %parallel_loop3A_395 = vector.shape_cast %parallel_loop3A_394 : vector<1x16xf32> to vector<16xf32>
        %parallel_loop3A_396 = arith.index_cast %parallel_loop3A_377 : i32 to index
        %parallel_loop3A_397 = arith.constant 16 : index
        %parallel_loop3A_398 = tpu.vector_load %arg11[%parallel_loop3A_396, %parallel_loop3A_397] {strides = array<i32>} : memref<200x128xf32, #tpu.memory_space<vmem>>, vector<1x16xf32>,
        %parallel_loop3A_399 = vector.shape_cast %parallel_loop3A_398 : vector<1x16xf32> to vector<16xf32>
        %parallel_loop3A_400 = arith.addf %parallel_loop3A_395, %parallel_loop3A_399 : vector<16xf32>
        %parallel_loop3A_401 = arith.index_cast %parallel_loop3A_370 : i32 to index
        %parallel_loop3A_402 = arith.constant 16 : index
        %parallel_loop3A_403 = tpu.vector_load %arg9[%parallel_loop3A_401, %parallel_loop3A_402] {strides = array<i32>} : memref<128x64xf32, #tpu.memory_space<vmem>>, vector<1x16xf32>,
        %parallel_loop3A_404 = vector.shape_cast %parallel_loop3A_403 : vector<1x16xf32> to vector<16xf32>
        %parallel_loop3A_405 = vector.shape_cast %parallel_loop3A_400 : vector<16xf32> to vector<1x16xf32>
        tpu.vector_store %arg9[%parallel_loop3A_401, %parallel_loop3A_402], %parallel_loop3A_405 {strides = array<i32>} : memref<128x64xf32, #tpu.memory_space<vmem>>, vector<1x16xf32>,
        %parallel_loop3A_406 = arith.index_cast %parallel_loop3A_370 : i32 to index
        %parallel_loop3A_407 = arith.constant 32 : index
        %parallel_loop3A_408 = tpu.vector_load %arg7[%parallel_loop3A_406, %parallel_loop3A_407] {strides = array<i32>} : memref<128x128xf32, #tpu.memory_space<vmem>>, vector<1x16xf32>,
        %parallel_loop3A_409 = vector.shape_cast %parallel_loop3A_408 : vector<1x16xf32> to vector<16xf32>
        %parallel_loop3A_410 = arith.index_cast %parallel_loop3A_377 : i32 to index
        %parallel_loop3A_411 = arith.constant 32 : index
        %parallel_loop3A_412 = tpu.vector_load %arg11[%parallel_loop3A_410, %parallel_loop3A_411] {strides = array<i32>} : memref<200x128xf32, #tpu.memory_space<vmem>>, vector<1x16xf32>,
        %parallel_loop3A_413 = vector.shape_cast %parallel_loop3A_412 : vector<1x16xf32> to vector<16xf32>
        %parallel_loop3A_414 = arith.addf %parallel_loop3A_409, %parallel_loop3A_413 : vector<16xf32>
        %parallel_loop3A_415 = arith.index_cast %parallel_loop3A_370 : i32 to index
        %parallel_loop3A_416 = arith.constant 32 : index
        %parallel_loop3A_417 = tpu.vector_load %arg9[%parallel_loop3A_415, %parallel_loop3A_416] {strides = array<i32>} : memref<128x64xf32, #tpu.memory_space<vmem>>, vector<1x16xf32>,
        %parallel_loop3A_418 = vector.shape_cast %parallel_loop3A_417 : vector<1x16xf32> to vector<16xf32>
        %parallel_loop3A_419 = vector.shape_cast %parallel_loop3A_414 : vector<16xf32> to vector<1x16xf32>
        tpu.vector_store %arg9[%parallel_loop3A_415, %parallel_loop3A_416], %parallel_loop3A_419 {strides = array<i32>} : memref<128x64xf32, #tpu.memory_space<vmem>>, vector<1x16xf32>,
        %parallel_loop3A_420 = arith.index_cast %parallel_loop3A_370 : i32 to index
        %parallel_loop3A_421 = arith.constant 48 : index
        %parallel_loop3A_422 = tpu.vector_load %arg7[%parallel_loop3A_420, %parallel_loop3A_421] {strides = array<i32>} : memref<128x128xf32, #tpu.memory_space<vmem>>, vector<1x16xf32>,
        %parallel_loop3A_423 = vector.shape_cast %parallel_loop3A_422 : vector<1x16xf32> to vector<16xf32>
        %parallel_loop3A_424 = arith.index_cast %parallel_loop3A_377 : i32 to index
        %parallel_loop3A_425 = arith.constant 48 : index
        %parallel_loop3A_426 = tpu.vector_load %arg11[%parallel_loop3A_424, %parallel_loop3A_425] {strides = array<i32>} : memref<200x128xf32, #tpu.memory_space<vmem>>, vector<1x16xf32>,
        %parallel_loop3A_427 = vector.shape_cast %parallel_loop3A_426 : vector<1x16xf32> to vector<16xf32>
        %parallel_loop3A_428 = arith.addf %parallel_loop3A_423, %parallel_loop3A_427 : vector<16xf32>
        %parallel_loop3A_429 = arith.index_cast %parallel_loop3A_370 : i32 to index
        %parallel_loop3A_430 = arith.constant 48 : index
        %parallel_loop3A_431 = tpu.vector_load %arg9[%parallel_loop3A_429, %parallel_loop3A_430] {strides = array<i32>} : memref<128x64xf32, #tpu.memory_space<vmem>>, vector<1x16xf32>,
        %parallel_loop3A_432 = vector.shape_cast %parallel_loop3A_431 : vector<1x16xf32> to vector<16xf32>
        %parallel_loop3A_433 = vector.shape_cast %parallel_loop3A_428 : vector<16xf32> to vector<1x16xf32>
        tpu.vector_store %arg9[%parallel_loop3A_429, %parallel_loop3A_430], %parallel_loop3A_433 {strides = array<i32>} : memref<128x64xf32, #tpu.memory_space<vmem>>, vector<1x16xf32>,
        %parallel_loop3A_434 = arith.constant 8 : i32
        %parallel_loop3A_435 = arith.muli %parallel_loop3A_434, %parallel_loop3A_97 : i32
        %parallel_loop3A_436 = arith.constant 5 : i32
        %parallel_loop3A_437 = arith.addi %parallel_loop3A_435, %parallel_loop3A_436 : i32
        %parallel_loop3A_438 = arith.constant 5 : i32
        %parallel_loop3A_439 = arith.addi %parallel_loop3A_98, %parallel_loop3A_438 : i32
        %parallel_loop3A_440 = arith.constant 200 : i32
        %parallel_loop3A_441 = arith.cmpi sge, %parallel_loop3A_439, %parallel_loop3A_440 : i32
        %parallel_loop3A_442 = arith.constant 200 : i32
        %parallel_loop3A_443 = arith.subi %parallel_loop3A_439, %parallel_loop3A_442 : i32
        %parallel_loop3A_444 = arith.select %parallel_loop3A_441, %parallel_loop3A_443, %parallel_loop3A_439 : i32
        %parallel_loop3A_445 = arith.index_cast %parallel_loop3A_437 : i32 to index
        %parallel_loop3A_446 = arith.constant 0 : index
        %parallel_loop3A_447 = tpu.vector_load %arg7[%parallel_loop3A_445, %parallel_loop3A_446] {strides = array<i32>} : memref<128x128xf32, #tpu.memory_space<vmem>>, vector<1x16xf32>,
        %parallel_loop3A_448 = vector.shape_cast %parallel_loop3A_447 : vector<1x16xf32> to vector<16xf32>
        %parallel_loop3A_449 = arith.index_cast %parallel_loop3A_444 : i32 to index
        %parallel_loop3A_450 = arith.constant 0 : index
        %parallel_loop3A_451 = tpu.vector_load %arg11[%parallel_loop3A_449, %parallel_loop3A_450] {strides = array<i32>} : memref<200x128xf32, #tpu.memory_space<vmem>>, vector<1x16xf32>,
        %parallel_loop3A_452 = vector.shape_cast %parallel_loop3A_451 : vector<1x16xf32> to vector<16xf32>
        %parallel_loop3A_453 = arith.addf %parallel_loop3A_448, %parallel_loop3A_452 : vector<16xf32>
        %parallel_loop3A_454 = arith.index_cast %parallel_loop3A_437 : i32 to index
        %parallel_loop3A_455 = arith.constant 0 : index
        %parallel_loop3A_456 = tpu.vector_load %arg9[%parallel_loop3A_454, %parallel_loop3A_455] {strides = array<i32>} : memref<128x64xf32, #tpu.memory_space<vmem>>, vector<1x16xf32>,
        %parallel_loop3A_457 = vector.shape_cast %parallel_loop3A_456 : vector<1x16xf32> to vector<16xf32>
        %parallel_loop3A_458 = vector.shape_cast %parallel_loop3A_453 : vector<16xf32> to vector<1x16xf32>
        tpu.vector_store %arg9[%parallel_loop3A_454, %parallel_loop3A_455], %parallel_loop3A_458 {strides = array<i32>} : memref<128x64xf32, #tpu.memory_space<vmem>>, vector<1x16xf32>,
        %parallel_loop3A_459 = arith.index_cast %parallel_loop3A_437 : i32 to index
        %parallel_loop3A_460 = arith.constant 16 : index
        %parallel_loop3A_461 = tpu.vector_load %arg7[%parallel_loop3A_459, %parallel_loop3A_460] {strides = array<i32>} : memref<128x128xf32, #tpu.memory_space<vmem>>, vector<1x16xf32>,
        %parallel_loop3A_462 = vector.shape_cast %parallel_loop3A_461 : vector<1x16xf32> to vector<16xf32>
        %parallel_loop3A_463 = arith.index_cast %parallel_loop3A_444 : i32 to index
        %parallel_loop3A_464 = arith.constant 16 : index
        %parallel_loop3A_465 = tpu.vector_load %arg11[%parallel_loop3A_463, %parallel_loop3A_464] {strides = array<i32>} : memref<200x128xf32, #tpu.memory_space<vmem>>, vector<1x16xf32>,
        %parallel_loop3A_466 = vector.shape_cast %parallel_loop3A_465 : vector<1x16xf32> to vector<16xf32>
        %parallel_loop3A_467 = arith.addf %parallel_loop3A_462, %parallel_loop3A_466 : vector<16xf32>
        %parallel_loop3A_468 = arith.index_cast %parallel_loop3A_437 : i32 to index
        %parallel_loop3A_469 = arith.constant 16 : index
        %parallel_loop3A_470 = tpu.vector_load %arg9[%parallel_loop3A_468, %parallel_loop3A_469] {strides = array<i32>} : memref<128x64xf32, #tpu.memory_space<vmem>>, vector<1x16xf32>,
        %parallel_loop3A_471 = vector.shape_cast %parallel_loop3A_470 : vector<1x16xf32> to vector<16xf32>
        %parallel_loop3A_472 = vector.shape_cast %parallel_loop3A_467 : vector<16xf32> to vector<1x16xf32>
        tpu.vector_store %arg9[%parallel_loop3A_468, %parallel_loop3A_469], %parallel_loop3A_472 {strides = array<i32>} : memref<128x64xf32, #tpu.memory_space<vmem>>, vector<1x16xf32>,
        %parallel_loop3A_473 = arith.index_cast %parallel_loop3A_437 : i32 to index
        %parallel_loop3A_474 = arith.constant 32 : index
        %parallel_loop3A_475 = tpu.vector_load %arg7[%parallel_loop3A_473, %parallel_loop3A_474] {strides = array<i32>} : memref<128x128xf32, #tpu.memory_space<vmem>>, vector<1x16xf32>,
        %parallel_loop3A_476 = vector.shape_cast %parallel_loop3A_475 : vector<1x16xf32> to vector<16xf32>
        %parallel_loop3A_477 = arith.index_cast %parallel_loop3A_444 : i32 to index
        %parallel_loop3A_478 = arith.constant 32 : index
        %parallel_loop3A_479 = tpu.vector_load %arg11[%parallel_loop3A_477, %parallel_loop3A_478] {strides = array<i32>} : memref<200x128xf32, #tpu.memory_space<vmem>>, vector<1x16xf32>,
        %parallel_loop3A_480 = vector.shape_cast %parallel_loop3A_479 : vector<1x16xf32> to vector<16xf32>
        %parallel_loop3A_481 = arith.addf %parallel_loop3A_476, %parallel_loop3A_480 : vector<16xf32>
        %parallel_loop3A_482 = arith.index_cast %parallel_loop3A_437 : i32 to index
        %parallel_loop3A_483 = arith.constant 32 : index
        %parallel_loop3A_484 = tpu.vector_load %arg9[%parallel_loop3A_482, %parallel_loop3A_483] {strides = array<i32>} : memref<128x64xf32, #tpu.memory_space<vmem>>, vector<1x16xf32>,
        %parallel_loop3A_485 = vector.shape_cast %parallel_loop3A_484 : vector<1x16xf32> to vector<16xf32>
        %parallel_loop3A_486 = vector.shape_cast %parallel_loop3A_481 : vector<16xf32> to vector<1x16xf32>
        tpu.vector_store %arg9[%parallel_loop3A_482, %parallel_loop3A_483], %parallel_loop3A_486 {strides = array<i32>} : memref<128x64xf32, #tpu.memory_space<vmem>>, vector<1x16xf32>,
        %parallel_loop3A_487 = arith.index_cast %parallel_loop3A_437 : i32 to index
        %parallel_loop3A_488 = arith.constant 48 : index
        %parallel_loop3A_489 = tpu.vector_load %arg7[%parallel_loop3A_487, %parallel_loop3A_488] {strides = array<i32>} : memref<128x128xf32, #tpu.memory_space<vmem>>, vector<1x16xf32>,
        %parallel_loop3A_490 = vector.shape_cast %parallel_loop3A_489 : vector<1x16xf32> to vector<16xf32>
        %parallel_loop3A_491 = arith.index_cast %parallel_loop3A_444 : i32 to index
        %parallel_loop3A_492 = arith.constant 48 : index
        %parallel_loop3A_493 = tpu.vector_load %arg11[%parallel_loop3A_491, %parallel_loop3A_492] {strides = array<i32>} : memref<200x128xf32, #tpu.memory_space<vmem>>, vector<1x16xf32>,
        %parallel_loop3A_494 = vector.shape_cast %parallel_loop3A_493 : vector<1x16xf32> to vector<16xf32>
        %parallel_loop3A_495 = arith.addf %parallel_loop3A_490, %parallel_loop3A_494 : vector<16xf32>
        %parallel_loop3A_496 = arith.index_cast %parallel_loop3A_437 : i32 to index
        %parallel_loop3A_497 = arith.constant 48 : index
        %parallel_loop3A_498 = tpu.vector_load %arg9[%parallel_loop3A_496, %parallel_loop3A_497] {strides = array<i32>} : memref<128x64xf32, #tpu.memory_space<vmem>>, vector<1x16xf32>,
        %parallel_loop3A_499 = vector.shape_cast %parallel_loop3A_498 : vector<1x16xf32> to vector<16xf32>
        %parallel_loop3A_500 = vector.shape_cast %parallel_loop3A_495 : vector<16xf32> to vector<1x16xf32>
        tpu.vector_store %arg9[%parallel_loop3A_496, %parallel_loop3A_497], %parallel_loop3A_500 {strides = array<i32>} : memref<128x64xf32, #tpu.memory_space<vmem>>, vector<1x16xf32>,
        %parallel_loop3A_501 = arith.constant 8 : i32
        %parallel_loop3A_502 = arith.muli %parallel_loop3A_501, %parallel_loop3A_97 : i32
        %parallel_loop3A_503 = arith.constant 6 : i32
        %parallel_loop3A_504 = arith.addi %parallel_loop3A_502, %parallel_loop3A_503 : i32
        %parallel_loop3A_505 = arith.constant 6 : i32
        %parallel_loop3A_506 = arith.addi %parallel_loop3A_98, %parallel_loop3A_505 : i32
        %parallel_loop3A_507 = arith.constant 200 : i32
        %parallel_loop3A_508 = arith.cmpi sge, %parallel_loop3A_506, %parallel_loop3A_507 : i32
        %parallel_loop3A_509 = arith.constant 200 : i32
        %parallel_loop3A_510 = arith.subi %parallel_loop3A_506, %parallel_loop3A_509 : i32
        %parallel_loop3A_511 = arith.select %parallel_loop3A_508, %parallel_loop3A_510, %parallel_loop3A_506 : i32
        %parallel_loop3A_512 = arith.index_cast %parallel_loop3A_504 : i32 to index
        %parallel_loop3A_513 = arith.constant 0 : index
        %parallel_loop3A_514 = tpu.vector_load %arg7[%parallel_loop3A_512, %parallel_loop3A_513] {strides = array<i32>} : memref<128x128xf32, #tpu.memory_space<vmem>>, vector<1x16xf32>,
        %parallel_loop3A_515 = vector.shape_cast %parallel_loop3A_514 : vector<1x16xf32> to vector<16xf32>
        %parallel_loop3A_516 = arith.index_cast %parallel_loop3A_511 : i32 to index
        %parallel_loop3A_517 = arith.constant 0 : index
        %parallel_loop3A_518 = tpu.vector_load %arg11[%parallel_loop3A_516, %parallel_loop3A_517] {strides = array<i32>} : memref<200x128xf32, #tpu.memory_space<vmem>>, vector<1x16xf32>,
        %parallel_loop3A_519 = vector.shape_cast %parallel_loop3A_518 : vector<1x16xf32> to vector<16xf32>
        %parallel_loop3A_520 = arith.addf %parallel_loop3A_515, %parallel_loop3A_519 : vector<16xf32>
        %parallel_loop3A_521 = arith.index_cast %parallel_loop3A_504 : i32 to index
        %parallel_loop3A_522 = arith.constant 0 : index
        %parallel_loop3A_523 = tpu.vector_load %arg9[%parallel_loop3A_521, %parallel_loop3A_522] {strides = array<i32>} : memref<128x64xf32, #tpu.memory_space<vmem>>, vector<1x16xf32>,
        %parallel_loop3A_524 = vector.shape_cast %parallel_loop3A_523 : vector<1x16xf32> to vector<16xf32>
        %parallel_loop3A_525 = vector.shape_cast %parallel_loop3A_520 : vector<16xf32> to vector<1x16xf32>
        tpu.vector_store %arg9[%parallel_loop3A_521, %parallel_loop3A_522], %parallel_loop3A_525 {strides = array<i32>} : memref<128x64xf32, #tpu.memory_space<vmem>>, vector<1x16xf32>,
        %parallel_loop3A_526 = arith.index_cast %parallel_loop3A_504 : i32 to index
        %parallel_loop3A_527 = arith.constant 16 : index
        %parallel_loop3A_528 = tpu.vector_load %arg7[%parallel_loop3A_526, %parallel_loop3A_527] {strides = array<i32>} : memref<128x128xf32, #tpu.memory_space<vmem>>, vector<1x16xf32>,
        %parallel_loop3A_529 = vector.shape_cast %parallel_loop3A_528 : vector<1x16xf32> to vector<16xf32>
        %parallel_loop3A_530 = arith.index_cast %parallel_loop3A_511 : i32 to index
        %parallel_loop3A_531 = arith.constant 16 : index
        %parallel_loop3A_532 = tpu.vector_load %arg11[%parallel_loop3A_530, %parallel_loop3A_531] {strides = array<i32>} : memref<200x128xf32, #tpu.memory_space<vmem>>, vector<1x16xf32>,
        %parallel_loop3A_533 = vector.shape_cast %parallel_loop3A_532 : vector<1x16xf32> to vector<16xf32>
        %parallel_loop3A_534 = arith.addf %parallel_loop3A_529, %parallel_loop3A_533 : vector<16xf32>
        %parallel_loop3A_535 = arith.index_cast %parallel_loop3A_504 : i32 to index
        %parallel_loop3A_536 = arith.constant 16 : index
        %parallel_loop3A_537 = tpu.vector_load %arg9[%parallel_loop3A_535, %parallel_loop3A_536] {strides = array<i32>} : memref<128x64xf32, #tpu.memory_space<vmem>>, vector<1x16xf32>,
        %parallel_loop3A_538 = vector.shape_cast %parallel_loop3A_537 : vector<1x16xf32> to vector<16xf32>
        %parallel_loop3A_539 = vector.shape_cast %parallel_loop3A_534 : vector<16xf32> to vector<1x16xf32>
        tpu.vector_store %arg9[%parallel_loop3A_535, %parallel_loop3A_536], %parallel_loop3A_539 {strides = array<i32>} : memref<128x64xf32, #tpu.memory_space<vmem>>, vector<1x16xf32>,
        %parallel_loop3A_540 = arith.index_cast %parallel_loop3A_504 : i32 to index
        %parallel_loop3A_541 = arith.constant 32 : index
        %parallel_loop3A_542 = tpu.vector_load %arg7[%parallel_loop3A_540, %parallel_loop3A_541] {strides = array<i32>} : memref<128x128xf32, #tpu.memory_space<vmem>>, vector<1x16xf32>,
        %parallel_loop3A_543 = vector.shape_cast %parallel_loop3A_542 : vector<1x16xf32> to vector<16xf32>
        %parallel_loop3A_544 = arith.index_cast %parallel_loop3A_511 : i32 to index
        %parallel_loop3A_545 = arith.constant 32 : index
        %parallel_loop3A_546 = tpu.vector_load %arg11[%parallel_loop3A_544, %parallel_loop3A_545] {strides = array<i32>} : memref<200x128xf32, #tpu.memory_space<vmem>>, vector<1x16xf32>,
        %parallel_loop3A_547 = vector.shape_cast %parallel_loop3A_546 : vector<1x16xf32> to vector<16xf32>
        %parallel_loop3A_548 = arith.addf %parallel_loop3A_543, %parallel_loop3A_547 : vector<16xf32>
        %parallel_loop3A_549 = arith.index_cast %parallel_loop3A_504 : i32 to index
        %parallel_loop3A_550 = arith.constant 32 : index
        %parallel_loop3A_551 = tpu.vector_load %arg9[%parallel_loop3A_549, %parallel_loop3A_550] {strides = array<i32>} : memref<128x64xf32, #tpu.memory_space<vmem>>, vector<1x16xf32>,
        %parallel_loop3A_552 = vector.shape_cast %parallel_loop3A_551 : vector<1x16xf32> to vector<16xf32>
        %parallel_loop3A_553 = vector.shape_cast %parallel_loop3A_548 : vector<16xf32> to vector<1x16xf32>
        tpu.vector_store %arg9[%parallel_loop3A_549, %parallel_loop3A_550], %parallel_loop3A_553 {strides = array<i32>} : memref<128x64xf32, #tpu.memory_space<vmem>>, vector<1x16xf32>,
        %parallel_loop3A_554 = arith.index_cast %parallel_loop3A_504 : i32 to index
        %parallel_loop3A_555 = arith.constant 48 : index
        %parallel_loop3A_556 = tpu.vector_load %arg7[%parallel_loop3A_554, %parallel_loop3A_555] {strides = array<i32>} : memref<128x128xf32, #tpu.memory_space<vmem>>, vector<1x16xf32>,
        %parallel_loop3A_557 = vector.shape_cast %parallel_loop3A_556 : vector<1x16xf32> to vector<16xf32>
        %parallel_loop3A_558 = arith.index_cast %parallel_loop3A_511 : i32 to index
        %parallel_loop3A_559 = arith.constant 48 : index
        %parallel_loop3A_560 = tpu.vector_load %arg11[%parallel_loop3A_558, %parallel_loop3A_559] {strides = array<i32>} : memref<200x128xf32, #tpu.memory_space<vmem>>, vector<1x16xf32>,
        %parallel_loop3A_561 = vector.shape_cast %parallel_loop3A_560 : vector<1x16xf32> to vector<16xf32>
        %parallel_loop3A_562 = arith.addf %parallel_loop3A_557, %parallel_loop3A_561 : vector<16xf32>
        %parallel_loop3A_563 = arith.index_cast %parallel_loop3A_504 : i32 to index
        %parallel_loop3A_564 = arith.constant 48 : index
        %parallel_loop3A_565 = tpu.vector_load %arg9[%parallel_loop3A_563, %parallel_loop3A_564] {strides = array<i32>} : memref<128x64xf32, #tpu.memory_space<vmem>>, vector<1x16xf32>,
        %parallel_loop3A_566 = vector.shape_cast %parallel_loop3A_565 : vector<1x16xf32> to vector<16xf32>
        %parallel_loop3A_567 = vector.shape_cast %parallel_loop3A_562 : vector<16xf32> to vector<1x16xf32>
        tpu.vector_store %arg9[%parallel_loop3A_563, %parallel_loop3A_564], %parallel_loop3A_567 {strides = array<i32>} : memref<128x64xf32, #tpu.memory_space<vmem>>, vector<1x16xf32>,
        %parallel_loop3A_568 = arith.constant 8 : i32
        %parallel_loop3A_569 = arith.muli %parallel_loop3A_568, %parallel_loop3A_97 : i32
        %parallel_loop3A_570 = arith.constant 7 : i32
        %parallel_loop3A_571 = arith.addi %parallel_loop3A_569, %parallel_loop3A_570 : i32
        %parallel_loop3A_572 = arith.constant 7 : i32
        %parallel_loop3A_573 = arith.addi %parallel_loop3A_98, %parallel_loop3A_572 : i32
        %parallel_loop3A_574 = arith.constant 200 : i32
        %parallel_loop3A_575 = arith.cmpi sge, %parallel_loop3A_573, %parallel_loop3A_574 : i32
        %parallel_loop3A_576 = arith.constant 200 : i32
        %parallel_loop3A_577 = arith.subi %parallel_loop3A_573, %parallel_loop3A_576 : i32
        %parallel_loop3A_578 = arith.select %parallel_loop3A_575, %parallel_loop3A_577, %parallel_loop3A_573 : i32
        %parallel_loop3A_579 = arith.index_cast %parallel_loop3A_571 : i32 to index
        %parallel_loop3A_580 = arith.constant 0 : index
        %parallel_loop3A_581 = tpu.vector_load %arg7[%parallel_loop3A_579, %parallel_loop3A_580] {strides = array<i32>} : memref<128x128xf32, #tpu.memory_space<vmem>>, vector<1x16xf32>,
        %parallel_loop3A_582 = vector.shape_cast %parallel_loop3A_581 : vector<1x16xf32> to vector<16xf32>
        %parallel_loop3A_583 = arith.index_cast %parallel_loop3A_578 : i32 to index
        %parallel_loop3A_584 = arith.constant 0 : index
        %parallel_loop3A_585 = tpu.vector_load %arg11[%parallel_loop3A_583, %parallel_loop3A_584] {strides = array<i32>} : memref<200x128xf32, #tpu.memory_space<vmem>>, vector<1x16xf32>,
        %parallel_loop3A_586 = vector.shape_cast %parallel_loop3A_585 : vector<1x16xf32> to vector<16xf32>
        %parallel_loop3A_587 = arith.addf %parallel_loop3A_582, %parallel_loop3A_586 : vector<16xf32>
        %parallel_loop3A_588 = arith.index_cast %parallel_loop3A_571 : i32 to index
        %parallel_loop3A_589 = arith.constant 0 : index
        %parallel_loop3A_590 = tpu.vector_load %arg9[%parallel_loop3A_588, %parallel_loop3A_589] {strides = array<i32>} : memref<128x64xf32, #tpu.memory_space<vmem>>, vector<1x16xf32>,
        %parallel_loop3A_591 = vector.shape_cast %parallel_loop3A_590 : vector<1x16xf32> to vector<16xf32>
        %parallel_loop3A_592 = vector.shape_cast %parallel_loop3A_587 : vector<16xf32> to vector<1x16xf32>
        tpu.vector_store %arg9[%parallel_loop3A_588, %parallel_loop3A_589], %parallel_loop3A_592 {strides = array<i32>} : memref<128x64xf32, #tpu.memory_space<vmem>>, vector<1x16xf32>,
        %parallel_loop3A_593 = arith.index_cast %parallel_loop3A_571 : i32 to index
        %parallel_loop3A_594 = arith.constant 16 : index
        %parallel_loop3A_595 = tpu.vector_load %arg7[%parallel_loop3A_593, %parallel_loop3A_594] {strides = array<i32>} : memref<128x128xf32, #tpu.memory_space<vmem>>, vector<1x16xf32>,
        %parallel_loop3A_596 = vector.shape_cast %parallel_loop3A_595 : vector<1x16xf32> to vector<16xf32>
        %parallel_loop3A_597 = arith.index_cast %parallel_loop3A_578 : i32 to index
        %parallel_loop3A_598 = arith.constant 16 : index
        %parallel_loop3A_599 = tpu.vector_load %arg11[%parallel_loop3A_597, %parallel_loop3A_598] {strides = array<i32>} : memref<200x128xf32, #tpu.memory_space<vmem>>, vector<1x16xf32>,
        %parallel_loop3A_600 = vector.shape_cast %parallel_loop3A_599 : vector<1x16xf32> to vector<16xf32>
        %parallel_loop3A_601 = arith.addf %parallel_loop3A_596, %parallel_loop3A_600 : vector<16xf32>
        %parallel_loop3A_602 = arith.index_cast %parallel_loop3A_571 : i32 to index
        %parallel_loop3A_603 = arith.constant 16 : index
        %parallel_loop3A_604 = tpu.vector_load %arg9[%parallel_loop3A_602, %parallel_loop3A_603] {strides = array<i32>} : memref<128x64xf32, #tpu.memory_space<vmem>>, vector<1x16xf32>,
        %parallel_loop3A_605 = vector.shape_cast %parallel_loop3A_604 : vector<1x16xf32> to vector<16xf32>
        %parallel_loop3A_606 = vector.shape_cast %parallel_loop3A_601 : vector<16xf32> to vector<1x16xf32>
        tpu.vector_store %arg9[%parallel_loop3A_602, %parallel_loop3A_603], %parallel_loop3A_606 {strides = array<i32>} : memref<128x64xf32, #tpu.memory_space<vmem>>, vector<1x16xf32>,
        %parallel_loop3A_607 = arith.index_cast %parallel_loop3A_571 : i32 to index
        %parallel_loop3A_608 = arith.constant 32 : index
        %parallel_loop3A_609 = tpu.vector_load %arg7[%parallel_loop3A_607, %parallel_loop3A_608] {strides = array<i32>} : memref<128x128xf32, #tpu.memory_space<vmem>>, vector<1x16xf32>,
        %parallel_loop3A_610 = vector.shape_cast %parallel_loop3A_609 : vector<1x16xf32> to vector<16xf32>
        %parallel_loop3A_611 = arith.index_cast %parallel_loop3A_578 : i32 to index
        %parallel_loop3A_612 = arith.constant 32 : index
        %parallel_loop3A_613 = tpu.vector_load %arg11[%parallel_loop3A_611, %parallel_loop3A_612] {strides = array<i32>} : memref<200x128xf32, #tpu.memory_space<vmem>>, vector<1x16xf32>,
        %parallel_loop3A_614 = vector.shape_cast %parallel_loop3A_613 : vector<1x16xf32> to vector<16xf32>
        %parallel_loop3A_615 = arith.addf %parallel_loop3A_610, %parallel_loop3A_614 : vector<16xf32>
        %parallel_loop3A_616 = arith.index_cast %parallel_loop3A_571 : i32 to index
        %parallel_loop3A_617 = arith.constant 32 : index
        %parallel_loop3A_618 = tpu.vector_load %arg9[%parallel_loop3A_616, %parallel_loop3A_617] {strides = array<i32>} : memref<128x64xf32, #tpu.memory_space<vmem>>, vector<1x16xf32>,
        %parallel_loop3A_619 = vector.shape_cast %parallel_loop3A_618 : vector<1x16xf32> to vector<16xf32>
        %parallel_loop3A_620 = vector.shape_cast %parallel_loop3A_615 : vector<16xf32> to vector<1x16xf32>
        tpu.vector_store %arg9[%parallel_loop3A_616, %parallel_loop3A_617], %parallel_loop3A_620 {strides = array<i32>} : memref<128x64xf32, #tpu.memory_space<vmem>>, vector<1x16xf32>,
        %parallel_loop3A_621 = arith.index_cast %parallel_loop3A_571 : i32 to index
        %parallel_loop3A_622 = arith.constant 48 : index
        %parallel_loop3A_623 = tpu.vector_load %arg7[%parallel_loop3A_621, %parallel_loop3A_622] {strides = array<i32>} : memref<128x128xf32, #tpu.memory_space<vmem>>, vector<1x16xf32>,
        %parallel_loop3A_624 = vector.shape_cast %parallel_loop3A_623 : vector<1x16xf32> to vector<16xf32>
        %parallel_loop3A_625 = arith.index_cast %parallel_loop3A_578 : i32 to index
        %parallel_loop3A_626 = arith.constant 48 : index
        %parallel_loop3A_627 = tpu.vector_load %arg11[%parallel_loop3A_625, %parallel_loop3A_626] {strides = array<i32>} : memref<200x128xf32, #tpu.memory_space<vmem>>, vector<1x16xf32>,
        %parallel_loop3A_628 = vector.shape_cast %parallel_loop3A_627 : vector<1x16xf32> to vector<16xf32>
        %parallel_loop3A_629 = arith.addf %parallel_loop3A_624, %parallel_loop3A_628 : vector<16xf32>
        %parallel_loop3A_630 = arith.index_cast %parallel_loop3A_571 : i32 to index
        %parallel_loop3A_631 = arith.constant 48 : index
        %parallel_loop3A_632 = tpu.vector_load %arg9[%parallel_loop3A_630, %parallel_loop3A_631] {strides = array<i32>} : memref<128x64xf32, #tpu.memory_space<vmem>>, vector<1x16xf32>,
        %parallel_loop3A_633 = vector.shape_cast %parallel_loop3A_632 : vector<1x16xf32> to vector<16xf32>
        %parallel_loop3A_634 = vector.shape_cast %parallel_loop3A_629 : vector<16xf32> to vector<1x16xf32>
        tpu.vector_store %arg9[%parallel_loop3A_630, %parallel_loop3A_631], %parallel_loop3A_634 {strides = array<i32>} : memref<128x64xf32, #tpu.memory_space<vmem>>, vector<1x16xf32>,
        %parallel_loop3A_635 = arith.constant 8 : i32
        %parallel_loop3A_636 = arith.addi %parallel_loop3A_98, %parallel_loop3A_635 : i32
        %parallel_loop3A_637 = arith.constant 200 : i32
        %parallel_loop3A_638 = arith.cmpi sge, %parallel_loop3A_636, %parallel_loop3A_637 : i32
        %parallel_loop3A_639 = arith.constant 200 : i32
        %parallel_loop3A_640 = arith.subi %parallel_loop3A_636, %parallel_loop3A_639 : i32
        %parallel_loop3A_641 = arith.select %parallel_loop3A_638, %parallel_loop3A_640, %parallel_loop3A_636 : i32
        scf.yield %parallel_loop3A_641 : i32
      } {sc.loop_unroll_factor = 1 : i64, sc.parallel_access}
      %mul3A_40 = arith.constant 128 : i32
      %mul3A_41 = arith.muli %add3A_28, %mul3A_40 : i32
      %add3A_42 = arith.addi %mul3A_4, %mul3A_41 : i32
      %dma_start3A_43 = tpu.memref_reshape %arg5 : memref<1024x200x64xf32, #tpu.memory_space<hbm>> -> memref<204800x64xf32, #tpu.memory_space<hbm>>
      %dma_start3A_44 = arith.constant 0 : i32
      %dma_start3A_45 = tpu.memref_slice %dma_start3A_43[%add3A_42, %dma_start3A_44] : memref<204800x64xf32, #tpu.memory_space<hbm>> -> memref<128x64xf32, #tpu.memory_space<hbm>>
      %dma_start3A_46 = tpu.memref_reshape %arg5 : memref<1024x200x64xf32, #tpu.memory_space<hbm>> -> memref<204800x64xf32, #tpu.memory_space<hbm>>
      %dma_start3A_47 = arith.constant 0 : i32
      %dma_start3A_48 = tpu.memref_slice %dma_start3A_46[%add3A_42, %dma_start3A_47] : memref<204800x64xf32, #tpu.memory_space<hbm>> -> memref<128x64xf32, #tpu.memory_space<hbm>>
      tpu.enqueue_dma source(%arg9 : memref<128x64xf32, #tpu.memory_space<vmem>>) target(%dma_start3A_48 : memref<128x64xf32, #tpu.memory_space<hbm>>) target_semaphore(%arg14 : memref<!tpu.dma_semaphore, #tpu.memory_space<semaphore_mem>>)
      %dma_wait3A_49 = tpu.memref_reshape %arg5 : memref<1024x200x64xf32, #tpu.memory_space<hbm>> -> memref<204800x64xf32, #tpu.memory_space<hbm>>
      %dma_wait3A_50 = arith.constant 0 : i32
      %dma_wait3A_51 = tpu.memref_slice %dma_wait3A_49[%add3A_42, %dma_wait3A_50] : memref<204800x64xf32, #tpu.memory_space<hbm>> -> memref<128x64xf32, #tpu.memory_space<hbm>>
      %dma_wait3A_52 = tpu.memref_reshape %arg5 : memref<1024x200x64xf32, #tpu.memory_space<hbm>> -> memref<204800x64xf32, #tpu.memory_space<hbm>>
      %dma_wait3A_53 = arith.constant 0 : i32
      %dma_wait3A_54 = tpu.memref_slice %dma_wait3A_52[%add3A_42, %dma_wait3A_53] : memref<204800x64xf32, #tpu.memory_space<hbm>> -> memref<128x64xf32, #tpu.memory_space<hbm>>
      tpu.wait_dma2 semaphore(%arg14 : memref<!tpu.dma_semaphore, #tpu.memory_space<semaphore_mem>>) src(%arg9 : memref<128x64xf32, #tpu.memory_space<vmem>>) dst(%dma_wait3A_54 : memref<128x64xf32, #tpu.memory_space<hbm>>)
      %add3A_55 = arith.constant 2 : i32
      %add3A_56 = arith.addi %add3A_28, %add3A_55 : i32
      %lt3A = arith.constant 50 : i32
      %lt3A_57 = arith.cmpi slt, %add3A_56, %lt3A : i32
      %convert_element_type3A = arith.extui %lt3A_57 : i1 to i32
      %cond3A = arith.constant 0 : i32
      %cond3A_58 = arith.cmpi ne, %convert_element_type3A, %cond3A : i32
      scf.if %cond3A_58 {
        %add3A_97 = arith.constant 2 : i32
        %add3A_98 = arith.addi %add3A_28, %add3A_97 : i32
        %dma_start3A_99 = arith.constant 0 : i32
        %dma_start3A_100 = tpu.memref_slice %arg6[%add3A_98, %dma_start3A_99] : memref<56x128xi32, #tpu.memory_space<vmem>> -> memref<1x128xi32, #tpu.memory_space<vmem>>
        %dma_start3A_101 = tpu.memref_squeeze %dma_start3A_100 : memref<1x128xi32, #tpu.memory_space<vmem>> -> memref<128xi32, #tpu.memory_space<vmem>>
        %dma_start3A_102 = arith.constant 0 : i32
        %dma_start3A_103 = arith.constant 0 : i32
        %dma_start3A_104 = tpu.memref_slice %arg3[%dma_start3A_102, %dma_start3A_103] : memref<1000000x128xf32, #tpu.memory_space<hbm>> -> memref<1000000x128xf32, #tpu.memory_space<hbm>>
        tpu.enqueue_indirect_dma source(%dma_start3A_104 : memref<1000000x128xf32, #tpu.memory_space<hbm>>) target(%arg7 : memref<128x128xf32, #tpu.memory_space<vmem>>) offsets(%dma_start3A_101 : memref<128xi32, #tpu.memory_space<vmem>>) semaphore(%arg12 : memref<!tpu.dma_semaphore, #tpu.memory_space<semaphore_mem>>)
      } else {
      }
      %add3A_59 = arith.constant 1 : i32
      %add3A_60 = arith.addi %add3A_26, %add3A_59 : i32
      %dma_wait3A_61 = arith.constant 0 : i32
      %dma_wait3A_62 = arith.constant 0 : i32
      %dma_wait3A_63 = tpu.memref_slice %arg3[%dma_wait3A_61, %dma_wait3A_62] : memref<1000000x128xf32, #tpu.memory_space<hbm>> -> memref<128x128xf32, #tpu.memory_space<hbm>>
      %dma_wait3A_64 = arith.constant 0 : i32
      %dma_wait3A_65 = arith.constant 0 : i32
      %dma_wait3A_66 = tpu.memref_slice %arg3[%dma_wait3A_64, %dma_wait3A_65] : memref<1000000x128xf32, #tpu.memory_space<hbm>> -> memref<128x128xf32, #tpu.memory_space<hbm>>
      tpu.wait_dma2 semaphore(%arg13 : memref<!tpu.dma_semaphore, #tpu.memory_space<semaphore_mem>>) src(%dma_wait3A_66 : memref<128x128xf32, #tpu.memory_space<hbm>>) dst(%arg8 : memref<128x128xf32, #tpu.memory_space<vmem>>)
      %mul3A_67 = arith.constant 128 : i32
      %mul3A_68 = arith.muli %add3A_60, %mul3A_67 : i32
      %rem3A_69 = arith.constant 200 : i32
      %rem3A_70 = arith.remsi %mul3A_68, %rem3A_69 : i32
      %parallel_loop3A_71 = arith.constant 0 : i32
      %parallel_loop3A_72 = arith.constant 16 : i32
      %parallel_loop3A_73 = arith.constant 1 : i32
      %parallel_loop3A_74 = scf.for %parallel_loop3A_97 = %parallel_loop3A_71 to %parallel_loop3A_72 step %parallel_loop3A_73 iter_args(%parallel_loop3A_98 = %rem3A_70) -> (i32)  : i32 {
        %parallel_loop3A_99 = arith.constant 8 : i32
        %parallel_loop3A_100 = arith.muli %parallel_loop3A_99, %parallel_loop3A_97 : i32
        %parallel_loop3A_101 = arith.constant 0 : i32
        %parallel_loop3A_102 = arith.addi %parallel_loop3A_100, %parallel_loop3A_101 : i32
        %parallel_loop3A_103 = arith.constant 0 : i32
        %parallel_loop3A_104 = arith.addi %parallel_loop3A_98, %parallel_loop3A_103 : i32
        %parallel_loop3A_105 = arith.constant 200 : i32
        %parallel_loop3A_106 = arith.cmpi sge, %parallel_loop3A_104, %parallel_loop3A_105 : i32
        %parallel_loop3A_107 = arith.constant 200 : i32
        %parallel_loop3A_108 = arith.subi %parallel_loop3A_104, %parallel_loop3A_107 : i32
        %parallel_loop3A_109 = arith.select %parallel_loop3A_106, %parallel_loop3A_108, %parallel_loop3A_104 : i32
        %parallel_loop3A_110 = arith.index_cast %parallel_loop3A_102 : i32 to index
        %parallel_loop3A_111 = arith.constant 0 : index
        %parallel_loop3A_112 = tpu.vector_load %arg8[%parallel_loop3A_110, %parallel_loop3A_111] {strides = array<i32>} : memref<128x128xf32, #tpu.memory_space<vmem>>, vector<1x16xf32>,
        %parallel_loop3A_113 = vector.shape_cast %parallel_loop3A_112 : vector<1x16xf32> to vector<16xf32>
        %parallel_loop3A_114 = arith.index_cast %parallel_loop3A_109 : i32 to index
        %parallel_loop3A_115 = arith.constant 0 : index
        %parallel_loop3A_116 = tpu.vector_load %arg11[%parallel_loop3A_114, %parallel_loop3A_115] {strides = array<i32>} : memref<200x128xf32, #tpu.memory_space<vmem>>, vector<1x16xf32>,
        %parallel_loop3A_117 = vector.shape_cast %parallel_loop3A_116 : vector<1x16xf32> to vector<16xf32>
        %parallel_loop3A_118 = arith.addf %parallel_loop3A_113, %parallel_loop3A_117 : vector<16xf32>
        %parallel_loop3A_119 = arith.index_cast %parallel_loop3A_102 : i32 to index
        %parallel_loop3A_120 = arith.constant 0 : index
        %parallel_loop3A_121 = tpu.vector_load %arg10[%parallel_loop3A_119, %parallel_loop3A_120] {strides = array<i32>} : memref<128x64xf32, #tpu.memory_space<vmem>>, vector<1x16xf32>,
        %parallel_loop3A_122 = vector.shape_cast %parallel_loop3A_121 : vector<1x16xf32> to vector<16xf32>
        %parallel_loop3A_123 = vector.shape_cast %parallel_loop3A_118 : vector<16xf32> to vector<1x16xf32>
        tpu.vector_store %arg10[%parallel_loop3A_119, %parallel_loop3A_120], %parallel_loop3A_123 {strides = array<i32>} : memref<128x64xf32, #tpu.memory_space<vmem>>, vector<1x16xf32>,
        %parallel_loop3A_124 = arith.index_cast %parallel_loop3A_102 : i32 to index
        %parallel_loop3A_125 = arith.constant 16 : index
        %parallel_loop3A_126 = tpu.vector_load %arg8[%parallel_loop3A_124, %parallel_loop3A_125] {strides = array<i32>} : memref<128x128xf32, #tpu.memory_space<vmem>>, vector<1x16xf32>,
        %parallel_loop3A_127 = vector.shape_cast %parallel_loop3A_126 : vector<1x16xf32> to vector<16xf32>
        %parallel_loop3A_128 = arith.index_cast %parallel_loop3A_109 : i32 to index
        %parallel_loop3A_129 = arith.constant 16 : index
        %parallel_loop3A_130 = tpu.vector_load %arg11[%parallel_loop3A_128, %parallel_loop3A_129] {strides = array<i32>} : memref<200x128xf32, #tpu.memory_space<vmem>>, vector<1x16xf32>,
        %parallel_loop3A_131 = vector.shape_cast %parallel_loop3A_130 : vector<1x16xf32> to vector<16xf32>
        %parallel_loop3A_132 = arith.addf %parallel_loop3A_127, %parallel_loop3A_131 : vector<16xf32>
        %parallel_loop3A_133 = arith.index_cast %parallel_loop3A_102 : i32 to index
        %parallel_loop3A_134 = arith.constant 16 : index
        %parallel_loop3A_135 = tpu.vector_load %arg10[%parallel_loop3A_133, %parallel_loop3A_134] {strides = array<i32>} : memref<128x64xf32, #tpu.memory_space<vmem>>, vector<1x16xf32>,
        %parallel_loop3A_136 = vector.shape_cast %parallel_loop3A_135 : vector<1x16xf32> to vector<16xf32>
        %parallel_loop3A_137 = vector.shape_cast %parallel_loop3A_132 : vector<16xf32> to vector<1x16xf32>
        tpu.vector_store %arg10[%parallel_loop3A_133, %parallel_loop3A_134], %parallel_loop3A_137 {strides = array<i32>} : memref<128x64xf32, #tpu.memory_space<vmem>>, vector<1x16xf32>,
        %parallel_loop3A_138 = arith.index_cast %parallel_loop3A_102 : i32 to index
        %parallel_loop3A_139 = arith.constant 32 : index
        %parallel_loop3A_140 = tpu.vector_load %arg8[%parallel_loop3A_138, %parallel_loop3A_139] {strides = array<i32>} : memref<128x128xf32, #tpu.memory_space<vmem>>, vector<1x16xf32>,
        %parallel_loop3A_141 = vector.shape_cast %parallel_loop3A_140 : vector<1x16xf32> to vector<16xf32>
        %parallel_loop3A_142 = arith.index_cast %parallel_loop3A_109 : i32 to index
        %parallel_loop3A_143 = arith.constant 32 : index
        %parallel_loop3A_144 = tpu.vector_load %arg11[%parallel_loop3A_142, %parallel_loop3A_143] {strides = array<i32>} : memref<200x128xf32, #tpu.memory_space<vmem>>, vector<1x16xf32>,
        %parallel_loop3A_145 = vector.shape_cast %parallel_loop3A_144 : vector<1x16xf32> to vector<16xf32>
        %parallel_loop3A_146 = arith.addf %parallel_loop3A_141, %parallel_loop3A_145 : vector<16xf32>
        %parallel_loop3A_147 = arith.index_cast %parallel_loop3A_102 : i32 to index
        %parallel_loop3A_148 = arith.constant 32 : index
        %parallel_loop3A_149 = tpu.vector_load %arg10[%parallel_loop3A_147, %parallel_loop3A_148] {strides = array<i32>} : memref<128x64xf32, #tpu.memory_space<vmem>>, vector<1x16xf32>,
        %parallel_loop3A_150 = vector.shape_cast %parallel_loop3A_149 : vector<1x16xf32> to vector<16xf32>
        %parallel_loop3A_151 = vector.shape_cast %parallel_loop3A_146 : vector<16xf32> to vector<1x16xf32>
        tpu.vector_store %arg10[%parallel_loop3A_147, %parallel_loop3A_148], %parallel_loop3A_151 {strides = array<i32>} : memref<128x64xf32, #tpu.memory_space<vmem>>, vector<1x16xf32>,
        %parallel_loop3A_152 = arith.index_cast %parallel_loop3A_102 : i32 to index
        %parallel_loop3A_153 = arith.constant 48 : index
        %parallel_loop3A_154 = tpu.vector_load %arg8[%parallel_loop3A_152, %parallel_loop3A_153] {strides = array<i32>} : memref<128x128xf32, #tpu.memory_space<vmem>>, vector<1x16xf32>,
        %parallel_loop3A_155 = vector.shape_cast %parallel_loop3A_154 : vector<1x16xf32> to vector<16xf32>
        %parallel_loop3A_156 = arith.index_cast %parallel_loop3A_109 : i32 to index
        %parallel_loop3A_157 = arith.constant 48 : index
        %parallel_loop3A_158 = tpu.vector_load %arg11[%parallel_loop3A_156, %parallel_loop3A_157] {strides = array<i32>} : memref<200x128xf32, #tpu.memory_space<vmem>>, vector<1x16xf32>,
        %parallel_loop3A_159 = vector.shape_cast %parallel_loop3A_158 : vector<1x16xf32> to vector<16xf32>
        %parallel_loop3A_160 = arith.addf %parallel_loop3A_155, %parallel_loop3A_159 : vector<16xf32>
        %parallel_loop3A_161 = arith.index_cast %parallel_loop3A_102 : i32 to index
        %parallel_loop3A_162 = arith.constant 48 : index
        %parallel_loop3A_163 = tpu.vector_load %arg10[%parallel_loop3A_161, %parallel_loop3A_162] {strides = array<i32>} : memref<128x64xf32, #tpu.memory_space<vmem>>, vector<1x16xf32>,
        %parallel_loop3A_164 = vector.shape_cast %parallel_loop3A_163 : vector<1x16xf32> to vector<16xf32>
        %parallel_loop3A_165 = vector.shape_cast %parallel_loop3A_160 : vector<16xf32> to vector<1x16xf32>
        tpu.vector_store %arg10[%parallel_loop3A_161, %parallel_loop3A_162], %parallel_loop3A_165 {strides = array<i32>} : memref<128x64xf32, #tpu.memory_space<vmem>>, vector<1x16xf32>,
        %parallel_loop3A_166 = arith.constant 8 : i32
        %parallel_loop3A_167 = arith.muli %parallel_loop3A_166, %parallel_loop3A_97 : i32
        %parallel_loop3A_168 = arith.constant 1 : i32
        %parallel_loop3A_169 = arith.addi %parallel_loop3A_167, %parallel_loop3A_168 : i32
        %parallel_loop3A_170 = arith.constant 1 : i32
        %parallel_loop3A_171 = arith.addi %parallel_loop3A_98, %parallel_loop3A_170 : i32
        %parallel_loop3A_172 = arith.constant 200 : i32
        %parallel_loop3A_173 = arith.cmpi sge, %parallel_loop3A_171, %parallel_loop3A_172 : i32
        %parallel_loop3A_174 = arith.constant 200 : i32
        %parallel_loop3A_175 = arith.subi %parallel_loop3A_171, %parallel_loop3A_174 : i32
        %parallel_loop3A_176 = arith.select %parallel_loop3A_173, %parallel_loop3A_175, %parallel_loop3A_171 : i32
        %parallel_loop3A_177 = arith.index_cast %parallel_loop3A_169 : i32 to index
        %parallel_loop3A_178 = arith.constant 0 : index
        %parallel_loop3A_179 = tpu.vector_load %arg8[%parallel_loop3A_177, %parallel_loop3A_178] {strides = array<i32>} : memref<128x128xf32, #tpu.memory_space<vmem>>, vector<1x16xf32>,
        %parallel_loop3A_180 = vector.shape_cast %parallel_loop3A_179 : vector<1x16xf32> to vector<16xf32>
        %parallel_loop3A_181 = arith.index_cast %parallel_loop3A_176 : i32 to index
        %parallel_loop3A_182 = arith.constant 0 : index
        %parallel_loop3A_183 = tpu.vector_load %arg11[%parallel_loop3A_181, %parallel_loop3A_182] {strides = array<i32>} : memref<200x128xf32, #tpu.memory_space<vmem>>, vector<1x16xf32>,
        %parallel_loop3A_184 = vector.shape_cast %parallel_loop3A_183 : vector<1x16xf32> to vector<16xf32>
        %parallel_loop3A_185 = arith.addf %parallel_loop3A_180, %parallel_loop3A_184 : vector<16xf32>
        %parallel_loop3A_186 = arith.index_cast %parallel_loop3A_169 : i32 to index
        %parallel_loop3A_187 = arith.constant 0 : index
        %parallel_loop3A_188 = tpu.vector_load %arg10[%parallel_loop3A_186, %parallel_loop3A_187] {strides = array<i32>} : memref<128x64xf32, #tpu.memory_space<vmem>>, vector<1x16xf32>,
        %parallel_loop3A_189 = vector.shape_cast %parallel_loop3A_188 : vector<1x16xf32> to vector<16xf32>
        %parallel_loop3A_190 = vector.shape_cast %parallel_loop3A_185 : vector<16xf32> to vector<1x16xf32>
        tpu.vector_store %arg10[%parallel_loop3A_186, %parallel_loop3A_187], %parallel_loop3A_190 {strides = array<i32>} : memref<128x64xf32, #tpu.memory_space<vmem>>, vector<1x16xf32>,
        %parallel_loop3A_191 = arith.index_cast %parallel_loop3A_169 : i32 to index
        %parallel_loop3A_192 = arith.constant 16 : index
        %parallel_loop3A_193 = tpu.vector_load %arg8[%parallel_loop3A_191, %parallel_loop3A_192] {strides = array<i32>} : memref<128x128xf32, #tpu.memory_space<vmem>>, vector<1x16xf32>,
        %parallel_loop3A_194 = vector.shape_cast %parallel_loop3A_193 : vector<1x16xf32> to vector<16xf32>
        %parallel_loop3A_195 = arith.index_cast %parallel_loop3A_176 : i32 to index
        %parallel_loop3A_196 = arith.constant 16 : index
        %parallel_loop3A_197 = tpu.vector_load %arg11[%parallel_loop3A_195, %parallel_loop3A_196] {strides = array<i32>} : memref<200x128xf32, #tpu.memory_space<vmem>>, vector<1x16xf32>,
        %parallel_loop3A_198 = vector.shape_cast %parallel_loop3A_197 : vector<1x16xf32> to vector<16xf32>
        %parallel_loop3A_199 = arith.addf %parallel_loop3A_194, %parallel_loop3A_198 : vector<16xf32>
        %parallel_loop3A_200 = arith.index_cast %parallel_loop3A_169 : i32 to index
        %parallel_loop3A_201 = arith.constant 16 : index
        %parallel_loop3A_202 = tpu.vector_load %arg10[%parallel_loop3A_200, %parallel_loop3A_201] {strides = array<i32>} : memref<128x64xf32, #tpu.memory_space<vmem>>, vector<1x16xf32>,
        %parallel_loop3A_203 = vector.shape_cast %parallel_loop3A_202 : vector<1x16xf32> to vector<16xf32>
        %parallel_loop3A_204 = vector.shape_cast %parallel_loop3A_199 : vector<16xf32> to vector<1x16xf32>
        tpu.vector_store %arg10[%parallel_loop3A_200, %parallel_loop3A_201], %parallel_loop3A_204 {strides = array<i32>} : memref<128x64xf32, #tpu.memory_space<vmem>>, vector<1x16xf32>,
        %parallel_loop3A_205 = arith.index_cast %parallel_loop3A_169 : i32 to index
        %parallel_loop3A_206 = arith.constant 32 : index
        %parallel_loop3A_207 = tpu.vector_load %arg8[%parallel_loop3A_205, %parallel_loop3A_206] {strides = array<i32>} : memref<128x128xf32, #tpu.memory_space<vmem>>, vector<1x16xf32>,
        %parallel_loop3A_208 = vector.shape_cast %parallel_loop3A_207 : vector<1x16xf32> to vector<16xf32>
        %parallel_loop3A_209 = arith.index_cast %parallel_loop3A_176 : i32 to index
        %parallel_loop3A_210 = arith.constant 32 : index
        %parallel_loop3A_211 = tpu.vector_load %arg11[%parallel_loop3A_209, %parallel_loop3A_210] {strides = array<i32>} : memref<200x128xf32, #tpu.memory_space<vmem>>, vector<1x16xf32>,
        %parallel_loop3A_212 = vector.shape_cast %parallel_loop3A_211 : vector<1x16xf32> to vector<16xf32>
        %parallel_loop3A_213 = arith.addf %parallel_loop3A_208, %parallel_loop3A_212 : vector<16xf32>
        %parallel_loop3A_214 = arith.index_cast %parallel_loop3A_169 : i32 to index
        %parallel_loop3A_215 = arith.constant 32 : index
        %parallel_loop3A_216 = tpu.vector_load %arg10[%parallel_loop3A_214, %parallel_loop3A_215] {strides = array<i32>} : memref<128x64xf32, #tpu.memory_space<vmem>>, vector<1x16xf32>,
        %parallel_loop3A_217 = vector.shape_cast %parallel_loop3A_216 : vector<1x16xf32> to vector<16xf32>
        %parallel_loop3A_218 = vector.shape_cast %parallel_loop3A_213 : vector<16xf32> to vector<1x16xf32>
        tpu.vector_store %arg10[%parallel_loop3A_214, %parallel_loop3A_215], %parallel_loop3A_218 {strides = array<i32>} : memref<128x64xf32, #tpu.memory_space<vmem>>, vector<1x16xf32>,
        %parallel_loop3A_219 = arith.index_cast %parallel_loop3A_169 : i32 to index
        %parallel_loop3A_220 = arith.constant 48 : index
        %parallel_loop3A_221 = tpu.vector_load %arg8[%parallel_loop3A_219, %parallel_loop3A_220] {strides = array<i32>} : memref<128x128xf32, #tpu.memory_space<vmem>>, vector<1x16xf32>,
        %parallel_loop3A_222 = vector.shape_cast %parallel_loop3A_221 : vector<1x16xf32> to vector<16xf32>
        %parallel_loop3A_223 = arith.index_cast %parallel_loop3A_176 : i32 to index
        %parallel_loop3A_224 = arith.constant 48 : index
        %parallel_loop3A_225 = tpu.vector_load %arg11[%parallel_loop3A_223, %parallel_loop3A_224] {strides = array<i32>} : memref<200x128xf32, #tpu.memory_space<vmem>>, vector<1x16xf32>,
        %parallel_loop3A_226 = vector.shape_cast %parallel_loop3A_225 : vector<1x16xf32> to vector<16xf32>
        %parallel_loop3A_227 = arith.addf %parallel_loop3A_222, %parallel_loop3A_226 : vector<16xf32>
        %parallel_loop3A_228 = arith.index_cast %parallel_loop3A_169 : i32 to index
        %parallel_loop3A_229 = arith.constant 48 : index
        %parallel_loop3A_230 = tpu.vector_load %arg10[%parallel_loop3A_228, %parallel_loop3A_229] {strides = array<i32>} : memref<128x64xf32, #tpu.memory_space<vmem>>, vector<1x16xf32>,
        %parallel_loop3A_231 = vector.shape_cast %parallel_loop3A_230 : vector<1x16xf32> to vector<16xf32>
        %parallel_loop3A_232 = vector.shape_cast %parallel_loop3A_227 : vector<16xf32> to vector<1x16xf32>
        tpu.vector_store %arg10[%parallel_loop3A_228, %parallel_loop3A_229], %parallel_loop3A_232 {strides = array<i32>} : memref<128x64xf32, #tpu.memory_space<vmem>>, vector<1x16xf32>,
        %parallel_loop3A_233 = arith.constant 8 : i32
        %parallel_loop3A_234 = arith.muli %parallel_loop3A_233, %parallel_loop3A_97 : i32
        %parallel_loop3A_235 = arith.constant 2 : i32
        %parallel_loop3A_236 = arith.addi %parallel_loop3A_234, %parallel_loop3A_235 : i32
        %parallel_loop3A_237 = arith.constant 2 : i32
        %parallel_loop3A_238 = arith.addi %parallel_loop3A_98, %parallel_loop3A_237 : i32
        %parallel_loop3A_239 = arith.constant 200 : i32
        %parallel_loop3A_240 = arith.cmpi sge, %parallel_loop3A_238, %parallel_loop3A_239 : i32
        %parallel_loop3A_241 = arith.constant 200 : i32
        %parallel_loop3A_242 = arith.subi %parallel_loop3A_238, %parallel_loop3A_241 : i32
        %parallel_loop3A_243 = arith.select %parallel_loop3A_240, %parallel_loop3A_242, %parallel_loop3A_238 : i32
        %parallel_loop3A_244 = arith.index_cast %parallel_loop3A_236 : i32 to index
        %parallel_loop3A_245 = arith.constant 0 : index
        %parallel_loop3A_246 = tpu.vector_load %arg8[%parallel_loop3A_244, %parallel_loop3A_245] {strides = array<i32>} : memref<128x128xf32, #tpu.memory_space<vmem>>, vector<1x16xf32>,
        %parallel_loop3A_247 = vector.shape_cast %parallel_loop3A_246 : vector<1x16xf32> to vector<16xf32>
        %parallel_loop3A_248 = arith.index_cast %parallel_loop3A_243 : i32 to index
        %parallel_loop3A_249 = arith.constant 0 : index
        %parallel_loop3A_250 = tpu.vector_load %arg11[%parallel_loop3A_248, %parallel_loop3A_249] {strides = array<i32>} : memref<200x128xf32, #tpu.memory_space<vmem>>, vector<1x16xf32>,
        %parallel_loop3A_251 = vector.shape_cast %parallel_loop3A_250 : vector<1x16xf32> to vector<16xf32>
        %parallel_loop3A_252 = arith.addf %parallel_loop3A_247, %parallel_loop3A_251 : vector<16xf32>
        %parallel_loop3A_253 = arith.index_cast %parallel_loop3A_236 : i32 to index
        %parallel_loop3A_254 = arith.constant 0 : index
        %parallel_loop3A_255 = tpu.vector_load %arg10[%parallel_loop3A_253, %parallel_loop3A_254] {strides = array<i32>} : memref<128x64xf32, #tpu.memory_space<vmem>>, vector<1x16xf32>,
        %parallel_loop3A_256 = vector.shape_cast %parallel_loop3A_255 : vector<1x16xf32> to vector<16xf32>
        %parallel_loop3A_257 = vector.shape_cast %parallel_loop3A_252 : vector<16xf32> to vector<1x16xf32>
        tpu.vector_store %arg10[%parallel_loop3A_253, %parallel_loop3A_254], %parallel_loop3A_257 {strides = array<i32>} : memref<128x64xf32, #tpu.memory_space<vmem>>, vector<1x16xf32>,
        %parallel_loop3A_258 = arith.index_cast %parallel_loop3A_236 : i32 to index
        %parallel_loop3A_259 = arith.constant 16 : index
        %parallel_loop3A_260 = tpu.vector_load %arg8[%parallel_loop3A_258, %parallel_loop3A_259] {strides = array<i32>} : memref<128x128xf32, #tpu.memory_space<vmem>>, vector<1x16xf32>,
        %parallel_loop3A_261 = vector.shape_cast %parallel_loop3A_260 : vector<1x16xf32> to vector<16xf32>
        %parallel_loop3A_262 = arith.index_cast %parallel_loop3A_243 : i32 to index
        %parallel_loop3A_263 = arith.constant 16 : index
        %parallel_loop3A_264 = tpu.vector_load %arg11[%parallel_loop3A_262, %parallel_loop3A_263] {strides = array<i32>} : memref<200x128xf32, #tpu.memory_space<vmem>>, vector<1x16xf32>,
        %parallel_loop3A_265 = vector.shape_cast %parallel_loop3A_264 : vector<1x16xf32> to vector<16xf32>
        %parallel_loop3A_266 = arith.addf %parallel_loop3A_261, %parallel_loop3A_265 : vector<16xf32>
        %parallel_loop3A_267 = arith.index_cast %parallel_loop3A_236 : i32 to index
        %parallel_loop3A_268 = arith.constant 16 : index
        %parallel_loop3A_269 = tpu.vector_load %arg10[%parallel_loop3A_267, %parallel_loop3A_268] {strides = array<i32>} : memref<128x64xf32, #tpu.memory_space<vmem>>, vector<1x16xf32>,
        %parallel_loop3A_270 = vector.shape_cast %parallel_loop3A_269 : vector<1x16xf32> to vector<16xf32>
        %parallel_loop3A_271 = vector.shape_cast %parallel_loop3A_266 : vector<16xf32> to vector<1x16xf32>
        tpu.vector_store %arg10[%parallel_loop3A_267, %parallel_loop3A_268], %parallel_loop3A_271 {strides = array<i32>} : memref<128x64xf32, #tpu.memory_space<vmem>>, vector<1x16xf32>,
        %parallel_loop3A_272 = arith.index_cast %parallel_loop3A_236 : i32 to index
        %parallel_loop3A_273 = arith.constant 32 : index
        %parallel_loop3A_274 = tpu.vector_load %arg8[%parallel_loop3A_272, %parallel_loop3A_273] {strides = array<i32>} : memref<128x128xf32, #tpu.memory_space<vmem>>, vector<1x16xf32>,
        %parallel_loop3A_275 = vector.shape_cast %parallel_loop3A_274 : vector<1x16xf32> to vector<16xf32>
        %parallel_loop3A_276 = arith.index_cast %parallel_loop3A_243 : i32 to index
        %parallel_loop3A_277 = arith.constant 32 : index
        %parallel_loop3A_278 = tpu.vector_load %arg11[%parallel_loop3A_276, %parallel_loop3A_277] {strides = array<i32>} : memref<200x128xf32, #tpu.memory_space<vmem>>, vector<1x16xf32>,
        %parallel_loop3A_279 = vector.shape_cast %parallel_loop3A_278 : vector<1x16xf32> to vector<16xf32>
        %parallel_loop3A_280 = arith.addf %parallel_loop3A_275, %parallel_loop3A_279 : vector<16xf32>
        %parallel_loop3A_281 = arith.index_cast %parallel_loop3A_236 : i32 to index
        %parallel_loop3A_282 = arith.constant 32 : index
        %parallel_loop3A_283 = tpu.vector_load %arg10[%parallel_loop3A_281, %parallel_loop3A_282] {strides = array<i32>} : memref<128x64xf32, #tpu.memory_space<vmem>>, vector<1x16xf32>,
        %parallel_loop3A_284 = vector.shape_cast %parallel_loop3A_283 : vector<1x16xf32> to vector<16xf32>
        %parallel_loop3A_285 = vector.shape_cast %parallel_loop3A_280 : vector<16xf32> to vector<1x16xf32>
        tpu.vector_store %arg10[%parallel_loop3A_281, %parallel_loop3A_282], %parallel_loop3A_285 {strides = array<i32>} : memref<128x64xf32, #tpu.memory_space<vmem>>, vector<1x16xf32>,
        %parallel_loop3A_286 = arith.index_cast %parallel_loop3A_236 : i32 to index
        %parallel_loop3A_287 = arith.constant 48 : index
        %parallel_loop3A_288 = tpu.vector_load %arg8[%parallel_loop3A_286, %parallel_loop3A_287] {strides = array<i32>} : memref<128x128xf32, #tpu.memory_space<vmem>>, vector<1x16xf32>,
        %parallel_loop3A_289 = vector.shape_cast %parallel_loop3A_288 : vector<1x16xf32> to vector<16xf32>
        %parallel_loop3A_290 = arith.index_cast %parallel_loop3A_243 : i32 to index
        %parallel_loop3A_291 = arith.constant 48 : index
        %parallel_loop3A_292 = tpu.vector_load %arg11[%parallel_loop3A_290, %parallel_loop3A_291] {strides = array<i32>} : memref<200x128xf32, #tpu.memory_space<vmem>>, vector<1x16xf32>,
        %parallel_loop3A_293 = vector.shape_cast %parallel_loop3A_292 : vector<1x16xf32> to vector<16xf32>
        %parallel_loop3A_294 = arith.addf %parallel_loop3A_289, %parallel_loop3A_293 : vector<16xf32>
        %parallel_loop3A_295 = arith.index_cast %parallel_loop3A_236 : i32 to index
        %parallel_loop3A_296 = arith.constant 48 : index
        %parallel_loop3A_297 = tpu.vector_load %arg10[%parallel_loop3A_295, %parallel_loop3A_296] {strides = array<i32>} : memref<128x64xf32, #tpu.memory_space<vmem>>, vector<1x16xf32>,
        %parallel_loop3A_298 = vector.shape_cast %parallel_loop3A_297 : vector<1x16xf32> to vector<16xf32>
        %parallel_loop3A_299 = vector.shape_cast %parallel_loop3A_294 : vector<16xf32> to vector<1x16xf32>
        tpu.vector_store %arg10[%parallel_loop3A_295, %parallel_loop3A_296], %parallel_loop3A_299 {strides = array<i32>} : memref<128x64xf32, #tpu.memory_space<vmem>>, vector<1x16xf32>,
        %parallel_loop3A_300 = arith.constant 8 : i32
        %parallel_loop3A_301 = arith.muli %parallel_loop3A_300, %parallel_loop3A_97 : i32
        %parallel_loop3A_302 = arith.constant 3 : i32
        %parallel_loop3A_303 = arith.addi %parallel_loop3A_301, %parallel_loop3A_302 : i32
        %parallel_loop3A_304 = arith.constant 3 : i32
        %parallel_loop3A_305 = arith.addi %parallel_loop3A_98, %parallel_loop3A_304 : i32
        %parallel_loop3A_306 = arith.constant 200 : i32
        %parallel_loop3A_307 = arith.cmpi sge, %parallel_loop3A_305, %parallel_loop3A_306 : i32
        %parallel_loop3A_308 = arith.constant 200 : i32
        %parallel_loop3A_309 = arith.subi %parallel_loop3A_305, %parallel_loop3A_308 : i32
        %parallel_loop3A_310 = arith.select %parallel_loop3A_307, %parallel_loop3A_309, %parallel_loop3A_305 : i32
        %parallel_loop3A_311 = arith.index_cast %parallel_loop3A_303 : i32 to index
        %parallel_loop3A_312 = arith.constant 0 : index
        %parallel_loop3A_313 = tpu.vector_load %arg8[%parallel_loop3A_311, %parallel_loop3A_312] {strides = array<i32>} : memref<128x128xf32, #tpu.memory_space<vmem>>, vector<1x16xf32>,
        %parallel_loop3A_314 = vector.shape_cast %parallel_loop3A_313 : vector<1x16xf32> to vector<16xf32>
        %parallel_loop3A_315 = arith.index_cast %parallel_loop3A_310 : i32 to index
        %parallel_loop3A_316 = arith.constant 0 : index
        %parallel_loop3A_317 = tpu.vector_load %arg11[%parallel_loop3A_315, %parallel_loop3A_316] {strides = array<i32>} : memref<200x128xf32, #tpu.memory_space<vmem>>, vector<1x16xf32>,
        %parallel_loop3A_318 = vector.shape_cast %parallel_loop3A_317 : vector<1x16xf32> to vector<16xf32>
        %parallel_loop3A_319 = arith.addf %parallel_loop3A_314, %parallel_loop3A_318 : vector<16xf32>
        %parallel_loop3A_320 = arith.index_cast %parallel_loop3A_303 : i32 to index
        %parallel_loop3A_321 = arith.constant 0 : index
        %parallel_loop3A_322 = tpu.vector_load %arg10[%parallel_loop3A_320, %parallel_loop3A_321] {strides = array<i32>} : memref<128x64xf32, #tpu.memory_space<vmem>>, vector<1x16xf32>,
        %parallel_loop3A_323 = vector.shape_cast %parallel_loop3A_322 : vector<1x16xf32> to vector<16xf32>
        %parallel_loop3A_324 = vector.shape_cast %parallel_loop3A_319 : vector<16xf32> to vector<1x16xf32>
        tpu.vector_store %arg10[%parallel_loop3A_320, %parallel_loop3A_321], %parallel_loop3A_324 {strides = array<i32>} : memref<128x64xf32, #tpu.memory_space<vmem>>, vector<1x16xf32>,
        %parallel_loop3A_325 = arith.index_cast %parallel_loop3A_303 : i32 to index
        %parallel_loop3A_326 = arith.constant 16 : index
        %parallel_loop3A_327 = tpu.vector_load %arg8[%parallel_loop3A_325, %parallel_loop3A_326] {strides = array<i32>} : memref<128x128xf32, #tpu.memory_space<vmem>>, vector<1x16xf32>,
        %parallel_loop3A_328 = vector.shape_cast %parallel_loop3A_327 : vector<1x16xf32> to vector<16xf32>
        %parallel_loop3A_329 = arith.index_cast %parallel_loop3A_310 : i32 to index
        %parallel_loop3A_330 = arith.constant 16 : index
        %parallel_loop3A_331 = tpu.vector_load %arg11[%parallel_loop3A_329, %parallel_loop3A_330] {strides = array<i32>} : memref<200x128xf32, #tpu.memory_space<vmem>>, vector<1x16xf32>,
        %parallel_loop3A_332 = vector.shape_cast %parallel_loop3A_331 : vector<1x16xf32> to vector<16xf32>
        %parallel_loop3A_333 = arith.addf %parallel_loop3A_328, %parallel_loop3A_332 : vector<16xf32>
        %parallel_loop3A_334 = arith.index_cast %parallel_loop3A_303 : i32 to index
        %parallel_loop3A_335 = arith.constant 16 : index
        %parallel_loop3A_336 = tpu.vector_load %arg10[%parallel_loop3A_334, %parallel_loop3A_335] {strides = array<i32>} : memref<128x64xf32, #tpu.memory_space<vmem>>, vector<1x16xf32>,
        %parallel_loop3A_337 = vector.shape_cast %parallel_loop3A_336 : vector<1x16xf32> to vector<16xf32>
        %parallel_loop3A_338 = vector.shape_cast %parallel_loop3A_333 : vector<16xf32> to vector<1x16xf32>
        tpu.vector_store %arg10[%parallel_loop3A_334, %parallel_loop3A_335], %parallel_loop3A_338 {strides = array<i32>} : memref<128x64xf32, #tpu.memory_space<vmem>>, vector<1x16xf32>,
        %parallel_loop3A_339 = arith.index_cast %parallel_loop3A_303 : i32 to index
        %parallel_loop3A_340 = arith.constant 32 : index
        %parallel_loop3A_341 = tpu.vector_load %arg8[%parallel_loop3A_339, %parallel_loop3A_340] {strides = array<i32>} : memref<128x128xf32, #tpu.memory_space<vmem>>, vector<1x16xf32>,
        %parallel_loop3A_342 = vector.shape_cast %parallel_loop3A_341 : vector<1x16xf32> to vector<16xf32>
        %parallel_loop3A_343 = arith.index_cast %parallel_loop3A_310 : i32 to index
        %parallel_loop3A_344 = arith.constant 32 : index
        %parallel_loop3A_345 = tpu.vector_load %arg11[%parallel_loop3A_343, %parallel_loop3A_344] {strides = array<i32>} : memref<200x128xf32, #tpu.memory_space<vmem>>, vector<1x16xf32>,
        %parallel_loop3A_346 = vector.shape_cast %parallel_loop3A_345 : vector<1x16xf32> to vector<16xf32>
        %parallel_loop3A_347 = arith.addf %parallel_loop3A_342, %parallel_loop3A_346 : vector<16xf32>
        %parallel_loop3A_348 = arith.index_cast %parallel_loop3A_303 : i32 to index
        %parallel_loop3A_349 = arith.constant 32 : index
        %parallel_loop3A_350 = tpu.vector_load %arg10[%parallel_loop3A_348, %parallel_loop3A_349] {strides = array<i32>} : memref<128x64xf32, #tpu.memory_space<vmem>>, vector<1x16xf32>,
        %parallel_loop3A_351 = vector.shape_cast %parallel_loop3A_350 : vector<1x16xf32> to vector<16xf32>
        %parallel_loop3A_352 = vector.shape_cast %parallel_loop3A_347 : vector<16xf32> to vector<1x16xf32>
        tpu.vector_store %arg10[%parallel_loop3A_348, %parallel_loop3A_349], %parallel_loop3A_352 {strides = array<i32>} : memref<128x64xf32, #tpu.memory_space<vmem>>, vector<1x16xf32>,
        %parallel_loop3A_353 = arith.index_cast %parallel_loop3A_303 : i32 to index
        %parallel_loop3A_354 = arith.constant 48 : index
        %parallel_loop3A_355 = tpu.vector_load %arg8[%parallel_loop3A_353, %parallel_loop3A_354] {strides = array<i32>} : memref<128x128xf32, #tpu.memory_space<vmem>>, vector<1x16xf32>,
        %parallel_loop3A_356 = vector.shape_cast %parallel_loop3A_355 : vector<1x16xf32> to vector<16xf32>
        %parallel_loop3A_357 = arith.index_cast %parallel_loop3A_310 : i32 to index
        %parallel_loop3A_358 = arith.constant 48 : index
        %parallel_loop3A_359 = tpu.vector_load %arg11[%parallel_loop3A_357, %parallel_loop3A_358] {strides = array<i32>} : memref<200x128xf32, #tpu.memory_space<vmem>>, vector<1x16xf32>,
        %parallel_loop3A_360 = vector.shape_cast %parallel_loop3A_359 : vector<1x16xf32> to vector<16xf32>
        %parallel_loop3A_361 = arith.addf %parallel_loop3A_356, %parallel_loop3A_360 : vector<16xf32>
        %parallel_loop3A_362 = arith.index_cast %parallel_loop3A_303 : i32 to index
        %parallel_loop3A_363 = arith.constant 48 : index
        %parallel_loop3A_364 = tpu.vector_load %arg10[%parallel_loop3A_362, %parallel_loop3A_363] {strides = array<i32>} : memref<128x64xf32, #tpu.memory_space<vmem>>, vector<1x16xf32>,
        %parallel_loop3A_365 = vector.shape_cast %parallel_loop3A_364 : vector<1x16xf32> to vector<16xf32>
        %parallel_loop3A_366 = vector.shape_cast %parallel_loop3A_361 : vector<16xf32> to vector<1x16xf32>
        tpu.vector_store %arg10[%parallel_loop3A_362, %parallel_loop3A_363], %parallel_loop3A_366 {strides = array<i32>} : memref<128x64xf32, #tpu.memory_space<vmem>>, vector<1x16xf32>,
        %parallel_loop3A_367 = arith.constant 8 : i32
        %parallel_loop3A_368 = arith.muli %parallel_loop3A_367, %parallel_loop3A_97 : i32
        %parallel_loop3A_369 = arith.constant 4 : i32
        %parallel_loop3A_370 = arith.addi %parallel_loop3A_368, %parallel_loop3A_369 : i32
        %parallel_loop3A_371 = arith.constant 4 : i32
        %parallel_loop3A_372 = arith.addi %parallel_loop3A_98, %parallel_loop3A_371 : i32
        %parallel_loop3A_373 = arith.constant 200 : i32
        %parallel_loop3A_374 = arith.cmpi sge, %parallel_loop3A_372, %parallel_loop3A_373 : i32
        %parallel_loop3A_375 = arith.constant 200 : i32
        %parallel_loop3A_376 = arith.subi %parallel_loop3A_372, %parallel_loop3A_375 : i32
        %parallel_loop3A_377 = arith.select %parallel_loop3A_374, %parallel_loop3A_376, %parallel_loop3A_372 : i32
        %parallel_loop3A_378 = arith.index_cast %parallel_loop3A_370 : i32 to index
        %parallel_loop3A_379 = arith.constant 0 : index
        %parallel_loop3A_380 = tpu.vector_load %arg8[%parallel_loop3A_378, %parallel_loop3A_379] {strides = array<i32>} : memref<128x128xf32, #tpu.memory_space<vmem>>, vector<1x16xf32>,
        %parallel_loop3A_381 = vector.shape_cast %parallel_loop3A_380 : vector<1x16xf32> to vector<16xf32>
        %parallel_loop3A_382 = arith.index_cast %parallel_loop3A_377 : i32 to index
        %parallel_loop3A_383 = arith.constant 0 : index
        %parallel_loop3A_384 = tpu.vector_load %arg11[%parallel_loop3A_382, %parallel_loop3A_383] {strides = array<i32>} : memref<200x128xf32, #tpu.memory_space<vmem>>, vector<1x16xf32>,
        %parallel_loop3A_385 = vector.shape_cast %parallel_loop3A_384 : vector<1x16xf32> to vector<16xf32>
        %parallel_loop3A_386 = arith.addf %parallel_loop3A_381, %parallel_loop3A_385 : vector<16xf32>
        %parallel_loop3A_387 = arith.index_cast %parallel_loop3A_370 : i32 to index
        %parallel_loop3A_388 = arith.constant 0 : index
        %parallel_loop3A_389 = tpu.vector_load %arg10[%parallel_loop3A_387, %parallel_loop3A_388] {strides = array<i32>} : memref<128x64xf32, #tpu.memory_space<vmem>>, vector<1x16xf32>,
        %parallel_loop3A_390 = vector.shape_cast %parallel_loop3A_389 : vector<1x16xf32> to vector<16xf32>
        %parallel_loop3A_391 = vector.shape_cast %parallel_loop3A_386 : vector<16xf32> to vector<1x16xf32>
        tpu.vector_store %arg10[%parallel_loop3A_387, %parallel_loop3A_388], %parallel_loop3A_391 {strides = array<i32>} : memref<128x64xf32, #tpu.memory_space<vmem>>, vector<1x16xf32>,
        %parallel_loop3A_392 = arith.index_cast %parallel_loop3A_370 : i32 to index
        %parallel_loop3A_393 = arith.constant 16 : index
        %parallel_loop3A_394 = tpu.vector_load %arg8[%parallel_loop3A_392, %parallel_loop3A_393] {strides = array<i32>} : memref<128x128xf32, #tpu.memory_space<vmem>>, vector<1x16xf32>,
        %parallel_loop3A_395 = vector.shape_cast %parallel_loop3A_394 : vector<1x16xf32> to vector<16xf32>
        %parallel_loop3A_396 = arith.index_cast %parallel_loop3A_377 : i32 to index
        %parallel_loop3A_397 = arith.constant 16 : index
        %parallel_loop3A_398 = tpu.vector_load %arg11[%parallel_loop3A_396, %parallel_loop3A_397] {strides = array<i32>} : memref<200x128xf32, #tpu.memory_space<vmem>>, vector<1x16xf32>,
        %parallel_loop3A_399 = vector.shape_cast %parallel_loop3A_398 : vector<1x16xf32> to vector<16xf32>
        %parallel_loop3A_400 = arith.addf %parallel_loop3A_395, %parallel_loop3A_399 : vector<16xf32>
        %parallel_loop3A_401 = arith.index_cast %parallel_loop3A_370 : i32 to index
        %parallel_loop3A_402 = arith.constant 16 : index
        %parallel_loop3A_403 = tpu.vector_load %arg10[%parallel_loop3A_401, %parallel_loop3A_402] {strides = array<i32>} : memref<128x64xf32, #tpu.memory_space<vmem>>, vector<1x16xf32>,
        %parallel_loop3A_404 = vector.shape_cast %parallel_loop3A_403 : vector<1x16xf32> to vector<16xf32>
        %parallel_loop3A_405 = vector.shape_cast %parallel_loop3A_400 : vector<16xf32> to vector<1x16xf32>
        tpu.vector_store %arg10[%parallel_loop3A_401, %parallel_loop3A_402], %parallel_loop3A_405 {strides = array<i32>} : memref<128x64xf32, #tpu.memory_space<vmem>>, vector<1x16xf32>,
        %parallel_loop3A_406 = arith.index_cast %parallel_loop3A_370 : i32 to index
        %parallel_loop3A_407 = arith.constant 32 : index
        %parallel_loop3A_408 = tpu.vector_load %arg8[%parallel_loop3A_406, %parallel_loop3A_407] {strides = array<i32>} : memref<128x128xf32, #tpu.memory_space<vmem>>, vector<1x16xf32>,
        %parallel_loop3A_409 = vector.shape_cast %parallel_loop3A_408 : vector<1x16xf32> to vector<16xf32>
        %parallel_loop3A_410 = arith.index_cast %parallel_loop3A_377 : i32 to index
        %parallel_loop3A_411 = arith.constant 32 : index
        %parallel_loop3A_412 = tpu.vector_load %arg11[%parallel_loop3A_410, %parallel_loop3A_411] {strides = array<i32>} : memref<200x128xf32, #tpu.memory_space<vmem>>, vector<1x16xf32>,
        %parallel_loop3A_413 = vector.shape_cast %parallel_loop3A_412 : vector<1x16xf32> to vector<16xf32>
        %parallel_loop3A_414 = arith.addf %parallel_loop3A_409, %parallel_loop3A_413 : vector<16xf32>
        %parallel_loop3A_415 = arith.index_cast %parallel_loop3A_370 : i32 to index
        %parallel_loop3A_416 = arith.constant 32 : index
        %parallel_loop3A_417 = tpu.vector_load %arg10[%parallel_loop3A_415, %parallel_loop3A_416] {strides = array<i32>} : memref<128x64xf32, #tpu.memory_space<vmem>>, vector<1x16xf32>,
        %parallel_loop3A_418 = vector.shape_cast %parallel_loop3A_417 : vector<1x16xf32> to vector<16xf32>
        %parallel_loop3A_419 = vector.shape_cast %parallel_loop3A_414 : vector<16xf32> to vector<1x16xf32>
        tpu.vector_store %arg10[%parallel_loop3A_415, %parallel_loop3A_416], %parallel_loop3A_419 {strides = array<i32>} : memref<128x64xf32, #tpu.memory_space<vmem>>, vector<1x16xf32>,
        %parallel_loop3A_420 = arith.index_cast %parallel_loop3A_370 : i32 to index
        %parallel_loop3A_421 = arith.constant 48 : index
        %parallel_loop3A_422 = tpu.vector_load %arg8[%parallel_loop3A_420, %parallel_loop3A_421] {strides = array<i32>} : memref<128x128xf32, #tpu.memory_space<vmem>>, vector<1x16xf32>,
        %parallel_loop3A_423 = vector.shape_cast %parallel_loop3A_422 : vector<1x16xf32> to vector<16xf32>
        %parallel_loop3A_424 = arith.index_cast %parallel_loop3A_377 : i32 to index
        %parallel_loop3A_425 = arith.constant 48 : index
        %parallel_loop3A_426 = tpu.vector_load %arg11[%parallel_loop3A_424, %parallel_loop3A_425] {strides = array<i32>} : memref<200x128xf32, #tpu.memory_space<vmem>>, vector<1x16xf32>,
        %parallel_loop3A_427 = vector.shape_cast %parallel_loop3A_426 : vector<1x16xf32> to vector<16xf32>
        %parallel_loop3A_428 = arith.addf %parallel_loop3A_423, %parallel_loop3A_427 : vector<16xf32>
        %parallel_loop3A_429 = arith.index_cast %parallel_loop3A_370 : i32 to index
        %parallel_loop3A_430 = arith.constant 48 : index
        %parallel_loop3A_431 = tpu.vector_load %arg10[%parallel_loop3A_429, %parallel_loop3A_430] {strides = array<i32>} : memref<128x64xf32, #tpu.memory_space<vmem>>, vector<1x16xf32>,
        %parallel_loop3A_432 = vector.shape_cast %parallel_loop3A_431 : vector<1x16xf32> to vector<16xf32>
        %parallel_loop3A_433 = vector.shape_cast %parallel_loop3A_428 : vector<16xf32> to vector<1x16xf32>
        tpu.vector_store %arg10[%parallel_loop3A_429, %parallel_loop3A_430], %parallel_loop3A_433 {strides = array<i32>} : memref<128x64xf32, #tpu.memory_space<vmem>>, vector<1x16xf32>,
        %parallel_loop3A_434 = arith.constant 8 : i32
        %parallel_loop3A_435 = arith.muli %parallel_loop3A_434, %parallel_loop3A_97 : i32
        %parallel_loop3A_436 = arith.constant 5 : i32
        %parallel_loop3A_437 = arith.addi %parallel_loop3A_435, %parallel_loop3A_436 : i32
        %parallel_loop3A_438 = arith.constant 5 : i32
        %parallel_loop3A_439 = arith.addi %parallel_loop3A_98, %parallel_loop3A_438 : i32
        %parallel_loop3A_440 = arith.constant 200 : i32
        %parallel_loop3A_441 = arith.cmpi sge, %parallel_loop3A_439, %parallel_loop3A_440 : i32
        %parallel_loop3A_442 = arith.constant 200 : i32
        %parallel_loop3A_443 = arith.subi %parallel_loop3A_439, %parallel_loop3A_442 : i32
        %parallel_loop3A_444 = arith.select %parallel_loop3A_441, %parallel_loop3A_443, %parallel_loop3A_439 : i32
        %parallel_loop3A_445 = arith.index_cast %parallel_loop3A_437 : i32 to index
        %parallel_loop3A_446 = arith.constant 0 : index
        %parallel_loop3A_447 = tpu.vector_load %arg8[%parallel_loop3A_445, %parallel_loop3A_446] {strides = array<i32>} : memref<128x128xf32, #tpu.memory_space<vmem>>, vector<1x16xf32>,
        %parallel_loop3A_448 = vector.shape_cast %parallel_loop3A_447 : vector<1x16xf32> to vector<16xf32>
        %parallel_loop3A_449 = arith.index_cast %parallel_loop3A_444 : i32 to index
        %parallel_loop3A_450 = arith.constant 0 : index
        %parallel_loop3A_451 = tpu.vector_load %arg11[%parallel_loop3A_449, %parallel_loop3A_450] {strides = array<i32>} : memref<200x128xf32, #tpu.memory_space<vmem>>, vector<1x16xf32>,
        %parallel_loop3A_452 = vector.shape_cast %parallel_loop3A_451 : vector<1x16xf32> to vector<16xf32>
        %parallel_loop3A_453 = arith.addf %parallel_loop3A_448, %parallel_loop3A_452 : vector<16xf32>
        %parallel_loop3A_454 = arith.index_cast %parallel_loop3A_437 : i32 to index
        %parallel_loop3A_455 = arith.constant 0 : index
        %parallel_loop3A_456 = tpu.vector_load %arg10[%parallel_loop3A_454, %parallel_loop3A_455] {strides = array<i32>} : memref<128x64xf32, #tpu.memory_space<vmem>>, vector<1x16xf32>,
        %parallel_loop3A_457 = vector.shape_cast %parallel_loop3A_456 : vector<1x16xf32> to vector<16xf32>
        %parallel_loop3A_458 = vector.shape_cast %parallel_loop3A_453 : vector<16xf32> to vector<1x16xf32>
        tpu.vector_store %arg10[%parallel_loop3A_454, %parallel_loop3A_455], %parallel_loop3A_458 {strides = array<i32>} : memref<128x64xf32, #tpu.memory_space<vmem>>, vector<1x16xf32>,
        %parallel_loop3A_459 = arith.index_cast %parallel_loop3A_437 : i32 to index
        %parallel_loop3A_460 = arith.constant 16 : index
        %parallel_loop3A_461 = tpu.vector_load %arg8[%parallel_loop3A_459, %parallel_loop3A_460] {strides = array<i32>} : memref<128x128xf32, #tpu.memory_space<vmem>>, vector<1x16xf32>,
        %parallel_loop3A_462 = vector.shape_cast %parallel_loop3A_461 : vector<1x16xf32> to vector<16xf32>
        %parallel_loop3A_463 = arith.index_cast %parallel_loop3A_444 : i32 to index
        %parallel_loop3A_464 = arith.constant 16 : index
        %parallel_loop3A_465 = tpu.vector_load %arg11[%parallel_loop3A_463, %parallel_loop3A_464] {strides = array<i32>} : memref<200x128xf32, #tpu.memory_space<vmem>>, vector<1x16xf32>,
        %parallel_loop3A_466 = vector.shape_cast %parallel_loop3A_465 : vector<1x16xf32> to vector<16xf32>
        %parallel_loop3A_467 = arith.addf %parallel_loop3A_462, %parallel_loop3A_466 : vector<16xf32>
        %parallel_loop3A_468 = arith.index_cast %parallel_loop3A_437 : i32 to index
        %parallel_loop3A_469 = arith.constant 16 : index
        %parallel_loop3A_470 = tpu.vector_load %arg10[%parallel_loop3A_468, %parallel_loop3A_469] {strides = array<i32>} : memref<128x64xf32, #tpu.memory_space<vmem>>, vector<1x16xf32>,
        %parallel_loop3A_471 = vector.shape_cast %parallel_loop3A_470 : vector<1x16xf32> to vector<16xf32>
        %parallel_loop3A_472 = vector.shape_cast %parallel_loop3A_467 : vector<16xf32> to vector<1x16xf32>
        tpu.vector_store %arg10[%parallel_loop3A_468, %parallel_loop3A_469], %parallel_loop3A_472 {strides = array<i32>} : memref<128x64xf32, #tpu.memory_space<vmem>>, vector<1x16xf32>,
        %parallel_loop3A_473 = arith.index_cast %parallel_loop3A_437 : i32 to index
        %parallel_loop3A_474 = arith.constant 32 : index
        %parallel_loop3A_475 = tpu.vector_load %arg8[%parallel_loop3A_473, %parallel_loop3A_474] {strides = array<i32>} : memref<128x128xf32, #tpu.memory_space<vmem>>, vector<1x16xf32>,
        %parallel_loop3A_476 = vector.shape_cast %parallel_loop3A_475 : vector<1x16xf32> to vector<16xf32>
        %parallel_loop3A_477 = arith.index_cast %parallel_loop3A_444 : i32 to index
        %parallel_loop3A_478 = arith.constant 32 : index
        %parallel_loop3A_479 = tpu.vector_load %arg11[%parallel_loop3A_477, %parallel_loop3A_478] {strides = array<i32>} : memref<200x128xf32, #tpu.memory_space<vmem>>, vector<1x16xf32>,
        %parallel_loop3A_480 = vector.shape_cast %parallel_loop3A_479 : vector<1x16xf32> to vector<16xf32>
        %parallel_loop3A_481 = arith.addf %parallel_loop3A_476, %parallel_loop3A_480 : vector<16xf32>
        %parallel_loop3A_482 = arith.index_cast %parallel_loop3A_437 : i32 to index
        %parallel_loop3A_483 = arith.constant 32 : index
        %parallel_loop3A_484 = tpu.vector_load %arg10[%parallel_loop3A_482, %parallel_loop3A_483] {strides = array<i32>} : memref<128x64xf32, #tpu.memory_space<vmem>>, vector<1x16xf32>,
        %parallel_loop3A_485 = vector.shape_cast %parallel_loop3A_484 : vector<1x16xf32> to vector<16xf32>
        %parallel_loop3A_486 = vector.shape_cast %parallel_loop3A_481 : vector<16xf32> to vector<1x16xf32>
        tpu.vector_store %arg10[%parallel_loop3A_482, %parallel_loop3A_483], %parallel_loop3A_486 {strides = array<i32>} : memref<128x64xf32, #tpu.memory_space<vmem>>, vector<1x16xf32>,
        %parallel_loop3A_487 = arith.index_cast %parallel_loop3A_437 : i32 to index
        %parallel_loop3A_488 = arith.constant 48 : index
        %parallel_loop3A_489 = tpu.vector_load %arg8[%parallel_loop3A_487, %parallel_loop3A_488] {strides = array<i32>} : memref<128x128xf32, #tpu.memory_space<vmem>>, vector<1x16xf32>,
        %parallel_loop3A_490 = vector.shape_cast %parallel_loop3A_489 : vector<1x16xf32> to vector<16xf32>
        %parallel_loop3A_491 = arith.index_cast %parallel_loop3A_444 : i32 to index
        %parallel_loop3A_492 = arith.constant 48 : index
        %parallel_loop3A_493 = tpu.vector_load %arg11[%parallel_loop3A_491, %parallel_loop3A_492] {strides = array<i32>} : memref<200x128xf32, #tpu.memory_space<vmem>>, vector<1x16xf32>,
        %parallel_loop3A_494 = vector.shape_cast %parallel_loop3A_493 : vector<1x16xf32> to vector<16xf32>
        %parallel_loop3A_495 = arith.addf %parallel_loop3A_490, %parallel_loop3A_494 : vector<16xf32>
        %parallel_loop3A_496 = arith.index_cast %parallel_loop3A_437 : i32 to index
        %parallel_loop3A_497 = arith.constant 48 : index
        %parallel_loop3A_498 = tpu.vector_load %arg10[%parallel_loop3A_496, %parallel_loop3A_497] {strides = array<i32>} : memref<128x64xf32, #tpu.memory_space<vmem>>, vector<1x16xf32>,
        %parallel_loop3A_499 = vector.shape_cast %parallel_loop3A_498 : vector<1x16xf32> to vector<16xf32>
        %parallel_loop3A_500 = vector.shape_cast %parallel_loop3A_495 : vector<16xf32> to vector<1x16xf32>
        tpu.vector_store %arg10[%parallel_loop3A_496, %parallel_loop3A_497], %parallel_loop3A_500 {strides = array<i32>} : memref<128x64xf32, #tpu.memory_space<vmem>>, vector<1x16xf32>,
        %parallel_loop3A_501 = arith.constant 8 : i32
        %parallel_loop3A_502 = arith.muli %parallel_loop3A_501, %parallel_loop3A_97 : i32
        %parallel_loop3A_503 = arith.constant 6 : i32
        %parallel_loop3A_504 = arith.addi %parallel_loop3A_502, %parallel_loop3A_503 : i32
        %parallel_loop3A_505 = arith.constant 6 : i32
        %parallel_loop3A_506 = arith.addi %parallel_loop3A_98, %parallel_loop3A_505 : i32
        %parallel_loop3A_507 = arith.constant 200 : i32
        %parallel_loop3A_508 = arith.cmpi sge, %parallel_loop3A_506, %parallel_loop3A_507 : i32
        %parallel_loop3A_509 = arith.constant 200 : i32
        %parallel_loop3A_510 = arith.subi %parallel_loop3A_506, %parallel_loop3A_509 : i32
        %parallel_loop3A_511 = arith.select %parallel_loop3A_508, %parallel_loop3A_510, %parallel_loop3A_506 : i32
        %parallel_loop3A_512 = arith.index_cast %parallel_loop3A_504 : i32 to index
        %parallel_loop3A_513 = arith.constant 0 : index
        %parallel_loop3A_514 = tpu.vector_load %arg8[%parallel_loop3A_512, %parallel_loop3A_513] {strides = array<i32>} : memref<128x128xf32, #tpu.memory_space<vmem>>, vector<1x16xf32>,
        %parallel_loop3A_515 = vector.shape_cast %parallel_loop3A_514 : vector<1x16xf32> to vector<16xf32>
        %parallel_loop3A_516 = arith.index_cast %parallel_loop3A_511 : i32 to index
        %parallel_loop3A_517 = arith.constant 0 : index
        %parallel_loop3A_518 = tpu.vector_load %arg11[%parallel_loop3A_516, %parallel_loop3A_517] {strides = array<i32>} : memref<200x128xf32, #tpu.memory_space<vmem>>, vector<1x16xf32>,
        %parallel_loop3A_519 = vector.shape_cast %parallel_loop3A_518 : vector<1x16xf32> to vector<16xf32>
        %parallel_loop3A_520 = arith.addf %parallel_loop3A_515, %parallel_loop3A_519 : vector<16xf32>
        %parallel_loop3A_521 = arith.index_cast %parallel_loop3A_504 : i32 to index
        %parallel_loop3A_522 = arith.constant 0 : index
        %parallel_loop3A_523 = tpu.vector_load %arg10[%parallel_loop3A_521, %parallel_loop3A_522] {strides = array<i32>} : memref<128x64xf32, #tpu.memory_space<vmem>>, vector<1x16xf32>,
        %parallel_loop3A_524 = vector.shape_cast %parallel_loop3A_523 : vector<1x16xf32> to vector<16xf32>
        %parallel_loop3A_525 = vector.shape_cast %parallel_loop3A_520 : vector<16xf32> to vector<1x16xf32>
        tpu.vector_store %arg10[%parallel_loop3A_521, %parallel_loop3A_522], %parallel_loop3A_525 {strides = array<i32>} : memref<128x64xf32, #tpu.memory_space<vmem>>, vector<1x16xf32>,
        %parallel_loop3A_526 = arith.index_cast %parallel_loop3A_504 : i32 to index
        %parallel_loop3A_527 = arith.constant 16 : index
        %parallel_loop3A_528 = tpu.vector_load %arg8[%parallel_loop3A_526, %parallel_loop3A_527] {strides = array<i32>} : memref<128x128xf32, #tpu.memory_space<vmem>>, vector<1x16xf32>,
        %parallel_loop3A_529 = vector.shape_cast %parallel_loop3A_528 : vector<1x16xf32> to vector<16xf32>
        %parallel_loop3A_530 = arith.index_cast %parallel_loop3A_511 : i32 to index
        %parallel_loop3A_531 = arith.constant 16 : index
        %parallel_loop3A_532 = tpu.vector_load %arg11[%parallel_loop3A_530, %parallel_loop3A_531] {strides = array<i32>} : memref<200x128xf32, #tpu.memory_space<vmem>>, vector<1x16xf32>,
        %parallel_loop3A_533 = vector.shape_cast %parallel_loop3A_532 : vector<1x16xf32> to vector<16xf32>
        %parallel_loop3A_534 = arith.addf %parallel_loop3A_529, %parallel_loop3A_533 : vector<16xf32>
        %parallel_loop3A_535 = arith.index_cast %parallel_loop3A_504 : i32 to index
        %parallel_loop3A_536 = arith.constant 16 : index
        %parallel_loop3A_537 = tpu.vector_load %arg10[%parallel_loop3A_535, %parallel_loop3A_536] {strides = array<i32>} : memref<128x64xf32, #tpu.memory_space<vmem>>, vector<1x16xf32>,
        %parallel_loop3A_538 = vector.shape_cast %parallel_loop3A_537 : vector<1x16xf32> to vector<16xf32>
        %parallel_loop3A_539 = vector.shape_cast %parallel_loop3A_534 : vector<16xf32> to vector<1x16xf32>
        tpu.vector_store %arg10[%parallel_loop3A_535, %parallel_loop3A_536], %parallel_loop3A_539 {strides = array<i32>} : memref<128x64xf32, #tpu.memory_space<vmem>>, vector<1x16xf32>,
        %parallel_loop3A_540 = arith.index_cast %parallel_loop3A_504 : i32 to index
        %parallel_loop3A_541 = arith.constant 32 : index
        %parallel_loop3A_542 = tpu.vector_load %arg8[%parallel_loop3A_540, %parallel_loop3A_541] {strides = array<i32>} : memref<128x128xf32, #tpu.memory_space<vmem>>, vector<1x16xf32>,
        %parallel_loop3A_543 = vector.shape_cast %parallel_loop3A_542 : vector<1x16xf32> to vector<16xf32>
        %parallel_loop3A_544 = arith.index_cast %parallel_loop3A_511 : i32 to index
        %parallel_loop3A_545 = arith.constant 32 : index
        %parallel_loop3A_546 = tpu.vector_load %arg11[%parallel_loop3A_544, %parallel_loop3A_545] {strides = array<i32>} : memref<200x128xf32, #tpu.memory_space<vmem>>, vector<1x16xf32>,
        %parallel_loop3A_547 = vector.shape_cast %parallel_loop3A_546 : vector<1x16xf32> to vector<16xf32>
        %parallel_loop3A_548 = arith.addf %parallel_loop3A_543, %parallel_loop3A_547 : vector<16xf32>
        %parallel_loop3A_549 = arith.index_cast %parallel_loop3A_504 : i32 to index
        %parallel_loop3A_550 = arith.constant 32 : index
        %parallel_loop3A_551 = tpu.vector_load %arg10[%parallel_loop3A_549, %parallel_loop3A_550] {strides = array<i32>} : memref<128x64xf32, #tpu.memory_space<vmem>>, vector<1x16xf32>,
        %parallel_loop3A_552 = vector.shape_cast %parallel_loop3A_551 : vector<1x16xf32> to vector<16xf32>
        %parallel_loop3A_553 = vector.shape_cast %parallel_loop3A_548 : vector<16xf32> to vector<1x16xf32>
        tpu.vector_store %arg10[%parallel_loop3A_549, %parallel_loop3A_550], %parallel_loop3A_553 {strides = array<i32>} : memref<128x64xf32, #tpu.memory_space<vmem>>, vector<1x16xf32>,
        %parallel_loop3A_554 = arith.index_cast %parallel_loop3A_504 : i32 to index
        %parallel_loop3A_555 = arith.constant 48 : index
        %parallel_loop3A_556 = tpu.vector_load %arg8[%parallel_loop3A_554, %parallel_loop3A_555] {strides = array<i32>} : memref<128x128xf32, #tpu.memory_space<vmem>>, vector<1x16xf32>,
        %parallel_loop3A_557 = vector.shape_cast %parallel_loop3A_556 : vector<1x16xf32> to vector<16xf32>
        %parallel_loop3A_558 = arith.index_cast %parallel_loop3A_511 : i32 to index
        %parallel_loop3A_559 = arith.constant 48 : index
        %parallel_loop3A_560 = tpu.vector_load %arg11[%parallel_loop3A_558, %parallel_loop3A_559] {strides = array<i32>} : memref<200x128xf32, #tpu.memory_space<vmem>>, vector<1x16xf32>,
        %parallel_loop3A_561 = vector.shape_cast %parallel_loop3A_560 : vector<1x16xf32> to vector<16xf32>
        %parallel_loop3A_562 = arith.addf %parallel_loop3A_557, %parallel_loop3A_561 : vector<16xf32>
        %parallel_loop3A_563 = arith.index_cast %parallel_loop3A_504 : i32 to index
        %parallel_loop3A_564 = arith.constant 48 : index
        %parallel_loop3A_565 = tpu.vector_load %arg10[%parallel_loop3A_563, %parallel_loop3A_564] {strides = array<i32>} : memref<128x64xf32, #tpu.memory_space<vmem>>, vector<1x16xf32>,
        %parallel_loop3A_566 = vector.shape_cast %parallel_loop3A_565 : vector<1x16xf32> to vector<16xf32>
        %parallel_loop3A_567 = vector.shape_cast %parallel_loop3A_562 : vector<16xf32> to vector<1x16xf32>
        tpu.vector_store %arg10[%parallel_loop3A_563, %parallel_loop3A_564], %parallel_loop3A_567 {strides = array<i32>} : memref<128x64xf32, #tpu.memory_space<vmem>>, vector<1x16xf32>,
        %parallel_loop3A_568 = arith.constant 8 : i32
        %parallel_loop3A_569 = arith.muli %parallel_loop3A_568, %parallel_loop3A_97 : i32
        %parallel_loop3A_570 = arith.constant 7 : i32
        %parallel_loop3A_571 = arith.addi %parallel_loop3A_569, %parallel_loop3A_570 : i32
        %parallel_loop3A_572 = arith.constant 7 : i32
        %parallel_loop3A_573 = arith.addi %parallel_loop3A_98, %parallel_loop3A_572 : i32
        %parallel_loop3A_574 = arith.constant 200 : i32
        %parallel_loop3A_575 = arith.cmpi sge, %parallel_loop3A_573, %parallel_loop3A_574 : i32
        %parallel_loop3A_576 = arith.constant 200 : i32
        %parallel_loop3A_577 = arith.subi %parallel_loop3A_573, %parallel_loop3A_576 : i32
        %parallel_loop3A_578 = arith.select %parallel_loop3A_575, %parallel_loop3A_577, %parallel_loop3A_573 : i32
        %parallel_loop3A_579 = arith.index_cast %parallel_loop3A_571 : i32 to index
        %parallel_loop3A_580 = arith.constant 0 : index
        %parallel_loop3A_581 = tpu.vector_load %arg8[%parallel_loop3A_579, %parallel_loop3A_580] {strides = array<i32>} : memref<128x128xf32, #tpu.memory_space<vmem>>, vector<1x16xf32>,
        %parallel_loop3A_582 = vector.shape_cast %parallel_loop3A_581 : vector<1x16xf32> to vector<16xf32>
        %parallel_loop3A_583 = arith.index_cast %parallel_loop3A_578 : i32 to index
        %parallel_loop3A_584 = arith.constant 0 : index
        %parallel_loop3A_585 = tpu.vector_load %arg11[%parallel_loop3A_583, %parallel_loop3A_584] {strides = array<i32>} : memref<200x128xf32, #tpu.memory_space<vmem>>, vector<1x16xf32>,
        %parallel_loop3A_586 = vector.shape_cast %parallel_loop3A_585 : vector<1x16xf32> to vector<16xf32>
        %parallel_loop3A_587 = arith.addf %parallel_loop3A_582, %parallel_loop3A_586 : vector<16xf32>
        %parallel_loop3A_588 = arith.index_cast %parallel_loop3A_571 : i32 to index
        %parallel_loop3A_589 = arith.constant 0 : index
        %parallel_loop3A_590 = tpu.vector_load %arg10[%parallel_loop3A_588, %parallel_loop3A_589] {strides = array<i32>} : memref<128x64xf32, #tpu.memory_space<vmem>>, vector<1x16xf32>,
        %parallel_loop3A_591 = vector.shape_cast %parallel_loop3A_590 : vector<1x16xf32> to vector<16xf32>
        %parallel_loop3A_592 = vector.shape_cast %parallel_loop3A_587 : vector<16xf32> to vector<1x16xf32>
        tpu.vector_store %arg10[%parallel_loop3A_588, %parallel_loop3A_589], %parallel_loop3A_592 {strides = array<i32>} : memref<128x64xf32, #tpu.memory_space<vmem>>, vector<1x16xf32>,
        %parallel_loop3A_593 = arith.index_cast %parallel_loop3A_571 : i32 to index
        %parallel_loop3A_594 = arith.constant 16 : index
        %parallel_loop3A_595 = tpu.vector_load %arg8[%parallel_loop3A_593, %parallel_loop3A_594] {strides = array<i32>} : memref<128x128xf32, #tpu.memory_space<vmem>>, vector<1x16xf32>,
        %parallel_loop3A_596 = vector.shape_cast %parallel_loop3A_595 : vector<1x16xf32> to vector<16xf32>
        %parallel_loop3A_597 = arith.index_cast %parallel_loop3A_578 : i32 to index
        %parallel_loop3A_598 = arith.constant 16 : index
        %parallel_loop3A_599 = tpu.vector_load %arg11[%parallel_loop3A_597, %parallel_loop3A_598] {strides = array<i32>} : memref<200x128xf32, #tpu.memory_space<vmem>>, vector<1x16xf32>,
        %parallel_loop3A_600 = vector.shape_cast %parallel_loop3A_599 : vector<1x16xf32> to vector<16xf32>
        %parallel_loop3A_601 = arith.addf %parallel_loop3A_596, %parallel_loop3A_600 : vector<16xf32>
        %parallel_loop3A_602 = arith.index_cast %parallel_loop3A_571 : i32 to index
        %parallel_loop3A_603 = arith.constant 16 : index
        %parallel_loop3A_604 = tpu.vector_load %arg10[%parallel_loop3A_602, %parallel_loop3A_603] {strides = array<i32>} : memref<128x64xf32, #tpu.memory_space<vmem>>, vector<1x16xf32>,
        %parallel_loop3A_605 = vector.shape_cast %parallel_loop3A_604 : vector<1x16xf32> to vector<16xf32>
        %parallel_loop3A_606 = vector.shape_cast %parallel_loop3A_601 : vector<16xf32> to vector<1x16xf32>
        tpu.vector_store %arg10[%parallel_loop3A_602, %parallel_loop3A_603], %parallel_loop3A_606 {strides = array<i32>} : memref<128x64xf32, #tpu.memory_space<vmem>>, vector<1x16xf32>,
        %parallel_loop3A_607 = arith.index_cast %parallel_loop3A_571 : i32 to index
        %parallel_loop3A_608 = arith.constant 32 : index
        %parallel_loop3A_609 = tpu.vector_load %arg8[%parallel_loop3A_607, %parallel_loop3A_608] {strides = array<i32>} : memref<128x128xf32, #tpu.memory_space<vmem>>, vector<1x16xf32>,
        %parallel_loop3A_610 = vector.shape_cast %parallel_loop3A_609 : vector<1x16xf32> to vector<16xf32>
        %parallel_loop3A_611 = arith.index_cast %parallel_loop3A_578 : i32 to index
        %parallel_loop3A_612 = arith.constant 32 : index
        %parallel_loop3A_613 = tpu.vector_load %arg11[%parallel_loop3A_611, %parallel_loop3A_612] {strides = array<i32>} : memref<200x128xf32, #tpu.memory_space<vmem>>, vector<1x16xf32>,
        %parallel_loop3A_614 = vector.shape_cast %parallel_loop3A_613 : vector<1x16xf32> to vector<16xf32>
        %parallel_loop3A_615 = arith.addf %parallel_loop3A_610, %parallel_loop3A_614 : vector<16xf32>
        %parallel_loop3A_616 = arith.index_cast %parallel_loop3A_571 : i32 to index
        %parallel_loop3A_617 = arith.constant 32 : index
        %parallel_loop3A_618 = tpu.vector_load %arg10[%parallel_loop3A_616, %parallel_loop3A_617] {strides = array<i32>} : memref<128x64xf32, #tpu.memory_space<vmem>>, vector<1x16xf32>,
        %parallel_loop3A_619 = vector.shape_cast %parallel_loop3A_618 : vector<1x16xf32> to vector<16xf32>
        %parallel_loop3A_620 = vector.shape_cast %parallel_loop3A_615 : vector<16xf32> to vector<1x16xf32>
        tpu.vector_store %arg10[%parallel_loop3A_616, %parallel_loop3A_617], %parallel_loop3A_620 {strides = array<i32>} : memref<128x64xf32, #tpu.memory_space<vmem>>, vector<1x16xf32>,
        %parallel_loop3A_621 = arith.index_cast %parallel_loop3A_571 : i32 to index
        %parallel_loop3A_622 = arith.constant 48 : index
        %parallel_loop3A_623 = tpu.vector_load %arg8[%parallel_loop3A_621, %parallel_loop3A_622] {strides = array<i32>} : memref<128x128xf32, #tpu.memory_space<vmem>>, vector<1x16xf32>,
        %parallel_loop3A_624 = vector.shape_cast %parallel_loop3A_623 : vector<1x16xf32> to vector<16xf32>
        %parallel_loop3A_625 = arith.index_cast %parallel_loop3A_578 : i32 to index
        %parallel_loop3A_626 = arith.constant 48 : index
        %parallel_loop3A_627 = tpu.vector_load %arg11[%parallel_loop3A_625, %parallel_loop3A_626] {strides = array<i32>} : memref<200x128xf32, #tpu.memory_space<vmem>>, vector<1x16xf32>,
        %parallel_loop3A_628 = vector.shape_cast %parallel_loop3A_627 : vector<1x16xf32> to vector<16xf32>
        %parallel_loop3A_629 = arith.addf %parallel_loop3A_624, %parallel_loop3A_628 : vector<16xf32>
        %parallel_loop3A_630 = arith.index_cast %parallel_loop3A_571 : i32 to index
        %parallel_loop3A_631 = arith.constant 48 : index
        %parallel_loop3A_632 = tpu.vector_load %arg10[%parallel_loop3A_630, %parallel_loop3A_631] {strides = array<i32>} : memref<128x64xf32, #tpu.memory_space<vmem>>, vector<1x16xf32>,
        %parallel_loop3A_633 = vector.shape_cast %parallel_loop3A_632 : vector<1x16xf32> to vector<16xf32>
        %parallel_loop3A_634 = vector.shape_cast %parallel_loop3A_629 : vector<16xf32> to vector<1x16xf32>
        tpu.vector_store %arg10[%parallel_loop3A_630, %parallel_loop3A_631], %parallel_loop3A_634 {strides = array<i32>} : memref<128x64xf32, #tpu.memory_space<vmem>>, vector<1x16xf32>,
        %parallel_loop3A_635 = arith.constant 8 : i32
        %parallel_loop3A_636 = arith.addi %parallel_loop3A_98, %parallel_loop3A_635 : i32
        %parallel_loop3A_637 = arith.constant 200 : i32
        %parallel_loop3A_638 = arith.cmpi sge, %parallel_loop3A_636, %parallel_loop3A_637 : i32
        %parallel_loop3A_639 = arith.constant 200 : i32
        %parallel_loop3A_640 = arith.subi %parallel_loop3A_636, %parallel_loop3A_639 : i32
        %parallel_loop3A_641 = arith.select %parallel_loop3A_638, %parallel_loop3A_640, %parallel_loop3A_636 : i32
        scf.yield %parallel_loop3A_641 : i32
      } {sc.loop_unroll_factor = 1 : i64, sc.parallel_access}
      %mul3A_75 = arith.constant 128 : i32
      %mul3A_76 = arith.muli %add3A_60, %mul3A_75 : i32
      %add3A_77 = arith.addi %mul3A_4, %mul3A_76 : i32
      %dma_start3A_78 = tpu.memref_reshape %arg5 : memref<1024x200x64xf32, #tpu.memory_space<hbm>> -> memref<204800x64xf32, #tpu.memory_space<hbm>>
      %dma_start3A_79 = arith.constant 0 : i32
      %dma_start3A_80 = tpu.memref_slice %dma_start3A_78[%add3A_77, %dma_start3A_79] : memref<204800x64xf32, #tpu.memory_space<hbm>> -> memref<128x64xf32, #tpu.memory_space<hbm>>
      %dma_start3A_81 = tpu.memref_reshape %arg5 : memref<1024x200x64xf32, #tpu.memory_space<hbm>> -> memref<204800x64xf32, #tpu.memory_space<hbm>>
      %dma_start3A_82 = arith.constant 0 : i32
      %dma_start3A_83 = tpu.memref_slice %dma_start3A_81[%add3A_77, %dma_start3A_82] : memref<204800x64xf32, #tpu.memory_space<hbm>> -> memref<128x64xf32, #tpu.memory_space<hbm>>
      tpu.enqueue_dma source(%arg10 : memref<128x64xf32, #tpu.memory_space<vmem>>) target(%dma_start3A_83 : memref<128x64xf32, #tpu.memory_space<hbm>>) target_semaphore(%arg15 : memref<!tpu.dma_semaphore, #tpu.memory_space<semaphore_mem>>)
      %dma_wait3A_84 = tpu.memref_reshape %arg5 : memref<1024x200x64xf32, #tpu.memory_space<hbm>> -> memref<204800x64xf32, #tpu.memory_space<hbm>>
      %dma_wait3A_85 = arith.constant 0 : i32
      %dma_wait3A_86 = tpu.memref_slice %dma_wait3A_84[%add3A_77, %dma_wait3A_85] : memref<204800x64xf32, #tpu.memory_space<hbm>> -> memref<128x64xf32, #tpu.memory_space<hbm>>
      %dma_wait3A_87 = tpu.memref_reshape %arg5 : memref<1024x200x64xf32, #tpu.memory_space<hbm>> -> memref<204800x64xf32, #tpu.memory_space<hbm>>
      %dma_wait3A_88 = arith.constant 0 : i32
      %dma_wait3A_89 = tpu.memref_slice %dma_wait3A_87[%add3A_77, %dma_wait3A_88] : memref<204800x64xf32, #tpu.memory_space<hbm>> -> memref<128x64xf32, #tpu.memory_space<hbm>>
      tpu.wait_dma2 semaphore(%arg15 : memref<!tpu.dma_semaphore, #tpu.memory_space<semaphore_mem>>) src(%arg10 : memref<128x64xf32, #tpu.memory_space<vmem>>) dst(%dma_wait3A_89 : memref<128x64xf32, #tpu.memory_space<hbm>>)
      %add3A_90 = arith.constant 2 : i32
      %add3A_91 = arith.addi %add3A_60, %add3A_90 : i32
      %lt3A_92 = arith.constant 50 : i32
      %lt3A_93 = arith.cmpi slt, %add3A_91, %lt3A_92 : i32
      %convert_element_type3A_94 = arith.extui %lt3A_93 : i1 to i32
      %cond3A_95 = arith.constant 0 : i32
      %cond3A_96 = arith.cmpi ne, %convert_element_type3A_94, %cond3A_95 : i32
      scf.if %cond3A_96 {
        %add3A_97 = arith.constant 2 : i32
        %add3A_98 = arith.addi %add3A_60, %add3A_97 : i32
        %dma_start3A_99 = arith.constant 0 : i32
        %dma_start3A_100 = tpu.memref_slice %arg6[%add3A_98, %dma_start3A_99] : memref<56x128xi32, #tpu.memory_space<vmem>> -> memref<1x128xi32, #tpu.memory_space<vmem>>
        %dma_start3A_101 = tpu.memref_squeeze %dma_start3A_100 : memref<1x128xi32, #tpu.memory_space<vmem>> -> memref<128xi32, #tpu.memory_space<vmem>>
        %dma_start3A_102 = arith.constant 0 : i32
        %dma_start3A_103 = arith.constant 0 : i32
        %dma_start3A_104 = tpu.memref_slice %arg3[%dma_start3A_102, %dma_start3A_103] : memref<1000000x128xf32, #tpu.memory_space<hbm>> -> memref<1000000x128xf32, #tpu.memory_space<hbm>>
        tpu.enqueue_indirect_dma source(%dma_start3A_104 : memref<1000000x128xf32, #tpu.memory_space<hbm>>) target(%arg8 : memref<128x128xf32, #tpu.memory_space<vmem>>) offsets(%dma_start3A_101 : memref<128xi32, #tpu.memory_space<vmem>>) semaphore(%arg13 : memref<!tpu.dma_semaphore, #tpu.memory_space<semaphore_mem>>)
      } else {
      }
    }
    %scan3A_21 = arith.constant 25 : i32
    return
  }
}

</mosaic_0001>

<sc_bundles>
// kernel: kernel.3.cloned.1.call-start
scs
__scs_entry_jumppad:
0x0: {  	(pc) =	sbr.rel $0x88, $3  }
0x1: {  	(tag) =	ssettag $0x0;
	lr =	simm.s32 $0x1  }
0x2: {  	[smem:$0x3F9E] =	sst lr;
	_ =	strace $0xD0000000  }
0x3: {  	_ = 	snop  }
0x4: {  	_ = 	snop  }
0x5: {  	_ = 	snop  }
0x6: {  	_ = 	snop  }
0x7: {  	_ = 	snop  }
__scs_overlays_trampoline_lowered:
0x8: {  	[smem:$0x3FAD] =	sst s0  }
0x9: {  	[smem:$0x3FAE] =	sst s1  }
0xa: {  	[smem:$0x3FAF] =	sst s2  }
0xb: {  	[smem:$0x3FB0] =	sst s3  }
0xc: {  	[smem:$0x3FB1] =	sst s4  }
0xd: {  	[smem:$0x3FB2] =	sst s5  }
0xe: {  	[smem:$0x3FB3] =	sst s6  }
0xf: {  	[smem:$0x3FB4] =	sst s7  }
0x10: {  	[smem:$0x3FB5] =	sst s8  }
0x11: {  	[smem:$0x3FB6] =	sst s9;
	s0 =	simm.s32 @!p0 $0x0  }
0x12: {  	s1 =	sld [smem:$0x3F9C];
	s0 =	simm.s32 @p0 $0x1  }
0x13: {  	[smem:$0x3FB7] =	sst s0;
	s0 =	simm.s32 @!p1 $0x0  }
0x14: {  	s2 =	sld [smem:$0x3F9B];
	s0 =	simm.s32 @p1 $0x1  }
0x15: {  	[smem:$0x3FB8] =	sst s0;
	s0 =	simm.s32 @!p2 $0x0  }
0x16: {  	s3 =	sld [smem:$0x3FDB];
	s0 =	simm.s32 @p2 $0x1  }
0x17: {  	s4 =	simm.s32 $0x1BF5;
	[smem:$0x3FBA] =	sst s0  }
0x18: {  	s0 =	sld [smem:$0x3F9D];
	_ =	swait.ge [sflag:s4], $0x0  }
0x19: {  	s7 =	sld [smem:$0x3F9E]  }
0x1a: {  	s8 =	sadd.s32 $0xFFFFE003, lr  }
0x1b: {  	s9 =	sadd.s32 $0xFFFFFEF7, lr;
	s5 =	simm.s32 $0xFFFFFFFF;
	p2 =	slt.u32 s8, $0xFFFFF086  }
0x1c: {  	p1 =	slt.u32 s9, $0xF7A;
	s5 =	simm.s32 @!p2 $0x0  }
0x1d: {  	s5 =	simm.s32 @p1 $0x1;
	p0 =	seq.s32 s7, s2  }
0x1e: {  	s7 =	smul.u32 @!p0 $0xF7A, s2;
	p2 =	seq.s32 @!p0 s5, $0x0  }
0x1f: {  	s9 =	smul.u32 $0xF7A, s1;
	s8 =	simm.s32 @!p0 $0x1BF5;
	p2 =	por !p2, p0  }
0x20: {  	[sflag:s8] =	ssyncset.s32 @!p0 $0xFFFFF086;
	s6 =	sadd.s32 @!p0 s3, s7;
	s7 =	simm.s32 @!p0 $0x108  }
0x21: {  	s3 =	sadd.s32 s3, s9;
	s6 =	sadd.s32 @!p0 $0x88, s6;
	s7 =	simm.s32 @p2 $0x1082  }
0x22: {  	[simem:s7], [sflag:s8] =	dma.local @!p0 [hbm:s6], $0xF7A  }
0x23: {  	s9 =	sor.u32 $0xD0000000, s2;
	s6 =	simm.s32 $0x108;
	_ =	swait.ge @!p0 [sflag:s8], $0x0  }
0x24: {  	s3 =	sadd.s32 $0x88, s3;
	s6 =	simm.s32 @!p1 $0x1082;
	[sflag:s4] =	ssyncset.s32 $0xFFFFF086  }
0x25: {  	[simem:s6], [sflag:s4] =	dma.local [hbm:s3], $0xF7A  }
0x26: {  	[smem:$0x3F9E] =	sst s1;
	(tag) =	ssettag s2;
	_ =	strace s9  }
0x27: {  	s1 =	sld [smem:$0x3FAE]  }
0x28: {  	s2 =	sld [smem:$0x3FAF]  }
0x29: {  	s4 =	sld [smem:$0x3FB1]  }
0x2a: {  	p0 =	seq.s32 s5, $0x0;
	s5 =	sld [smem:$0x3FB2]  }
0x2b: {  	s6 =	sld [smem:$0x3FB3]  }
0x2c: {  	s7 =	sld [smem:$0x3FB4]  }
0x2d: {  	s3 =	simm.s32 $0x108;
	s8 =	sld [smem:$0x3FB5]  }
0x2e: {  	s3 =	simm.s32 @!p0 $0x1082;
	s9 =	sld [smem:$0x3FB6]  }
0x2f: {  	lr =	sadd.s32 s0, s3;
	s0 =	sld [smem:$0x3FAD]  }
0x30: {  	s3 =	sld [smem:$0x3FB0]  }
0x31: {  	[smem:$0x3FB9] =	sst s10  }
0x32: {  	s10 =	sld [smem:$0x3FB7];
	_ =	sdelay $0x3  }
0x33: {  	p0 =	seq.s32 s10, $0x1;
	s10 =	sld [smem:$0x3FB9];
	_ =	sdelay $0x3  }
0x34: {  	[smem:$0x3FB9] =	sst s10  }
0x35: {  	s10 =	sld [smem:$0x3FB8];
	_ =	sdelay $0x3  }
0x36: {  	p1 =	seq.s32 s10, $0x1;
	s10 =	sld [smem:$0x3FB9];
	_ =	sdelay $0x3  }
0x37: {  	[smem:$0x3FB9] =	sst s10  }
0x38: {  	s10 =	sld [smem:$0x3FBA]  }
0x39: {  	_ = 	snop;
	(pc) =	sbr.ind lr, $3  }
0x3a: {  	_ = 	snop  }
0x3b: {  	_ = 	snop  }
0x3c: {  	p2 =	seq.s32 s10, $0x1;
	s10 =	sld [smem:$0x3FB9]  }
0x3d: {  	_ =	shalt  }
0x3e: {  	_ =	shalt  }
0x3f: {  	_ =	shalt  }
0x40: {  	_ =	shalt  }
0x41: {  	_ =	shalt  }
0x42: {  	_ =	shalt  }
0x43: {  	_ =	shalt  }
0x44: {  	_ =	shalt  }
0x45: {  	_ =	shalt  }
0x46: {  	_ =	shalt  }
0x47: {  	_ =	shalt  }
0x48: {  	_ =	shalt  }
0x49: {  	_ =	shalt  }
0x4a: {  	_ =	shalt  }
0x4b: {  	_ =	shalt  }
0x4c: {  	_ =	shalt  }
0x4d: {  	_ =	shalt  }
0x4e: {  	_ =	shalt  }
0x4f: {  	_ =	shalt  }
0x50: {  	_ =	shalt  }
0x51: {  	_ =	shalt  }
0x52: {  	_ =	shalt  }
0x53: {  	_ =	shalt  }
0x54: {  	_ =	shalt  }
0x55: {  	_ =	shalt  }
0x56: {  	_ =	shalt  }
0x57: {  	_ =	shalt  }
0x58: {  	_ =	shalt  }
0x59: {  	_ =	shalt  }
0x5a: {  	_ =	shalt  }
0x5b: {  	_ =	shalt  }
0x5c: {  	_ =	shalt  }
0x5d: {  	_ =	shalt  }
0x5e: {  	_ =	shalt  }
0x5f: {  	_ =	shalt  }
0x60: {  	_ =	shalt  }
0x61: {  	_ =	shalt  }
0x62: {  	_ =	shalt  }
0x63: {  	_ =	shalt  }
0x64: {  	_ =	shalt  }
0x65: {  	_ =	shalt  }
0x66: {  	_ =	shalt  }
0x67: {  	_ =	shalt  }
0x68: {  	_ =	shalt  }
0x69: {  	_ =	shalt  }
0x6a: {  	_ =	shalt  }
0x6b: {  	_ =	shalt  }
0x6c: {  	_ =	shalt  }
0x6d: {  	_ =	shalt  }
0x6e: {  	_ =	shalt  }
0x6f: {  	_ =	shalt  }
0x70: {  	_ =	shalt  }
0x71: {  	_ =	shalt  }
0x72: {  	_ =	shalt  }
0x73: {  	_ =	shalt  }
0x74: {  	_ =	shalt  }
0x75: {  	_ =	shalt  }
0x76: {  	_ =	shalt  }
0x77: {  	_ =	shalt  }
0x78: {  	_ =	shalt  }
0x79: {  	_ =	shalt  }
0x7a: {  	_ =	shalt  }
0x7b: {  	_ =	shalt  }
0x7c: {  	_ =	shalt  }
0x7d: {  	_ =	shalt  }
0x7e: {  	_ =	shalt  }
0x7f: {  	_ =	shalt  }
0x80: {  	_ =	shalt  }
0x81: {  	_ =	shalt  }
0x82: {  	_ =	shalt  }
0x83: {  	_ =	shalt  }
0x84: {  	_ =	shalt  }
0x85: {  	_ =	shalt  }
0x86: {  	_ =	shalt  }
0x87: {  	_ =	shalt  }
.Lfunc_end0:
.L_simem_size_0:
called_computation_lowered:
.L_overlay_start_0:
0x88: {  	s2 =	sld [smem:$0x3FD9]  }
0x89: {  	s3 =	sld [smem:$0x3FFE];
	_ =	sdelay $0x1  }
0x8a: {  	s1 =	srdreg.scid  }
0x8b: {  	s0 =	sand.u32 $0x1, s1  }
0x8c: {  	s17 =	sshll.u32 s0, $0xA;
	s2 =	sadd.s32 s3, s2  }
0x8d: {  	s2 =	sadd.s32 s2, s17  }
0x8e: {  	[smem:$0x3FC5] =	sst s2  }
0x8f: {  	_ = 	snop  }
0x90: {  	s2 =	sld [smem:$0x3FD0];
	(tm) =	ssettm $0x1  }
0x91: {  	s18 =	sld [smem:$0x3FFB];
	_ =	sdelay $0x3  }
0x92: {  	_ =	strace s18  }
0x93: {  	s3 =	sld [smem:$0x3FFC];
	_ =	sdelay $0x3  }
0x94: {  	_ =	strace s3  }
0x95: {  	s3 =	sld [smem:$0x3FFD];
	_ =	sdelay $0x3  }
0x96: {  	_ =	strace s3  }
0x97: {  	_ =	strace $0x8FFFFFFF  }
0x98: {  	s19 =	sld [smem:$0x3FDB];
	_ =	sdelay $0x1  }
0x99: {  	s4 =	simm.s32 $_scs_section_size  }
0x9a: {  	s5 =	simm.s32 $_size__tile_overlayer_lowered;
	s6 =	simm.s32 $_tile_overlayer_lowered  }
0x9b: {  	s22 =	simm.s32 $0x1BFF;
	s21 =	sshll.u32 s6, $0x1;
	s3 =	sadd.s32 s4, s19  }
0x9c: {  	s7 =	simm.s32 $0x0;
	s20 =	sshll.u32 s5, $0x1;
	s5 =	sadd.s32 s21, s3  }
0x9d: {  	[timem:s7], [sflag:s22] =	dma.local [hbm:s5], s20  }
0x9e: {  	_ =	swait.ge [sflag:s22], s20  }
0x9f: {  	s4 =	ssub.s32 $0x0, s20;
	[sflag:s22] =	ssyncset.done $0x0  }
0xa0: {  	[sflag:s22] =	ssyncadd.s32 s4;
	_ =	sdelay $0x1  }
0xa1: {  	s23 =	simm.s32 $0x1B8B  }
0xa2: {  	_ =	swait.ge [sflag:s23], $0x1  }
0xa3: {  	[sflag:s23] =	ssyncset.done $0x0  }
0xa4: {  	s25 =	simm.s32 $0x1B8E;
	s24 =	sld [smem:$0x3FFE];
	[sflag:s23] =	ssyncadd.s32 $0xFFFFFFFF  }
0xa5: {  	s26 =	simm.s32 $execute0_lowered;
	[smem:$0x3FD2] =	sst s25  }
0xa6: {  	s5 =	sshll.u32 s26, $0x1;
	_ =	strace $0x80000046;
	[dreg:$0x1] =	wrdreg $0xFFFFFFFF  }
0xa7: {  	s28 =	simm.s32 $_size_execute0_lowered;
	s3 =	sadd.s32 s3, s5;
	[dreg:$0x0] =	wrdreg $0x0  }
0xa8: {  	s5 =	sshll.u32 s28, $0x1;
	[dreg:$0x2] =	wrdreg s3  }
0xa9: {  	[dreg:$0x3] =	wrdreg s5  }
0xaa: {  	[dreg:$0x4] =	wrdreg $0xC0  }
0xab: {  	_ =	task [dreg:s7], $0x5FFFF  }
0xac: {  	[dreg:$0x1] =	wrdreg $0xFFFFFFFF  }
0xad: {  	[dreg:$0x0] =	wrdreg $0x60  }
0xae: {  	[dreg:$0x2] =	wrdreg s2  }
0xaf: {  	[dreg:$0x3] =	wrdreg s24  }
0xb0: {  	[dreg:$0x4] =	wrdreg $0x9  }
0xb1: {  	_ =	task.clear_ibuf [dreg:s7], $0x5FFFF;
	_ =	strace $0x90000046  }
0xb2: {  	s29 =	simm.s32 $0x9;
	_ =	strace $0x80000048  }
0xb3: {  	_ =	swait.ge [sflag:s29], $0x1  }
0xb4: {  	[sflag:s29] =	ssyncadd.s32 $0xFFFFFFFF  }
0xb5: {  	_ =	strace $0x90000048  }
0xb6: {  	_ =	sfence  }
0xb7: {  	s30 =	sld [smem:$0x0];
	_ =	sdelay $0x2  }
0xb8: {  	s31 =	sshll.u32 s1, $0xD;
	s1 =	sshrl.u32 s1, $0x2  }
0xb9: {  	s3 =	sand.u32 $0x4000, s31;
	s1 =	sadd.s32 s1, s30  }
0xba: {  	s0 =	sor.u32 s3, s0;
	s1 =	sshll.u32 s1, $0x11  }
0xbb: {  	s0 =	sor.u32 s1, s0  }
0xbc: {  	s0 =	sadd.s32 $0x8F2B, s0  }
0xbd: {  	[sflag:s0] =	ssyncadd.remote.s32 $0x1  }
0xbe: {  	_ =	sfence.sel $0xFFFF  }
0xbf: {  	[dreg:$0x0] =	wrdreg $0xFFFFFFFF;
	(pc) =	sbr.abs _section_cstart, $3  }
0xc0: {  	[dreg:$0x1] =	wrdreg $0xFFFFFFFF  }
0xc1: {  	_ =	task.clear_ibuf [dreg:s7], $0x2FFFF;
	_ =	strace $0x9FFFFFFF  }
0xc2: {  	(tm) =	ssettm $0x7FFFFFFF  }
0xc3: {  	_ =	shalt  }
tec
execute0_lowered:
.L_overlay_start_1:
0x0: {  	(tag) =	ssettag $0x1  }
0x1: {  	s0 =	rddreg [dreg:$0x0]  }
0x2: {  	s1 =	rddreg [dreg:$0x1]  }
0x3: {  	s2 =	srdreg.scid;
	s3 =	stileid.u32  }
0x4: {  	s4 =	simm.s32 $0x0;
	s2 =	sand.u32 $0x1, s2;
	s3 =	sshll.u32 s3, $0x1  }
0x5: {  	[smem:$0x7FF] =	sst s4;
	s26 =	ssub.s32 $0x2, s2;
	s2 =	sor.u32 s2, s3  }
0x6: {  	s28 =	sadd.s32 $0x1600, s1;
	s6 =	sadd.s32 $0x800, s1;
	s5 =	smul.u32 $0x380, s2  }
0x7: {  	_ =	strace $0x80000047;
	[dreg:$0x3] =	wrdreg s28;
	s2 =	smul.u32 $0x1900, s2  }
.Ltmp0:
0x8: {  	s1 =	sadd.s32 $0xF43A00, s1;
	[dreg:$0x4] =	wrdreg s6;
	(pc) =	sbr.rel .LBB2_1-.Ltmp0, $4  }
0x9: {  	[dreg:$0x5] =	wrdreg s1;
	s29 =	sshrl.u32 s26, $0x1  }
0xa: {  	s30 =	ssub.s32 s26, s29;
	[dreg:$0x6] =	wrdreg s2;
	s0 =	sadd.s32 s0, s5  }
0xb: {  	s31 =	smax.u32 s30, $0x1;
	[dreg:$0x7] =	wrdreg s0  }
0xc: {  	s1 =	simm.s32 $0x0;
	[dreg:$0x8] =	wrdreg s31  }
.LBB2_8:
0xd: {  	s1 =	rddreg [dreg:$0x9]  }
0xe: {  	s0 =	rddreg [dreg:$0x8];
	s1 =	sadd.s32 $0x1, s1  }
0xf: {  	p0 =	sne.s32 s1, s0  }
.Ltmp1:
0x10: {  	_ = 	snop;
	(pc) =	sbr.rel @!p0 .LBB2_9-.Ltmp1, $1  }
0x11: {  	_ =	sdelay $0x3  }
.LBB2_1:
0x12: {  	[dreg:$0x9] =	wrdreg s1  }
0x13: {  	s0 =	simm.s32 $0x0;
	s25 =	rddreg [dreg:$0x7];
	s2 =	simm.s32 $0x5  }
0x14: {  	[tilespmem:s0], [sflag:$0x5] =	stream.linear.gather [hbm4b:s25+s0], $0x1C00, $0x38;
	[tilespmem:$0x18000] =	vst v63  }
0x15: {  	_ =	swait.ge [sflag:s2], $0x1C00  }
0x16: {  	[sflag:s2] =	ssyncset.done $0x0  }
0x17: {  	s3 =	simm.s32 $0x11C00;
	s26 =	rddreg [dreg:$0x4];
	[sflag:s2] =	ssyncadd.s32 $0xFFFFE400  }
0x18: {  	[tilespmem:s3], [sflag:$0x5] =	stream.linear.gather [hbm4b:s26+s0], $0x6400, $0x38;
	[tilespmem:$0x18000] =	vst v63  }
0x19: {  	_ =	swait.ge [sflag:s2], $0x6400  }
0x1a: {  	s29 =	simm.s32 $0x80;
	[sflag:s2] =	ssyncset.done $0x0  }
0x1b: {  	s30 =	simm.s32 $0x1C00;
	s28 =	rddreg [dreg:$0x3];
	[sflag:s2] =	ssyncadd.s32 $0xFFFF9C00  }
0x1c: {  	[tilespmem:s30], [sflag:$0x1] =	stream.indirect.gather [hbm4b:s28+s29], $0x80, s0, s29, $0xb8;
	[tilespmem:$0x18000] =	vst v63  }
0x1d: {  	s31 =	simm.s32 $0x5C00;
	s1 =	simm.s32 $0x0  }
0x1e: {  	[tilespmem:s31], [sflag:$0x2] =	stream.indirect.gather [hbm4b:s28+s29], $0x80, s29, s29, $0xb8;
	[tilespmem:$0x18000] =	vst v63  }
.LBB2_2:
0x1f: {  	s0 =	sshll.u32 s1, $0x5  }
0x20: {  	s0 =	sand.u32 $0x1FE0, s0  }
0x21: {  	s0 =	smul.u32 $0x147B, s0;
	_ =	sdelay $0x1  }
0x22: {  	s0 =	sshrl.u32 s0, $0x11  }
0x23: {  	s0 =	smul.u32 $0xC8, s0  }
0x24: {  	s2 =	sshll.u32 s1, $0x8  }
0x25: {  	[dreg:$0xa] =	wrdreg s1;
	s15 =	simm.s32 $0x1;
	s0 =	ssub.s32 s2, s0  }
0x26: {  	s25 =	simm.s32 $0x0;
	_ =	swait.ge [sflag:s15], $0x4000;
	s0 =	sand.u32 $0xFFF8, s0  }
0x27: {  	[dreg:$0xc] =	wrdreg s2;
	[sflag:s15] =	ssyncset.done $0x0;
	s1 =	sshll.u32 s0, $0x7  }
0x28: {  	[sflag:s15] =	ssyncadd.s32 $0xFFFFC000;
	p0 =	sgt.s32 s0, $0xC7;
	s2 =	sadd.s32 $0xFFFF9C00, s1  }
0x29: {  	v0 =	vld [tilespmem:s25+$0x1C00];
	s1 =	smov.u32 @p0 s2  }
0x2a: {  	v1 =	vld [tilespmem:s1+$0x11C00];
	_ =	sdelay $0x4  }
0x2b: {  	v0 =	vadd.f32 v1, v0;
	_ =	sdelay $0x1  }
0x2c: {  	[tilespmem:s25+$0x9C00] =	vst v0;
	v0 =	vld [tilespmem:s25+$0x1C10]  }
0x2d: {  	v1 =	vld [tilespmem:s1+$0x11C10];
	_ =	sdelay $0x4  }
0x2e: {  	v0 =	vadd.f32 v1, v0;
	_ =	sdelay $0x1  }
0x2f: {  	[tilespmem:s25+$0x9C10] =	vst v0;
	v0 =	vld [tilespmem:s25+$0x1C20]  }
0x30: {  	v1 =	vld [tilespmem:s1+$0x11C20];
	_ =	sdelay $0x4  }
0x31: {  	v0 =	vadd.f32 v1, v0;
	_ =	sdelay $0x1  }
0x32: {  	[tilespmem:s25+$0x9C20] =	vst v0;
	v0 =	vld [tilespmem:s25+$0x1C30]  }
0x33: {  	v1 =	vld [tilespmem:s1+$0x11C30];
	_ =	sdelay $0x2  }
0x34: {  	s1 =	sadd.s32 $0x1, s0  }
0x35: {  	s2 =	sadd.s32 $0x7FFF39, s0;
	p0 =	sgt.s32 s1, $0xC7  }
0x36: {  	s1 =	smov.u32 @p0 s2;
	v0 =	vadd.f32 v1, v0  }
0x37: {  	s1 =	sshll.u32 s1, $0x9  }
0x38: {  	s16 =	sshra.s32 s1, $0x2;
	[tilespmem:s25+$0x9C30] =	vst v0;
	v0 =	vld [tilespmem:s25+$0x1C80]  }
0x39: {  	v1 =	vld [tilespmem:s16+$0x11C00];
	_ =	sdelay $0x4  }
0x3a: {  	v0 =	vadd.f32 v1, v0;
	_ =	sdelay $0x1  }
0x3b: {  	[tilespmem:s25+$0x9C80] =	vst v0;
	v0 =	vld [tilespmem:s25+$0x1C90]  }
0x3c: {  	v1 =	vld [tilespmem:s16+$0x11C10];
	_ =	sdelay $0x4  }
0x3d: {  	v0 =	vadd.f32 v1, v0;
	_ =	sdelay $0x1  }
0x3e: {  	[tilespmem:s25+$0x9C90] =	vst v0;
	v0 =	vld [tilespmem:s25+$0x1CA0]  }
0x3f: {  	v1 =	vld [tilespmem:s16+$0x11C20];
	_ =	sdelay $0x4  }
0x40: {  	s1 =	sadd.s32 $0x8, s0;
	v0 =	vadd.f32 v1, v0  }
0x41: {  	s3 =	sadd.s32 $0xFFFFFF40, s0;
	p0 =	sgt.s32 s1, $0xC7  }
0x42: {  	s1 =	smov.u32 @p0 s3;
	[tilespmem:s25+$0x9CA0] =	vst v0;
	v0 =	vld [tilespmem:s25+$0x1CB0]  }
0x43: {  	s3 =	sshll.u32 s1, $0x7;
	v1 =	vld [tilespmem:s16+$0x11C30]  }
0x44: {  	s24 =	simm.s32 $0x400;
	p0 =	sgt.s32 s1, $0xC7;
	s2 =	sadd.s32 $0xFFFF9C00, s3  }
0x45: {  	v2 =	vld [tilespmem:s24+$0x1C00];
	s3 =	smov.u32 @p0 s2  }
0x46: {  	s2 =	sadd.s32 $0x2, s0;
	v3 =	vld [tilespmem:s3+$0x11C00]  }
0x47: {  	s4 =	sadd.s32 $0x7FFF3A, s0;
	p0 =	sgt.s32 s2, $0xC7  }
0x48: {  	s2 =	smov.u32 @p0 s4;
	v0 =	vadd.f32 v1, v0  }
0x49: {  	s2 =	sshll.u32 s2, $0x9  }
0x4a: {  	s2 =	sshra.s32 s2, $0x2;
	v1 =	vld [tilespmem:s25+$0x1D00];
	[tilespmem:s25+$0x9CB0] =	vst v0  }
0x4b: {  	v2 =	vadd.f32 v3, v2;
	v0 =	vld [tilespmem:s2+$0x11C00];
	_ =	sdelay $0x1  }
0x4c: {  	[tilespmem:s24+$0x9C00] =	vst v2;
	v2 =	vld [tilespmem:s24+$0x1C10]  }
0x4d: {  	v3 =	vld [tilespmem:s3+$0x11C10];
	_ =	sdelay $0x1  }
0x4e: {  	v0 =	vadd.f32 v0, v1;
	_ =	sdelay $0x1  }
0x4f: {  	v1 =	vld [tilespmem:s25+$0x1D10];
	[tilespmem:s25+$0x9D00] =	vst v0  }
0x50: {  	v2 =	vadd.f32 v3, v2;
	v0 =	vld [tilespmem:s2+$0x11C10];
	_ =	sdelay $0x1  }
0x51: {  	[tilespmem:s24+$0x9C10] =	vst v2;
	v2 =	vld [tilespmem:s24+$0x1C20]  }
0x52: {  	v3 =	vld [tilespmem:s3+$0x11C20];
	_ =	sdelay $0x1  }
0x53: {  	v0 =	vadd.f32 v0, v1;
	_ =	sdelay $0x1  }
0x54: {  	v1 =	vld [tilespmem:s25+$0x1D20];
	[tilespmem:s25+$0x9D10] =	vst v0  }
0x55: {  	v0 =	vadd.f32 v3, v2;
	v2 =	vld [tilespmem:s2+$0x11C20];
	_ =	sdelay $0x4  }
0x56: {  	[tilespmem:s24+$0x9C20] =	vst v0;
	v0 =	vld [tilespmem:s24+$0x1C30];
	v1 =	vadd.f32 v2, v1  }
0x57: {  	v3 =	vld [tilespmem:s3+$0x11C30]  }
0x58: {  	v2 =	vld [tilespmem:s25+$0x1D30];
	[tilespmem:s25+$0x9D20] =	vst v1  }
0x59: {  	s3 =	sadd.s32 $0x1, s1;
	v1 =	vld [tilespmem:s2+$0x11C30]  }
0x5a: {  	s4 =	sadd.s32 $0x7FFF39, s1;
	p0 =	sgt.s32 s3, $0xC7  }
0x5b: {  	s3 =	smov.u32 @p0 s4  }
0x5c: {  	s17 =	sshll.u32 s3, $0x9;
	s3 =	sadd.s32 $0x3, s0;
	v0 =	vadd.f32 v3, v0  }
0x5d: {  	p0 =	sgt.s32 s3, $0xC7;
	s2 =	sadd.s32 $0x7FFF3B, s0  }
0x5e: {  	s18 =	sshra.s32 s17, $0x2;
	[tilespmem:s24+$0x9C30] =	vst v0;
	v0 =	vld [tilespmem:s24+$0x1C80];
	s3 =	smov.u32 @p0 s2;
	v1 =	vadd.f32 v1, v2  }
0x5f: {  	v3 =	vld [tilespmem:s18+$0x11C00];
	s2 =	sshll.u32 s3, $0x9  }
0x60: {  	s3 =	sshra.s32 s2, $0x2;
	v2 =	vld [tilespmem:s25+$0x1D80];
	[tilespmem:s25+$0x9D30] =	vst v1  }
0x61: {  	v1 =	vld [tilespmem:s3+$0x11C00];
	_ =	sdelay $0x2  }
0x62: {  	v0 =	vadd.f32 v3, v0;
	_ =	sdelay $0x1  }
0x63: {  	[tilespmem:s24+$0x9C80] =	vst v0;
	v0 =	vld [tilespmem:s24+$0x1C90];
	v1 =	vadd.f32 v1, v2  }
0x64: {  	v2 =	vld [tilespmem:s18+$0x11C10]  }
0x65: {  	v3 =	vld [tilespmem:s25+$0x1D90];
	[tilespmem:s25+$0x9D80] =	vst v1  }
0x66: {  	v1 =	vld [tilespmem:s3+$0x11C10];
	_ =	sdelay $0x2  }
0x67: {  	v0 =	vadd.f32 v2, v0;
	_ =	sdelay $0x1  }
0x68: {  	[tilespmem:s24+$0x9C90] =	vst v0;
	v0 =	vadd.f32 v1, v3;
	v1 =	vld [tilespmem:s24+$0x1CA0]  }
0x69: {  	v3 =	vld [tilespmem:s18+$0x11C20]  }
0x6a: {  	v2 =	vld [tilespmem:s25+$0x1DA0];
	[tilespmem:s25+$0x9D90] =	vst v0  }
0x6b: {  	v0 =	vld [tilespmem:s3+$0x11C20];
	_ =	sdelay $0x2  }
0x6c: {  	v1 =	vadd.f32 v3, v1  }
0x6d: {  	s2 =	sadd.s32 $0x8, s1  }
0x6e: {  	s5 =	sadd.s32 $0xFFFFFF40, s1;
	p0 =	sgt.s32 s2, $0xC7;
	[tilespmem:s24+$0x9CA0] =	vst v1;
	v1 =	vld [tilespmem:s24+$0x1CB0];
	v0 =	vadd.f32 v0, v2  }
0x6f: {  	s2 =	smov.u32 @p0 s5;
	v2 =	vld [tilespmem:s25+$0x1DB0]  }
0x70: {  	s4 =	sshll.u32 s2, $0x7;
	v3 =	vld [tilespmem:s18+$0x11C30];
	[tilespmem:s25+$0x9DA0] =	vst v0  }
0x71: {  	s26 =	simm.s32 $0x800;
	p0 =	sgt.s32 s2, $0xC7;
	v0 =	vld [tilespmem:s3+$0x11C30];
	s3 =	sadd.s32 $0xFFFF9C00, s4  }
0x72: {  	v4 =	vld [tilespmem:s26+$0x1C00];
	s4 =	smov.u32 @p0 s3  }
0x73: {  	s3 =	sadd.s32 $0x2, s1;
	v5 =	vld [tilespmem:s4+$0x11C00]  }
0x74: {  	s6 =	sadd.s32 $0x7FFF3A, s1;
	s5 =	sadd.s32 $0x4, s0;
	p0 =	sgt.s32 s3, $0xC7  }
0x75: {  	s7 =	sadd.s32 $0x7FFF3C, s0;
	p1 =	sgt.s32 s5, $0xC7;
	v1 =	vadd.f32 v3, v1;
	s3 =	smov.u32 @p0 s6  }
0x76: {  	s5 =	smov.u32 @p1 s7;
	v3 =	vld [tilespmem:s24+$0x1D00];
	s3 =	sshll.u32 s3, $0x9;
	v0 =	vadd.f32 v0, v2  }
0x77: {  	s5 =	sshll.u32 s5, $0x9;
	[tilespmem:s24+$0x9CB0] =	vst v1;
	s3 =	sshra.s32 s3, $0x2;
	v2 =	vld [tilespmem:s25+$0x1E00]  }
0x78: {  	s5 =	sshra.s32 s5, $0x2;
	v1 =	vadd.f32 v5, v4;
	[tilespmem:s25+$0x9DB0] =	vst v0;
	v0 =	vld [tilespmem:s3+$0x11C00]  }
0x79: {  	v4 =	vld [tilespmem:s5+$0x11C00]  }
0x7a: {  	[tilespmem:s26+$0x9C00] =	vst v1;
	v1 =	vld [tilespmem:s26+$0x1C10]  }
0x7b: {  	v5 =	vld [tilespmem:s4+$0x11C10];
	_ =	sdelay $0x1  }
0x7c: {  	v0 =	vadd.f32 v0, v3  }
0x7d: {  	v3 =	vld [tilespmem:s24+$0x1D10];
	v2 =	vadd.f32 v4, v2  }
0x7e: {  	v4 =	vld [tilespmem:s25+$0x1E10];
	[tilespmem:s24+$0x9D00] =	vst v0  }
0x7f: {  	v0 =	vadd.f32 v5, v1;
	v1 =	vld [tilespmem:s3+$0x11C10];
	[tilespmem:s25+$0x9E00] =	vst v2  }
0x80: {  	v2 =	vld [tilespmem:s5+$0x11C10];
	_ =	sdelay $0x2  }
0x81: {  	[tilespmem:s26+$0x9C10] =	vst v0;
	v0 =	vld [tilespmem:s26+$0x1C20]  }
0x82: {  	v5 =	vld [tilespmem:s4+$0x11C20];
	v1 =	vadd.f32 v1, v3  }
0x83: {  	v3 =	vld [tilespmem:s24+$0x1D20];
	v2 =	vadd.f32 v2, v4  }
0x84: {  	v4 =	vld [tilespmem:s25+$0x1E20];
	[tilespmem:s24+$0x9D10] =	vst v1  }
0x85: {  	v1 =	vld [tilespmem:s3+$0x11C20];
	[tilespmem:s25+$0x9E10] =	vst v2  }
0x86: {  	v2 =	vld [tilespmem:s5+$0x11C20]  }
0x87: {  	v0 =	vadd.f32 v5, v0;
	_ =	sdelay $0x1  }
0x88: {  	[tilespmem:s26+$0x9C20] =	vst v0;
	v0 =	vld [tilespmem:s26+$0x1C30]  }
0x89: {  	v5 =	vld [tilespmem:s4+$0x11C30];
	v1 =	vadd.f32 v1, v3  }
0x8a: {  	v3 =	vld [tilespmem:s24+$0x1D30];
	v2 =	vadd.f32 v2, v4  }
0x8b: {  	v4 =	vld [tilespmem:s25+$0x1E30];
	[tilespmem:s24+$0x9D20] =	vst v1  }
0x8c: {  	s4 =	sadd.s32 $0x1, s2;
	v1 =	vld [tilespmem:s3+$0x11C30];
	[tilespmem:s25+$0x9E20] =	vst v2  }
0x8d: {  	s6 =	sadd.s32 $0x7FFF39, s2;
	p0 =	sgt.s32 s4, $0xC7;
	v2 =	vld [tilespmem:s5+$0x11C30]  }
0x8e: {  	s4 =	smov.u32 @p0 s6;
	v0 =	vadd.f32 v5, v0  }
0x8f: {  	s6 =	sadd.s32 $0x7FFF3B, s1;
	s19 =	sshll.u32 s4, $0x9;
	s4 =	sadd.s32 $0x3, s1  }
0x90: {  	p0 =	sgt.s32 s4, $0xC7;
	s3 =	sshra.s32 s19, $0x2;
	s5 =	sadd.s32 $0x5, s0;
	[tilespmem:s26+$0x9C30] =	vst v0;
	v0 =	vld [tilespmem:s26+$0x1C80]  }
0x91: {  	s7 =	sadd.s32 $0x7FFF3D, s0;
	s4 =	smov.u32 @p0 s6;
	p1 =	sgt.s32 s5, $0xC7;
	v5 =	vld [tilespmem:s3+$0x11C00];
	v1 =	vadd.f32 v1, v3  }
0x92: {  	s4 =	sshll.u32 s4, $0x9;
	s5 =	smov.u32 @p1 s7;
	v3 =	vld [tilespmem:s24+$0x1D80];
	v2 =	vadd.f32 v2, v4  }
0x93: {  	s4 =	sshra.s32 s4, $0x2;
	s5 =	sshll.u32 s5, $0x9;
	v4 =	vld [tilespmem:s25+$0x1E80];
	[tilespmem:s24+$0x9D30] =	vst v1  }
0x94: {  	s5 =	sshra.s32 s5, $0x2;
	v1 =	vld [tilespmem:s4+$0x11C00];
	[tilespmem:s25+$0x9E30] =	vst v2  }
0x95: {  	v2 =	vld [tilespmem:s5+$0x11C00];
	_ =	sdelay $0x1  }
0x96: {  	v0 =	vadd.f32 v5, v0  }
0x97: {  	v5 =	vld [tilespmem:s24+$0x1D90]  }
0x98: {  	[tilespmem:s26+$0x9C80] =	vst v0;
	v0 =	vld [tilespmem:s26+$0x1C90];
	v1 =	vadd.f32 v1, v3  }
0x99: {  	v3 =	vld [tilespmem:s3+$0x11C10];
	v2 =	vadd.f32 v2, v4  }
0x9a: {  	v4 =	vld [tilespmem:s25+$0x1E90];
	[tilespmem:s24+$0x9D80] =	vst v1  }
0x9b: {  	v1 =	vld [tilespmem:s4+$0x11C10];
	[tilespmem:s25+$0x9E80] =	vst v2  }
0x9c: {  	v2 =	vld [tilespmem:s5+$0x11C10];
	_ =	sdelay $0x1  }
0x9d: {  	v0 =	vadd.f32 v3, v0  }
0x9e: {  	v3 =	vld [tilespmem:s24+$0x1DA0]  }
0x9f: {  	[tilespmem:s26+$0x9C90] =	vst v0;
	v0 =	vadd.f32 v1, v5;
	v1 =	vld [tilespmem:s26+$0x1CA0]  }
0xa0: {  	v5 =	vld [tilespmem:s25+$0x1EA0];
	v2 =	vadd.f32 v2, v4  }
0xa1: {  	v4 =	vld [tilespmem:s3+$0x11C20];
	[tilespmem:s24+$0x9D90] =	vst v0  }
0xa2: {  	v0 =	vld [tilespmem:s4+$0x11C20];
	[tilespmem:s25+$0x9E90] =	vst v2  }
0xa3: {  	v2 =	vld [tilespmem:s5+$0x11C20];
	_ =	sdelay $0x2  }
0xa4: {  	v1 =	vadd.f32 v4, v1;
	v4 =	vld [tilespmem:s25+$0x1EB0]  }
0xa5: {  	s9 =	sadd.s32 $0x8, s2;
	v0 =	vadd.f32 v0, v3;
	v3 =	vld [tilespmem:s24+$0x1DB0]  }
0xa6: {  	p0 =	sgt.s32 s9, $0xC7;
	s6 =	sadd.s32 $0xFFFFFF40, s2;
	[tilespmem:s26+$0x9CA0] =	vst v1;
	v1 =	vld [tilespmem:s26+$0x1CB0];
	v2 =	vadd.f32 v2, v5  }
0xa7: {  	s9 =	smov.u32 @p0 s6;
	v5 =	vld [tilespmem:s3+$0x11C30];
	[tilespmem:s24+$0x9DA0] =	vst v0  }
0xa8: {  	s22 =	simm.s32 $0xC00;
	s3 =	sshll.u32 s9, $0x7;
	v0 =	vld [tilespmem:s4+$0x11C30];
	[tilespmem:s25+$0x9EA0] =	vst v2  }
0xa9: {  	s8 =	sadd.s32 $0x7FFF3E, s0;
	p0 =	sgt.s32 s9, $0xC7;
	s4 =	sadd.s32 $0xFFFF9C00, s3;
	v2 =	vld [tilespmem:s5+$0x11C30]  }
0xaa: {  	v6 =	vld [tilespmem:s22+$0x1C00];
	s6 =	sadd.s32 $0x4, s1;
	s3 =	smov.u32 @p0 s4;
	s4 =	sadd.s32 $0x2, s2  }
0xab: {  	s7 =	sadd.s32 $0x7FFF3A, s2;
	s5 =	sadd.s32 $0x6, s0;
	v7 =	vld [tilespmem:s3+$0x11C00];
	p1 =	sgt.s32 s4, $0xC7  }
0xac: {  	v8 =	vld [tilespmem:s25+$0x1F00];
	s4 =	smov.u32 @p1 s7;
	p1 =	sgt.s32 s6, $0xC7;
	s7 =	sadd.s32 $0x7FFF3C, s1;
	v1 =	vadd.f32 v5, v1  }
0xad: {  	p0 =	sgt.s32 s5, $0xC7;
	v5 =	vld [tilespmem:s26+$0x1D00];
	s6 =	smov.u32 @p1 s7;
	s4 =	sshll.u32 s4, $0x9;
	v0 =	vadd.f32 v0, v3  }
0xae: {  	s5 =	smov.u32 @p0 s8;
	s6 =	sshll.u32 s6, $0x9;
	s4 =	sshra.s32 s4, $0x2;
	v3 =	vld [tilespmem:s24+$0x1E00];
	[tilespmem:s26+$0x9CB0] =	vst v1;
	v1 =	vadd.f32 v2, v4  }
0xaf: {  	s5 =	sshll.u32 s5, $0x9;
	s6 =	sshra.s32 s6, $0x2;
	[tilespmem:s24+$0x9DB0] =	vst v0;
	v0 =	vld [tilespmem:s4+$0x11C00]  }
0xb0: {  	s5 =	sshra.s32 s5, $0x2;
	v2 =	vadd.f32 v7, v6;
	[tilespmem:s25+$0x9EB0] =	vst v1;
	v1 =	vld [tilespmem:s6+$0x11C00]  }
0xb1: {  	v4 =	vld [tilespmem:s5+$0x11C00]  }
0xb2: {  	[tilespmem:s22+$0x9C00] =	vst v2;
	v2 =	vld [tilespmem:s22+$0x1C10]  }
0xb3: {  	v6 =	vld [tilespmem:s3+$0x11C10]  }
0xb4: {  	v7 =	vld [tilespmem:s25+$0x1F10];
	v0 =	vadd.f32 v0, v5  }
0xb5: {  	v5 =	vld [tilespmem:s26+$0x1D10];
	v1 =	vadd.f32 v1, v3  }
0xb6: {  	v3 =	vld [tilespmem:s24+$0x1E10];
	[tilespmem:s26+$0x9D00] =	vst v0;
	v0 =	vadd.f32 v4, v8  }
0xb7: {  	v4 =	vld [tilespmem:s4+$0x11C10];
	[tilespmem:s24+$0x9E00] =	vst v1  }
0xb8: {  	v1 =	vadd.f32 v6, v2;
	v2 =	vld [tilespmem:s6+$0x11C10];
	[tilespmem:s25+$0x9F00] =	vst v0  }
0xb9: {  	v0 =	vld [tilespmem:s5+$0x11C10]  }
0xba: {  	v8 =	vld [tilespmem:s25+$0x1F20]  }
0xbb: {  	[tilespmem:s22+$0x9C10] =	vst v1;
	v1 =	vld [tilespmem:s22+$0x1C20]  }
0xbc: {  	v6 =	vld [tilespmem:s3+$0x11C20];
	v4 =	vadd.f32 v4, v5  }
0xbd: {  	v5 =	vld [tilespmem:s26+$0x1D20];
	v2 =	vadd.f32 v2, v3  }
0xbe: {  	v3 =	vld [tilespmem:s24+$0x1E20];
	[tilespmem:s26+$0x9D10] =	vst v4;
	v0 =	vadd.f32 v0, v7  }
0xbf: {  	v4 =	vld [tilespmem:s4+$0x11C20];
	[tilespmem:s24+$0x9E10] =	vst v2  }
0xc0: {  	v2 =	vld [tilespmem:s6+$0x11C20];
	[tilespmem:s25+$0x9F10] =	vst v0  }
0xc1: {  	v1 =	vadd.f32 v6, v1;
	v0 =	vld [tilespmem:s5+$0x11C20]  }
0xc2: {  	v7 =	vld [tilespmem:s25+$0x1F30]  }
0xc3: {  	[tilespmem:s22+$0x9C20] =	vst v1;
	v1 =	vld [tilespmem:s22+$0x1C30]  }
0xc4: {  	v6 =	vld [tilespmem:s3+$0x11C30];
	v4 =	vadd.f32 v4, v5  }
0xc5: {  	v5 =	vld [tilespmem:s26+$0x1D30];
	v2 =	vadd.f32 v2, v3  }
0xc6: {  	s3 =	sadd.s32 $0x1, s9;
	v3 =	vld [tilespmem:s24+$0x1E30];
	[tilespmem:s26+$0x9D20] =	vst v4;
	v0 =	vadd.f32 v0, v8  }
0xc7: {  	s7 =	sadd.s32 $0x7FFF39, s9;
	p0 =	sgt.s32 s3, $0xC7;
	v4 =	vld [tilespmem:s4+$0x11C30];
	[tilespmem:s24+$0x9E20] =	vst v2  }
0xc8: {  	s29 =	simm.s32 $0x4000;
	s11 =	sadd.s32 $0x7FFF3D, s2;
	s3 =	smov.u32 @p0 s7;
	v2 =	vld [tilespmem:s6+$0x11C30];
	[tilespmem:s25+$0x9F20] =	vst v0  }
0xc9: {  	s12 =	sadd.s32 $0x7, s2;
	s7 =	sadd.s32 $0x7FFF3B, s2;
	s3 =	sshll.u32 s3, $0x9;
	v1 =	vadd.f32 v6, v1;
	v0 =	vld [tilespmem:s5+$0x11C30]  }
0xca: {  	v8 =	vld [tilespmem:s25+$0x1F80];
	s4 =	sshra.s32 s3, $0x2;
	s3 =	sadd.s32 $0x3, s2;
	s6 =	sadd.s32 $0x7, s0  }
0xcb: {  	p1 =	sgt.s32 s3, $0xC7;
	s0 =	sadd.s32 $0x7FFF3F, s0;
	[tilespmem:s22+$0x9C30] =	vst v1;
	v1 =	vld [tilespmem:s22+$0x1C80];
	s5 =	sadd.s32 $0x5, s1  }
0xcc: {  	s3 =	smov.u32 @p1 s7;
	s7 =	sadd.s32 $0x7FFF3D, s1;
	v6 =	vld [tilespmem:s4+$0x11C00];
	p1 =	sgt.s32 s5, $0xC7;
	v4 =	vadd.f32 v4, v5  }
0xcd: {  	p0 =	sgt.s32 s6, $0xC7;
	s3 =	sshll.u32 s3, $0x9;
	s5 =	smov.u32 @p1 s7;
	v5 =	vld [tilespmem:s26+$0x1D80];
	v2 =	vadd.f32 v2, v3  }
0xce: {  	s6 =	smov.u32 @p0 s0;
	s20 =	sshll.u32 s5, $0x9;
	s5 =	sshra.s32 s3, $0x2;
	v3 =	vld [tilespmem:s24+$0x1E80];
	[tilespmem:s26+$0x9D30] =	vst v4;
	v0 =	vadd.f32 v0, v7  }
0xcf: {  	s13 =	sadd.s32 $0x7FFF3B, s9;
	s21 =	sshll.u32 s6, $0x9;
	s6 =	sshra.s32 s20, $0x2;
	v4 =	vld [tilespmem:s5+$0x11C00];
	[tilespmem:s24+$0x9E30] =	vst v2  }
0xd0: {  	s16 =	sadd.s32 $0x5, s9;
	s17 =	sadd.s32 $0x6, s9;
	s18 =	sshra.s32 s21, $0x2;
	v2 =	vld [tilespmem:s6+$0x11C00];
	[tilespmem:s25+$0x9F30] =	vst v0  }
0xd1: {  	s19 =	sadd.s32 $0x7, s9;
	s8 =	sadd.s32 $0x7FFF3C, s2;
	s7 =	sadd.s32 $0x6, s1;
	v1 =	vadd.f32 v6, v1;
	v0 =	vld [tilespmem:s18+$0x11C00]  }
0xd2: {  	s30 =	sadd.s32 $0x8, s9;
	s0 =	sadd.s32 $0x7FFF3E, s1;
	p0 =	sgt.s32 s7, $0xC7;
	v7 =	vld [tilespmem:s25+$0x1F90]  }
0xd3: {  	s3 =	sadd.s32 $0x7, s1;
	s1 =	sadd.s32 $0x7FFF3F, s1;
	s7 =	smov.u32 @p0 s0;
	[tilespmem:s22+$0x9C80] =	vst v1;
	v1 =	vld [tilespmem:s22+$0x1C90]  }
0xd4: {  	p0 =	sgt.s32 s3, $0xC7;
	s0 =	simm.s32 $0x5000;
	s7 =	sshll.u32 s7, $0x9;
	v6 =	vld [tilespmem:s4+$0x11C10];
	v4 =	vadd.f32 v4, v5  }
0xd5: {  	s3 =	smov.u32 @p0 s1;
	s1 =	sadd.s32 $0x5, s2;
	s10 =	sshra.s32 s7, $0x2;
	v5 =	vld [tilespmem:s26+$0x1D90];
	v2 =	vadd.f32 v2, v3  }
0xd6: {  	s7 =	sadd.s32 $0x4, s2;
	p1 =	sgt.s32 s1, $0xC7;
	s3 =	sshll.u32 s3, $0x9;
	v3 =	vld [tilespmem:s24+$0x1E90];
	[tilespmem:s26+$0x9D80] =	vst v4;
	v0 =	vadd.f32 v0, v8  }
0xd7: {  	p0 =	sgt.s32 s7, $0xC7;
	s1 =	smov.u32 @p1 s11;
	s11 =	sadd.s32 $0x7FFF3E, s2;
	v4 =	vld [tilespmem:s5+$0x11C10];
	[tilespmem:s24+$0x9E80] =	vst v2  }
0xd8: {  	p1 =	sgt.s32 s12, $0xC7;
	s31 =	sshra.s32 s3, $0x2;
	s3 =	sadd.s32 $0x2, s9;
	v2 =	vld [tilespmem:s6+$0x11C10];
	[tilespmem:s25+$0x9F80] =	vst v0  }
0xd9: {  	s7 =	smov.u32 @p0 s8;
	s8 =	sadd.s32 $0x6, s2;
	s2 =	sadd.s32 $0x7FFF3F, s2;
	v1 =	vadd.f32 v6, v1;
	v0 =	vld [tilespmem:s18+$0x11C10]  }
0xda: {  	v9 =	vld [tilespmem:s24+$0x1EA0];
	s1 =	sshll.u32 s1, $0x9;
	s12 =	smov.u32 @p1 s2;
	s2 =	sadd.s32 $0x7FFF3A, s9  }
0xdb: {  	p0 =	sgt.s32 s8, $0xC7;
	s14 =	sshll.u32 s7, $0x9;
	s7 =	sadd.s32 $0x7FFF3D, s9;
	[tilespmem:s22+$0x9C90] =	vst v1;
	v1 =	vld [tilespmem:s22+$0x1CA0]  }
0xdc: {  	s15 =	sshra.s32 s1, $0x2;
	s1 =	simm.s32 $0x7000;
	s8 =	smov.u32 @p0 s11;
	v6 =	vld [tilespmem:s4+$0x11C20];
	v4 =	vadd.f32 v4, v5  }
0xdd: {  	s11 =	sadd.s32 $0x3, s9;
	p0 =	sgt.s32 s3, $0xC7;
	s23 =	sshll.u32 s12, $0x9;
	v8 =	vld [tilespmem:s25+$0x1FA0];
	v2 =	vadd.f32 v2, v3  }
0xde: {  	p1 =	sgt.s32 s11, $0xC7;
	s3 =	smov.u32 @p0 s2;
	s2 =	sadd.s32 $0x7FFF3C, s9;
	v5 =	vld [tilespmem:s26+$0x1DA0];
	[tilespmem:s26+$0x9D90] =	vst v4;
	v0 =	vadd.f32 v0, v7  }
0xdf: {  	s8 =	sshll.u32 s8, $0x9;
	s11 =	smov.u32 @p1 s13;
	s13 =	sadd.s32 $0x4, s9;
	v3 =	vld [tilespmem:s5+$0x11C20];
	[tilespmem:s24+$0x9E90] =	vst v2  }
0xe0: {  	p1 =	sgt.s32 s16, $0xC7;
	s12 =	sshra.s32 s8, $0x2;
	s8 =	sshra.s32 s23, $0x2;
	v7 =	vld [tilespmem:s6+$0x11C20];
	[tilespmem:s25+$0x9F90] =	vst v0  }
0xe1: {  	s3 =	sshll.u32 s3, $0x9;
	p0 =	sgt.s32 s13, $0xC7;
	s16 =	smov.u32 @p1 s7;
	v1 =	vadd.f32 v6, v1;
	v6 =	vld [tilespmem:s18+$0x11C20]  }
0xe2: {  	s7 =	simm.s32 $0x6000;
	s11 =	sshll.u32 s11, $0x9;
	s13 =	smov.u32 @p0 s2;
	v2 =	vld [tilespmem:s24+$0x1EB0]  }
0xe3: {  	p0 =	sgt.s32 s17, $0xC7;
	s2 =	sadd.s32 $0x7FFF3E, s9;
	s11 =	sshra.s32 s11, $0x2;
	v0 =	vld [tilespmem:s25+$0x1FB0];
	[tilespmem:s22+$0x9CA0] =	vst v1  }
0xe4: {  	s20 =	sshll.u32 s16, $0x9;
	s16 =	simm.s32 $0x8000;
	s17 =	smov.u32 @p0 s2;
	v4 =	vld [tilespmem:s4+$0x11C30];
	v1 =	vadd.f32 v3, v5  }
0xe5: {  	p0 =	sgt.s32 s19, $0xC7;
	s2 =	sadd.s32 $0x7FFF3F, s9;
	s13 =	sshll.u32 s13, $0x9;
	v3 =	vld [tilespmem:s26+$0x1DB0];
	v9 =	vadd.f32 v7, v9  }
0xe6: {  	s20 =	sshra.s32 s20, $0x2;
	s19 =	smov.u32 @p0 s2;
	s2 =	sshra.s32 s14, $0x2;
	v5 =	vld [tilespmem:s22+$0x1CB0];
	[tilespmem:s26+$0x9DA0] =	vst v1;
	v1 =	vadd.f32 v6, v8  }
0xe7: {  	s14 =	sshra.s32 s3, $0x2;
	s21 =	sshll.u32 s17, $0x9;
	s23 =	sshll.u32 s19, $0x9;
	v7 =	vld [tilespmem:s5+$0x11C30];
	[tilespmem:s24+$0x9EA0] =	vst v9  }
0xe8: {  	s13 =	sshra.s32 s13, $0x2;
	s28 =	sshra.s32 s23, $0x2;
	s4 =	sshra.s32 s21, $0x2;
	v6 =	vld [tilespmem:s6+$0x11C30];
	[tilespmem:s25+$0x9FA0] =	vst v1  }
.LBB2_3:
0xe9: {  	p0 =	sne.s32 s16, $0xF000  }
0xea: {  	p1 =	sgt.s32 s30, $0xC7;
	s5 =	sadd.s32 $0xFFFFFF40, s9;
	v1 =	vld [tilespmem:s18+$0x11C30];
	s9 =	smov.u32 s30  }
0xeb: {  	s3 =	sshra.s32 s29, $0x2;
	s17 =	smov.u32 s20;
	s9 =	smov.u32 @p1 s5;
	v8 =	vld [tilespmem:s24+$0x1F00]  }
0xec: {  	p1 =	sgt.s32 s9, $0xC7;
	s5 =	sshll.u32 s9, $0x7;
	s6 =	sadd.s32 $0x1, s9;
	v4 =	vadd.f32 v4, v5;
	v5 =	vld [tilespmem:s26+$0x1E00]  }
0xed: {  	s19 =	sadd.s32 $0x7FFF39, s9;
	s18 =	sadd.s32 $0xFFFF9C00, s5;
	p2 =	sgt.s32 s6, $0xC7;
	v9 =	vld [tilespmem:s22+$0x1D00];
	v3 =	vadd.f32 v7, v3  }
0xee: {  	v7 =	vld [tilespmem:s3+$0x1C00];
	s5 =	smov.u32 @p1 s18;
	s6 =	smov.u32 @p2 s19;
	s18 =	sadd.s32 $0x2, s9;
	[tilespmem:s22+$0x9CB0] =	vst v4;
	v2 =	vadd.f32 v6, v2  }
0xef: {  	s20 =	sadd.s32 $0x7FFF3A, s9;
	v4 =	vld [tilespmem:s5+$0x11C00];
	s6 =	sshll.u32 s6, $0x9;
	p1 =	sgt.s32 s18, $0xC7;
	[tilespmem:s26+$0x9DB0] =	vst v3;
	v0 =	vadd.f32 v1, v0  }
0xf0: {  	s19 =	sshra.s32 s6, $0x2;
	s18 =	smov.u32 @p1 s20;
	s20 =	sadd.s32 $0x3, s9;
	v1 =	vld [tilespmem:s14+$0x11C00];
	[tilespmem:s24+$0x9EB0] =	vst v2  }
0xf1: {  	s6 =	sshll.u32 s18, $0x9;
	p1 =	sgt.s32 s20, $0xC7;
	s18 =	sadd.s32 $0x7FFF3B, s9;
	v2 =	vld [tilespmem:s2+$0x11C00];
	[tilespmem:s25+$0x9FB0] =	vst v0  }
0xf2: {  	s6 =	sshra.s32 s6, $0x2;
	s20 =	smov.u32 @p1 s18;
	s18 =	sadd.s32 $0x4, s9;
	v0 =	vld [tilespmem:s10+$0x11C00]  }
0xf3: {  	s21 =	sadd.s32 $0x7FFF3C, s9;
	s20 =	sshll.u32 s20, $0x9;
	p1 =	sgt.s32 s18, $0xC7;
	v3 =	vld [tilespmem:s24+$0x1F10]  }
0xf4: {  	v4 =	vadd.f32 v4, v7;
	s30 =	sshra.s32 s20, $0x2;
	s18 =	smov.u32 @p1 s21;
	s20 =	sadd.s32 $0x5, s9;
	v6 =	vld [tilespmem:s26+$0x1E10]  }
0xf5: {  	s23 =	sadd.s32 $0x7FFF3D, s9;
	s18 =	sshll.u32 s18, $0x9;
	p1 =	sgt.s32 s20, $0xC7;
	v1 =	vadd.f32 v1, v9;
	v7 =	vld [tilespmem:s22+$0x1D10]  }
0xf6: {  	[tilespmem:s3+$0x9C00] =	vst v4;
	v4 =	vld [tilespmem:s3+$0x1C10];
	s21 =	sshra.s32 s18, $0x2;
	s20 =	smov.u32 @p1 s23;
	s18 =	sadd.s32 $0x6, s9;
	v2 =	vadd.f32 v2, v5  }
0xf7: {  	s23 =	sadd.s32 $0x7FFF3E, s9;
	v5 =	vld [tilespmem:s5+$0x11C10];
	s20 =	sshll.u32 s20, $0x9;
	p1 =	sgt.s32 s18, $0xC7;
	[tilespmem:s22+$0x9D00] =	vst v1;
	v0 =	vadd.f32 v0, v8  }
0xf8: {  	s29 =	sadd.s32 $0x7, s9;
	s20 =	sshra.s32 s20, $0x2;
	s18 =	smov.u32 @p1 s23;
	v1 =	vld [tilespmem:s14+$0x11C10];
	[tilespmem:s26+$0x9E00] =	vst v2  }
0xf9: {  	s25 =	sadd.s32 $0x7FFF3F, s9;
	p1 =	sgt.s32 s29, $0xC7;
	s18 =	sshll.u32 s18, $0x9;
	v2 =	vld [tilespmem:s2+$0x11C10];
	[tilespmem:s24+$0x9F00] =	vst v0  }
0xfa: {  	s29 =	smov.u32 @p1 s25;
	s25 =	smov.u32 s24;
	s23 =	sshra.s32 s18, $0x2;
	v0 =	vld [tilespmem:s10+$0x11C10]  }
0xfb: {  	s24 =	smov.u32 s26;
	s26 =	smov.u32 s22;
	s18 =	sshll.u32 s29, $0x9;
	v8 =	vld [tilespmem:s25+$0x1F20]  }
0xfc: {  	s22 =	smov.u32 s3;
	s29 =	sshra.s32 s18, $0x2;
	s18 =	smov.u32 s31;
	v4 =	vadd.f32 v5, v4;
	v5 =	vld [tilespmem:s24+$0x1E20]  }
0xfd: {  	s31 =	smov.u32 s8;
	s8 =	smov.u32 s28;
	s28 =	smov.u32 s29;
	v1 =	vadd.f32 v1, v7;
	v7 =	vld [tilespmem:s26+$0x1D20]  }
0xfe: {  	s29 =	smov.u32 s0;
	s0 =	smov.u32 s7;
	s7 =	smov.u32 s1;
	[tilespmem:s22+$0x9C10] =	vst v4;
	v4 =	vld [tilespmem:s22+$0x1C20];
	v2 =	vadd.f32 v2, v6  }
0xff: {  	s1 =	smov.u32 s16;
	v6 =	vld [tilespmem:s5+$0x11C20];
	[tilespmem:s26+$0x9D10] =	vst v1;
	v0 =	vadd.f32 v0, v3  }
0x100: {  	v1 =	vld [tilespmem:s14+$0x11C20];
	[tilespmem:s24+$0x9E10] =	vst v2  }
0x101: {  	v2 =	vld [tilespmem:s2+$0x11C20];
	[tilespmem:s25+$0x9F10] =	vst v0  }
0x102: {  	v0 =	vld [tilespmem:s10+$0x11C20]  }
0x103: {  	v3 =	vld [tilespmem:s25+$0x1F30]  }
0x104: {  	v4 =	vadd.f32 v6, v4;
	v6 =	vld [tilespmem:s24+$0x1E30]  }
0x105: {  	v1 =	vadd.f32 v1, v7;
	v7 =	vld [tilespmem:s26+$0x1D30]  }
0x106: {  	[tilespmem:s22+$0x9C20] =	vst v4;
	v4 =	vld [tilespmem:s22+$0x1C30];
	v2 =	vadd.f32 v2, v5  }
0x107: {  	v5 =	vld [tilespmem:s5+$0x11C30];
	[tilespmem:s26+$0x9D20] =	vst v1;
	v0 =	vadd.f32 v0, v8  }
0x108: {  	v1 =	vld [tilespmem:s14+$0x11C30];
	[tilespmem:s24+$0x9E20] =	vst v2;
	s14 =	smov.u32 s6  }
0x109: {  	v2 =	vld [tilespmem:s2+$0x11C30];
	[tilespmem:s25+$0x9F20] =	vst v0;
	s2 =	smov.u32 s13;
	s13 =	smov.u32 s21  }
0x10a: {  	v0 =	vld [tilespmem:s10+$0x11C30];
	s10 =	smov.u32 s12;
	s12 =	smov.u32 s4;
	s4 =	smov.u32 s23  }
0x10b: {  	v8 =	vld [tilespmem:s25+$0x1F80]  }
0x10c: {  	v4 =	vadd.f32 v5, v4;
	v5 =	vld [tilespmem:s24+$0x1E80]  }
0x10d: {  	v1 =	vadd.f32 v1, v7;
	v7 =	vld [tilespmem:s26+$0x1D80]  }
0x10e: {  	[tilespmem:s22+$0x9C30] =	vst v4;
	v4 =	vld [tilespmem:s22+$0x1C80];
	v2 =	vadd.f32 v2, v6  }
0x10f: {  	v6 =	vld [tilespmem:s19+$0x11C00];
	[tilespmem:s26+$0x9D30] =	vst v1;
	v0 =	vadd.f32 v0, v3  }
0x110: {  	v1 =	vld [tilespmem:s11+$0x11C00];
	[tilespmem:s24+$0x9E30] =	vst v2  }
0x111: {  	v2 =	vld [tilespmem:s15+$0x11C00];
	[tilespmem:s25+$0x9F30] =	vst v0  }
0x112: {  	v0 =	vld [tilespmem:s18+$0x11C00]  }
0x113: {  	v3 =	vld [tilespmem:s25+$0x1F90]  }
0x114: {  	v4 =	vadd.f32 v6, v4;
	v6 =	vld [tilespmem:s24+$0x1E90]  }
0x115: {  	v1 =	vadd.f32 v1, v7;
	v7 =	vld [tilespmem:s26+$0x1D90]  }
0x116: {  	[tilespmem:s22+$0x9C80] =	vst v4;
	v4 =	vld [tilespmem:s22+$0x1C90];
	v2 =	vadd.f32 v2, v5  }
0x117: {  	v5 =	vld [tilespmem:s19+$0x11C10];
	[tilespmem:s26+$0x9D80] =	vst v1;
	v0 =	vadd.f32 v0, v8  }
0x118: {  	v1 =	vld [tilespmem:s11+$0x11C10];
	[tilespmem:s24+$0x9E80] =	vst v2  }
0x119: {  	v2 =	vld [tilespmem:s15+$0x11C10];
	[tilespmem:s25+$0x9F80] =	vst v0  }
0x11a: {  	v0 =	vld [tilespmem:s18+$0x11C10]  }
0x11b: {  	v8 =	vld [tilespmem:s25+$0x1FA0]  }
0x11c: {  	v4 =	vadd.f32 v5, v4;
	v9 =	vld [tilespmem:s24+$0x1EA0]  }
0x11d: {  	v1 =	vadd.f32 v1, v7;
	v5 =	vld [tilespmem:s26+$0x1DA0]  }
0x11e: {  	[tilespmem:s22+$0x9C90] =	vst v4;
	v4 =	vld [tilespmem:s22+$0x1CA0];
	v2 =	vadd.f32 v2, v6  }
0x11f: {  	v6 =	vld [tilespmem:s19+$0x11C20];
	[tilespmem:s26+$0x9D90] =	vst v1;
	v0 =	vadd.f32 v0, v3  }
0x120: {  	v1 =	vld [tilespmem:s11+$0x11C20];
	[tilespmem:s24+$0x9E90] =	vst v2  }
0x121: {  	v7 =	vld [tilespmem:s15+$0x11C20];
	[tilespmem:s25+$0x9F90] =	vst v0  }
0x122: {  	v10 =	vld [tilespmem:s18+$0x11C20]  }
0x123: {  	v0 =	vld [tilespmem:s25+$0x1FB0]  }
0x124: {  	v4 =	vadd.f32 v6, v4;
	v2 =	vld [tilespmem:s24+$0x1EB0]  }
.Ltmp2:
0x125: {  	v1 =	vadd.f32 v1, v5;
	v3 =	vld [tilespmem:s26+$0x1DB0];
	(pc) =	sbr.rel @p0 .LBB2_3-.Ltmp2, $4  }
0x126: {  	[tilespmem:s22+$0x9CA0] =	vst v4;
	v5 =	vld [tilespmem:s22+$0x1CB0];
	v6 =	vadd.f32 v7, v9  }
0x127: {  	v4 =	vld [tilespmem:s19+$0x11C30];
	[tilespmem:s26+$0x9DA0] =	vst v1;
	v1 =	vadd.f32 v10, v8  }
0x128: {  	v7 =	vld [tilespmem:s11+$0x11C30];
	[tilespmem:s24+$0x9EA0] =	vst v6;
	s11 =	smov.u32 s30  }
0x129: {  	s16 =	sadd.s32 $0x1000, s16;
	s30 =	sadd.s32 $0x8, s9;
	v6 =	vld [tilespmem:s15+$0x11C30];
	[tilespmem:s25+$0x9FA0] =	vst v1;
	s15 =	smov.u32 s17  }
0x12a: {  	p0 =	sgt.s32 s30, $0xC7;
	s3 =	sadd.s32 $0xFFFFFF40, s9  }
0x12b: {  	v1 =	vld [tilespmem:s18+$0x11C30];
	s30 =	smov.u32 @p0 s3  }
0x12c: {  	v9 =	vld [tilespmem:s26+$0x1E00];
	s3 =	sshll.u32 s30, $0x7  }
0x12d: {  	s29 =	sshra.s32 s29, $0x2;
	p0 =	sgt.s32 s30, $0xC7;
	v4 =	vadd.f32 v4, v5;
	v5 =	vld [tilespmem:s22+$0x1D00];
	s5 =	sadd.s32 $0xFFFF9C00, s3  }
0x12e: {  	v3 =	vadd.f32 v7, v3;
	v7 =	vld [tilespmem:s29+$0x1C00];
	s3 =	smov.u32 @p0 s5  }
0x12f: {  	[tilespmem:s22+$0x9CB0] =	vst v4;
	v2 =	vadd.f32 v6, v2;
	v4 =	vld [tilespmem:s3+$0x11C00]  }
0x130: {  	[tilespmem:s26+$0x9DB0] =	vst v3;
	v3 =	vld [tilespmem:s14+$0x11C00]  }
0x131: {  	[tilespmem:s24+$0x9EB0] =	vst v2;
	v2 =	vld [tilespmem:s2+$0x11C00]  }
0x132: {  	v8 =	vld [tilespmem:s24+$0x1F00]  }
0x133: {  	v6 =	vld [tilespmem:s10+$0x11C00]  }
0x134: {  	v4 =	vadd.f32 v4, v7;
	v7 =	vld [tilespmem:s26+$0x1E10]  }
0x135: {  	v3 =	vadd.f32 v3, v5;
	v5 =	vld [tilespmem:s22+$0x1D10]  }
0x136: {  	v2 =	vadd.f32 v2, v9;
	[tilespmem:s29+$0x9C00] =	vst v4;
	v4 =	vld [tilespmem:s29+$0x1C10]  }
0x137: {  	[tilespmem:s22+$0x9D00] =	vst v3;
	v15 =	vld [tilespmem:s3+$0x11C10]  }
0x138: {  	v3 =	vadd.f32 v6, v8;
	v6 =	vld [tilespmem:s14+$0x11C10];
	[tilespmem:s26+$0x9E00] =	vst v2  }
0x139: {  	v2 =	vld [tilespmem:s2+$0x11C10]  }
0x13a: {  	v10 =	vld [tilespmem:s24+$0x1F10];
	[tilespmem:s24+$0x9F00] =	vst v3  }
0x13b: {  	v3 =	vld [tilespmem:s10+$0x11C10]  }
0x13c: {  	v16 =	vld [tilespmem:s26+$0x1E20];
	v4 =	vadd.f32 v15, v4  }
0x13d: {  	v5 =	vadd.f32 v6, v5;
	v6 =	vld [tilespmem:s22+$0x1D20]  }
0x13e: {  	v2 =	vadd.f32 v2, v7;
	[tilespmem:s29+$0x9C10] =	vst v4;
	v4 =	vld [tilespmem:s29+$0x1C20]  }
0x13f: {  	[tilespmem:s22+$0x9D10] =	vst v5;
	v7 =	vld [tilespmem:s3+$0x11C20]  }
0x140: {  	v3 =	vadd.f32 v3, v10;
	v5 =	vld [tilespmem:s14+$0x11C20];
	[tilespmem:s26+$0x9E10] =	vst v2  }
0x141: {  	v2 =	vld [tilespmem:s2+$0x11C20]  }
0x142: {  	v8 =	vld [tilespmem:s24+$0x1F20];
	[tilespmem:s24+$0x9F10] =	vst v3  }
0x143: {  	v3 =	vld [tilespmem:s10+$0x11C20]  }
0x144: {  	v4 =	vadd.f32 v7, v4;
	v7 =	vld [tilespmem:s26+$0x1E30]  }
0x145: {  	v5 =	vadd.f32 v5, v6;
	v6 =	vld [tilespmem:s22+$0x1D30]  }
0x146: {  	v2 =	vadd.f32 v2, v16;
	[tilespmem:s29+$0x9C20] =	vst v4;
	v4 =	vld [tilespmem:s29+$0x1C30]  }
0x147: {  	[tilespmem:s22+$0x9D20] =	vst v5;
	v18 =	vld [tilespmem:s3+$0x11C30]  }
0x148: {  	v3 =	vadd.f32 v3, v8;
	v5 =	vld [tilespmem:s14+$0x11C30];
	[tilespmem:s26+$0x9E20] =	vst v2  }
0x149: {  	v2 =	vld [tilespmem:s2+$0x11C30]  }
0x14a: {  	v17 =	vld [tilespmem:s24+$0x1F30];
	[tilespmem:s24+$0x9F20] =	vst v3;
	s2 =	sadd.s32 $0x1, s30  }
0x14b: {  	s3 =	sadd.s32 $0x7FFF39, s30;
	v3 =	vld [tilespmem:s10+$0x11C30];
	p0 =	sgt.s32 s2, $0xC7  }
0x14c: {  	v19 =	vld [tilespmem:s26+$0x1E80];
	s2 =	smov.u32 @p0 s3;
	v4 =	vadd.f32 v18, v4  }
0x14d: {  	s2 =	sshll.u32 s2, $0x9;
	v5 =	vadd.f32 v5, v6;
	v6 =	vld [tilespmem:s22+$0x1D80]  }
0x14e: {  	s2 =	sshra.s32 s2, $0x2;
	v2 =	vadd.f32 v2, v7;
	[tilespmem:s29+$0x9C30] =	vst v4;
	v4 =	vld [tilespmem:s29+$0x1C80]  }
0x14f: {  	[tilespmem:s22+$0x9D30] =	vst v5;
	v7 =	vld [tilespmem:s2+$0x11C00]  }
0x150: {  	v3 =	vadd.f32 v3, v17;
	v5 =	vld [tilespmem:s11+$0x11C00];
	[tilespmem:s26+$0x9E30] =	vst v2  }
0x151: {  	v2 =	vld [tilespmem:s15+$0x11C00]  }
0x152: {  	v8 =	vld [tilespmem:s24+$0x1F80];
	[tilespmem:s24+$0x9F30] =	vst v3  }
0x153: {  	v3 =	vld [tilespmem:s31+$0x11C00]  }
0x154: {  	v4 =	vadd.f32 v7, v4;
	v7 =	vld [tilespmem:s26+$0x1E90]  }
0x155: {  	v5 =	vadd.f32 v5, v6;
	v6 =	vld [tilespmem:s22+$0x1D90]  }
0x156: {  	v2 =	vadd.f32 v2, v19;
	[tilespmem:s29+$0x9C80] =	vst v4;
	v4 =	vld [tilespmem:s29+$0x1C90]  }
0x157: {  	[tilespmem:s22+$0x9D80] =	vst v5;
	v21 =	vld [tilespmem:s2+$0x11C10]  }
0x158: {  	v3 =	vadd.f32 v3, v8;
	v5 =	vld [tilespmem:s11+$0x11C10];
	[tilespmem:s26+$0x9E80] =	vst v2  }
0x159: {  	v2 =	vld [tilespmem:s15+$0x11C10]  }
0x15a: {  	v20 =	vld [tilespmem:s24+$0x1F90];
	[tilespmem:s24+$0x9F80] =	vst v3  }
0x15b: {  	v3 =	vld [tilespmem:s31+$0x11C10]  }
0x15c: {  	v22 =	vld [tilespmem:s26+$0x1EA0];
	v4 =	vadd.f32 v21, v4  }
0x15d: {  	v5 =	vadd.f32 v5, v6;
	v6 =	vld [tilespmem:s22+$0x1DA0]  }
0x15e: {  	v2 =	vadd.f32 v2, v7;
	[tilespmem:s29+$0x9C90] =	vst v4;
	v4 =	vld [tilespmem:s29+$0x1CA0]  }
0x15f: {  	[tilespmem:s22+$0x9D90] =	vst v5;
	v7 =	vld [tilespmem:s2+$0x11C20]  }
0x160: {  	v3 =	vadd.f32 v3, v20;
	v5 =	vld [tilespmem:s11+$0x11C20];
	[tilespmem:s26+$0x9E90] =	vst v2  }
0x161: {  	v23 =	vld [tilespmem:s15+$0x11C20]  }
0x162: {  	v8 =	vld [tilespmem:s24+$0x1FA0];
	[tilespmem:s24+$0x9F90] =	vst v3  }
0x163: {  	v3 =	vld [tilespmem:s31+$0x11C20]  }
0x164: {  	v4 =	vadd.f32 v7, v4;
	v7 =	vld [tilespmem:s26+$0x1EB0]  }
0x165: {  	v5 =	vadd.f32 v5, v6;
	v6 =	vld [tilespmem:s22+$0x1DB0]  }
0x166: {  	v9 =	vadd.f32 v23, v22;
	[tilespmem:s29+$0x9CA0] =	vst v4;
	v4 =	vld [tilespmem:s29+$0x1CB0]  }
0x167: {  	[tilespmem:s22+$0x9DA0] =	vst v5;
	v24 =	vld [tilespmem:s2+$0x11C30]  }
0x168: {  	s10 =	sadd.s32 $0x8, s30;
	v5 =	vld [tilespmem:s11+$0x11C30];
	[tilespmem:s26+$0x9EA0] =	vst v9  }
0x169: {  	p0 =	sgt.s32 s10, $0xC7;
	s3 =	sadd.s32 $0xFFFFFF40, s30;
	v3 =	vadd.f32 v3, v8;
	v8 =	vld [tilespmem:s15+$0x11C30]  }
0x16a: {  	v25 =	vld [tilespmem:s26+$0x1F00];
	s0 =	sshra.s32 s0, $0x2;
	s10 =	smov.u32 @p0 s3;
	s2 =	sadd.s32 $0x2, s30  }
0x16b: {  	v11 =	vld [tilespmem:s22+$0x1E00];
	s5 =	sadd.s32 $0x7FFF3A, s30;
	s3 =	sshll.u32 s10, $0x7;
	p1 =	sgt.s32 s2, $0xC7  }
0x16c: {  	v26 =	vld [tilespmem:s29+$0x1D00];
	p0 =	sgt.s32 s10, $0xC7;
	s2 =	smov.u32 @p1 s5;
	s5 =	sadd.s32 $0xFFFF9C00, s3;
	v4 =	vadd.f32 v24, v4  }
0x16d: {  	s2 =	sshll.u32 s2, $0x9;
	s3 =	smov.u32 @p0 s5;
	v5 =	vadd.f32 v5, v6;
	v6 =	vld [tilespmem:s0+$0x1C00]  }
0x16e: {  	s2 =	sshra.s32 s2, $0x2;
	[tilespmem:s29+$0x9CB0] =	vst v4;
	v4 =	vadd.f32 v8, v7;
	v7 =	vld [tilespmem:s3+$0x11C00]  }
0x16f: {  	[tilespmem:s22+$0x9DB0] =	vst v5;
	v5 =	vld [tilespmem:s2+$0x11C00]  }
0x170: {  	[tilespmem:s26+$0x9EB0] =	vst v4;
	v4 =	vld [tilespmem:s13+$0x11C00]  }
0x171: {  	v12 =	vld [tilespmem:s26+$0x1F10]  }
0x172: {  	v8 =	vld [tilespmem:s12+$0x11C00]  }
0x173: {  	v27 =	vld [tilespmem:s29+$0x1D10];
	v6 =	vadd.f32 v7, v6  }
0x174: {  	v7 =	vld [tilespmem:s22+$0x1E10];
	v5 =	vadd.f32 v5, v26  }
0x175: {  	[tilespmem:s0+$0x9C00] =	vst v6;
	v6 =	vld [tilespmem:s0+$0x1C10];
	v4 =	vadd.f32 v4, v11  }
0x176: {  	v28 =	vld [tilespmem:s3+$0x11C10];
	[tilespmem:s29+$0x9D00] =	vst v5  }
0x177: {  	v5 =	vadd.f32 v8, v25;
	v8 =	vld [tilespmem:s2+$0x11C10];
	[tilespmem:s22+$0x9E00] =	vst v4  }
0x178: {  	v4 =	vld [tilespmem:s13+$0x11C10]  }
0x179: {  	v29 =	vld [tilespmem:s26+$0x1F20]  }
0x17a: {  	v30 =	vld [tilespmem:s22+$0x1E20];
	[tilespmem:s26+$0x9F00] =	vst v5  }
0x17b: {  	v5 =	vld [tilespmem:s12+$0x11C10];
	v6 =	vadd.f32 v28, v6  }
0x17c: {  	v31 =	vld [tilespmem:s29+$0x1D20];
	v8 =	vadd.f32 v8, v27  }
0x17d: {  	[tilespmem:s0+$0x9C10] =	vst v6;
	v6 =	vld [tilespmem:s0+$0x1C20];
	v4 =	vadd.f32 v4, v7  }
0x17e: {  	v7 =	vld [tilespmem:s3+$0x11C20];
	[tilespmem:s29+$0x9D10] =	vst v8  }
0x17f: {  	v8 =	vld [tilespmem:s2+$0x11C20];
	[tilespmem:s22+$0x9E10] =	vst v4  }
0x180: {  	v5 =	vadd.f32 v5, v12;
	v4 =	vld [tilespmem:s13+$0x11C20]  }
0x181: {  	v32 =	vld [tilespmem:s26+$0x1F30]  }
0x182: {  	v33 =	vld [tilespmem:s29+$0x1D30];
	[tilespmem:s26+$0x9F10] =	vst v5  }
0x183: {  	v5 =	vld [tilespmem:s12+$0x11C20];
	v6 =	vadd.f32 v7, v6  }
0x184: {  	v7 =	vld [tilespmem:s22+$0x1E30];
	v8 =	vadd.f32 v8, v31  }
0x185: {  	[tilespmem:s0+$0x9C20] =	vst v6;
	v6 =	vld [tilespmem:s0+$0x1C30];
	v4 =	vadd.f32 v4, v30  }
0x186: {  	v34 =	vld [tilespmem:s3+$0x11C30];
	[tilespmem:s29+$0x9D20] =	vst v8  }
0x187: {  	v8 =	vld [tilespmem:s2+$0x11C30];
	[tilespmem:s22+$0x9E20] =	vst v4  }
0x188: {  	v5 =	vadd.f32 v5, v29;
	v4 =	vld [tilespmem:s13+$0x11C30]  }
0x189: {  	v35 =	vld [tilespmem:s26+$0x1F80];
	s2 =	sadd.s32 $0x1, s10  }
0x18a: {  	v36 =	vld [tilespmem:s22+$0x1E80];
	s5 =	sadd.s32 $0x7FFF39, s10;
	s3 =	sadd.s32 $0x3, s30;
	[tilespmem:s26+$0x9F20] =	vst v5;
	p0 =	sgt.s32 s2, $0xC7  }
0x18b: {  	s6 =	sadd.s32 $0x7FFF3B, s30;
	p1 =	sgt.s32 s3, $0xC7;
	v5 =	vld [tilespmem:s12+$0x11C30];
	s2 =	smov.u32 @p0 s5;
	v6 =	vadd.f32 v34, v6  }
0x18c: {  	v37 =	vld [tilespmem:s29+$0x1D80];
	s3 =	smov.u32 @p1 s6;
	s2 =	sshll.u32 s2, $0x9;
	v8 =	vadd.f32 v8, v33  }
0x18d: {  	s3 =	sshll.u32 s3, $0x9;
	s2 =	sshra.s32 s2, $0x2;
	[tilespmem:s0+$0x9C30] =	vst v6;
	v6 =	vld [tilespmem:s0+$0x1C80];
	v4 =	vadd.f32 v4, v7  }
0x18e: {  	s3 =	sshra.s32 s3, $0x2;
	v7 =	vld [tilespmem:s2+$0x11C00];
	[tilespmem:s29+$0x9D30] =	vst v8  }
0x18f: {  	v8 =	vld [tilespmem:s3+$0x11C00];
	[tilespmem:s22+$0x9E30] =	vst v4  }
0x190: {  	v5 =	vadd.f32 v5, v32;
	v4 =	vld [tilespmem:s20+$0x11C00]  }
0x191: {  	v38 =	vld [tilespmem:s26+$0x1F90]  }
0x192: {  	v39 =	vld [tilespmem:s29+$0x1D90];
	[tilespmem:s26+$0x9F30] =	vst v5  }
0x193: {  	v5 =	vld [tilespmem:s8+$0x11C00];
	v6 =	vadd.f32 v7, v6  }
0x194: {  	v7 =	vld [tilespmem:s22+$0x1E90];
	v8 =	vadd.f32 v8, v37  }
0x195: {  	[tilespmem:s0+$0x9C80] =	vst v6;
	v6 =	vld [tilespmem:s0+$0x1C90];
	v4 =	vadd.f32 v4, v36  }
0x196: {  	v40 =	vld [tilespmem:s2+$0x11C10];
	[tilespmem:s29+$0x9D80] =	vst v8  }
0x197: {  	v8 =	vld [tilespmem:s3+$0x11C10];
	[tilespmem:s22+$0x9E80] =	vst v4  }
0x198: {  	v5 =	vadd.f32 v5, v35;
	v4 =	vld [tilespmem:s20+$0x11C10]  }
0x199: {  	v41 =	vld [tilespmem:s26+$0x1FA0]  }
0x19a: {  	v42 =	vld [tilespmem:s22+$0x1EA0];
	[tilespmem:s26+$0x9F80] =	vst v5  }
0x19b: {  	v5 =	vld [tilespmem:s8+$0x11C10];
	v6 =	vadd.f32 v40, v6  }
0x19c: {  	v43 =	vld [tilespmem:s29+$0x1DA0];
	v8 =	vadd.f32 v8, v39  }
0x19d: {  	[tilespmem:s0+$0x9C90] =	vst v6;
	v6 =	vld [tilespmem:s0+$0x1CA0];
	v4 =	vadd.f32 v4, v7  }
0x19e: {  	v7 =	vld [tilespmem:s2+$0x11C20];
	[tilespmem:s29+$0x9D90] =	vst v8  }
0x19f: {  	v8 =	vld [tilespmem:s3+$0x11C20];
	[tilespmem:s22+$0x9E90] =	vst v4  }
0x1a0: {  	v5 =	vadd.f32 v5, v38;
	v4 =	vld [tilespmem:s20+$0x11C20]  }
0x1a1: {  	v45 =	vld [tilespmem:s29+$0x1DB0]  }
0x1a2: {  	v13 =	vld [tilespmem:s0+$0x1CB0];
	[tilespmem:s26+$0x9F90] =	vst v5  }
0x1a3: {  	v44 =	vld [tilespmem:s8+$0x11C20];
	v6 =	vadd.f32 v7, v6  }
0x1a4: {  	v49 =	vld [tilespmem:s0+$0x1D00];
	v8 =	vadd.f32 v8, v43  }
0x1a5: {  	v7 =	vld [tilespmem:s22+$0x1EB0];
	[tilespmem:s0+$0x9CA0] =	vst v6;
	v4 =	vadd.f32 v4, v42  }
0x1a6: {  	s9 =	sadd.s32 $0x8, s10;
	v46 =	vld [tilespmem:s2+$0x11C30];
	[tilespmem:s29+$0x9DA0] =	vst v8  }
0x1a7: {  	s7 =	sshra.s32 s7, $0x2;
	p1 =	sgt.s32 s9, $0xC7;
	v8 =	vld [tilespmem:s3+$0x11C30];
	[tilespmem:s22+$0x9EA0] =	vst v4  }
0x1a8: {  	s6 =	sadd.s32 $0x7FFF3A, s10;
	s5 =	sadd.s32 $0x4, s30;
	v6 =	vadd.f32 v44, v41;
	s2 =	sadd.s32 $0xFFFFFF40, s10;
	v4 =	vld [tilespmem:s20+$0x11C30]  }
0x1a9: {  	v50 =	vld [tilespmem:s7+$0x1C00];
	p0 =	sgt.s32 s5, $0xC7;
	s3 =	sadd.s32 $0x2, s10;
	s9 =	smov.u32 @p1 s2  }
0x1aa: {  	v47 =	vld [tilespmem:s22+$0x1F00];
	[tilespmem:s26+$0x9FA0] =	vst v6;
	p2 =	sgt.s32 s3, $0xC7;
	s2 =	sshll.u32 s9, $0x7;
	p1 =	sgt.s32 s9, $0xC7  }
0x1ab: {  	v6 =	vld [tilespmem:s8+$0x11C30];
	s8 =	sadd.s32 $0x7FFF3C, s30;
	s3 =	smov.u32 @p2 s6;
	s6 =	sadd.s32 $0xFFFF9C00, s2;
	v11 =	vadd.f32 v46, v13  }
0x1ac: {  	v48 =	vld [tilespmem:s29+$0x1E00];
	s5 =	smov.u32 @p0 s8;
	s3 =	sshll.u32 s3, $0x9;
	s2 =	smov.u32 @p1 s6;
	v8 =	vadd.f32 v8, v45  }
0x1ad: {  	s5 =	sshll.u32 s5, $0x9;
	s3 =	sshra.s32 s3, $0x2;
	[tilespmem:s0+$0x9CB0] =	vst v11;
	v4 =	vadd.f32 v4, v7;
	v7 =	vld [tilespmem:s2+$0x11C00]  }
0x1ae: {  	s5 =	sshra.s32 s5, $0x2;
	[tilespmem:s29+$0x9DB0] =	vst v8;
	v8 =	vld [tilespmem:s3+$0x11C00]  }
0x1af: {  	[tilespmem:s22+$0x9EB0] =	vst v4;
	v4 =	vld [tilespmem:s5+$0x11C00]  }
0x1b0: {  	v51 =	vld [tilespmem:s4+$0x11C00]  }
0x1b1: {  	v53 =	vld [tilespmem:s0+$0x1D10]  }
0x1b2: {  	v14 =	vld [tilespmem:s22+$0x1F10];
	v7 =	vadd.f32 v7, v50  }
0x1b3: {  	v52 =	vld [tilespmem:s29+$0x1E10];
	v8 =	vadd.f32 v8, v49  }
0x1b4: {  	[tilespmem:s7+$0x9C00] =	vst v7;
	v7 =	vld [tilespmem:s7+$0x1C10];
	v4 =	vadd.f32 v4, v48  }
0x1b5: {  	v54 =	vld [tilespmem:s2+$0x11C10];
	[tilespmem:s0+$0x9D00] =	vst v8;
	v8 =	vadd.f32 v51, v47  }
0x1b6: {  	v55 =	vld [tilespmem:s3+$0x11C10];
	[tilespmem:s29+$0x9E00] =	vst v4  }
0x1b7: {  	v4 =	vld [tilespmem:s5+$0x11C10];
	[tilespmem:s22+$0x9F00] =	vst v8  }
0x1b8: {  	v8 =	vld [tilespmem:s4+$0x11C10]  }
0x1b9: {  	v58 =	vld [tilespmem:s0+$0x1D20]  }
0x1ba: {  	v56 =	vld [tilespmem:s22+$0x1F20];
	v7 =	vadd.f32 v54, v7  }
0x1bb: {  	v57 =	vld [tilespmem:s29+$0x1E20];
	v9 =	vadd.f32 v55, v53  }
0x1bc: {  	[tilespmem:s7+$0x9C10] =	vst v7;
	v7 =	vld [tilespmem:s7+$0x1C20];
	v4 =	vadd.f32 v4, v52  }
0x1bd: {  	v59 =	vld [tilespmem:s2+$0x11C20];
	[tilespmem:s0+$0x9D10] =	vst v9;
	v8 =	vadd.f32 v8, v14  }
0x1be: {  	v9 =	vld [tilespmem:s3+$0x11C20];
	[tilespmem:s29+$0x9E10] =	vst v4  }
0x1bf: {  	v4 =	vld [tilespmem:s5+$0x11C20];
	[tilespmem:s22+$0x9F10] =	vst v8  }
0x1c0: {  	v8 =	vld [tilespmem:s4+$0x11C20]  }
0x1c1: {  	v62 =	vld [tilespmem:s0+$0x1D30]  }
0x1c2: {  	v60 =	vld [tilespmem:s22+$0x1F30];
	v7 =	vadd.f32 v59, v7  }
0x1c3: {  	v61 =	vld [tilespmem:s29+$0x1E30];
	v9 =	vadd.f32 v9, v58  }
0x1c4: {  	[tilespmem:s7+$0x9C20] =	vst v7;
	v7 =	vld [tilespmem:s7+$0x1C30];
	v4 =	vadd.f32 v4, v57  }
0x1c5: {  	v63 =	vld [tilespmem:s2+$0x11C30];
	[tilespmem:s0+$0x9D20] =	vst v9;
	v8 =	vadd.f32 v8, v56  }
0x1c6: {  	v9 =	vld [tilespmem:s3+$0x11C30];
	[tilespmem:s29+$0x9E20] =	vst v4  }
0x1c7: {  	v4 =	vld [tilespmem:s5+$0x11C30];
	[tilespmem:s22+$0x9F20] =	vst v8  }
0x1c8: {  	s6 =	sadd.s32 $0x7FFF3B, s10;
	s2 =	sadd.s32 $0x5, s30;
	s3 =	sadd.s32 $0x1, s9;
	v8 =	vld [tilespmem:s4+$0x11C30]  }
0x1c9: {  	v18 =	vld [tilespmem:s0+$0x1D80];
	p1 =	sgt.s32 s3, $0xC7;
	s5 =	sadd.s32 $0x7FFF39, s9;
	s4 =	sadd.s32 $0x3, s10  }
0x1ca: {  	v16 =	vld [tilespmem:s22+$0x1F80];
	p0 =	sgt.s32 s2, $0xC7;
	s3 =	smov.u32 @p1 s5;
	p2 =	sgt.s32 s4, $0xC7;
	v7 =	vadd.f32 v63, v7  }
0x1cb: {  	v17 =	vld [tilespmem:s29+$0x1E80];
	s5 =	sadd.s32 $0x7FFF3D, s30;
	s3 =	sshll.u32 s3, $0x9;
	s4 =	smov.u32 @p2 s6;
	v9 =	vadd.f32 v9, v62  }
0x1cc: {  	s2 =	smov.u32 @p0 s5;
	s3 =	sshra.s32 s3, $0x2;
	s4 =	sshll.u32 s4, $0x9;
	[tilespmem:s7+$0x9C30] =	vst v7;
	v7 =	vld [tilespmem:s7+$0x1C80];
	v4 =	vadd.f32 v4, v61  }
0x1cd: {  	s2 =	sshll.u32 s2, $0x9;
	s11 =	sshra.s32 s4, $0x2;
	v19 =	vld [tilespmem:s3+$0x11C00];
	[tilespmem:s0+$0x9D30] =	vst v9;
	v8 =	vadd.f32 v8, v60  }
0x1ce: {  	s2 =	sshra.s32 s2, $0x2;
	v9 =	vld [tilespmem:s11+$0x11C00];
	[tilespmem:s29+$0x9E30] =	vst v4  }
0x1cf: {  	v20 =	vld [tilespmem:s2+$0x11C00];
	[tilespmem:s22+$0x9F30] =	vst v8  }
0x1d0: {  	v8 =	vld [tilespmem:s28+$0x11C00]  }
0x1d1: {  	v2 =	vld [tilespmem:s24+$0x1FB0]  }
0x1d2: {  	v22 =	vld [tilespmem:s0+$0x1D90];
	v7 =	vadd.f32 v19, v7  }
0x1d3: {  	v21 =	vld [tilespmem:s29+$0x1E90];
	[tilespmem:s24+$0x9FA0] =	vst v3;
	v9 =	vadd.f32 v9, v18  }
0x1d4: {  	v3 =	vld [tilespmem:s31+$0x11C30];
	[tilespmem:s7+$0x9C80] =	vst v7;
	v7 =	vadd.f32 v20, v17  }
0x1d5: {  	v5 =	vld [tilespmem:s26+$0x1FB0];
	[tilespmem:s0+$0x9D80] =	vst v9;
	v8 =	vadd.f32 v8, v16  }
0x1d6: {  	[tilespmem:s29+$0x9E80] =	vst v7;
	v7 =	vld [tilespmem:s11+$0x11C10]  }
0x1d7: {  	s4 =	sadd.s32 $0x8, s9;
	[tilespmem:s22+$0x9F80] =	vst v8;
	v8 =	vld [tilespmem:s2+$0x11C10]  }
0x1d8: {  	s6 =	sadd.s32 $0xFFFFFF40, s9;
	p0 =	sgt.s32 s4, $0xC7  }
0x1d9: {  	v0 =	vadd.f32 v1, v0;
	s4 =	smov.u32 @p0 s6  }
0x1da: {  	v1 =	vadd.f32 v3, v2;
	v2 =	vadd.f32 v6, v5;
	s6 =	sshll.u32 s4, $0x7  }
0x1db: {  	p0 =	sgt.s32 s4, $0xC7;
	s8 =	sadd.s32 $0xFFFF9C00, s6  }
0x1dc: {  	[tilespmem:s26+$0x9FB0] =	vst v2;
	s6 =	smov.u32 @p0 s8;
	v2 =	vadd.f32 v7, v22;
	v7 =	vadd.f32 v8, v21  }
0x1dd: {  	s1 =	sshra.s32 s1, $0x2;
	v26 =	vld [tilespmem:s6+$0x11C00]  }
0x1de: {  	[tilespmem:s29+$0x9E90] =	vst v7;
	v7 =	vld [tilespmem:s1+$0x1C00];
	_ =	sdelay $0x2  }
0x1df: {  	v23 =	vld [tilespmem:s7+$0x1C90]  }
0x1e0: {  	[tilespmem:s25+$0x9FB0] =	vst v0;
	v0 =	vld [tilespmem:s22+$0x1FA0]  }
0x1e1: {  	v24 =	vld [tilespmem:s3+$0x11C10];
	v7 =	vadd.f32 v26, v7  }
0x1e2: {  	[tilespmem:s24+$0x9FB0] =	vst v1;
	v1 =	vld [tilespmem:s29+$0x1EA0]  }
0x1e3: {  	[tilespmem:s1+$0x9C00] =	vst v7;
	v7 =	vld [tilespmem:s1+$0x1C10]  }
0x1e4: {  	v27 =	vld [tilespmem:s6+$0x11C10]  }
0x1e5: {  	v5 =	vld [tilespmem:s0+$0x1DA0]  }
0x1e6: {  	v4 =	vld [tilespmem:s22+$0x1F90];
	v6 =	vadd.f32 v24, v23  }
0x1e7: {  	v3 =	vld [tilespmem:s28+$0x11C10]  }
0x1e8: {  	[tilespmem:s7+$0x9C90] =	vst v6;
	v6 =	vld [tilespmem:s7+$0x1CA0]  }
0x1e9: {  	v8 =	vld [tilespmem:s3+$0x11C20];
	[tilespmem:s0+$0x9D90] =	vst v2;
	v7 =	vadd.f32 v27, v7  }
0x1ea: {  	v25 =	vld [tilespmem:s11+$0x11C20]  }
0x1eb: {  	v2 =	vld [tilespmem:s2+$0x11C20];
	[tilespmem:s1+$0x9C10] =	vst v7  }
0x1ec: {  	v7 =	vld [tilespmem:s1+$0x1C20]  }
0x1ed: {  	v28 =	vld [tilespmem:s6+$0x11C20];
	_ =	sdelay $0x4  }
0x1ee: {  	v7 =	vadd.f32 v28, v7;
	_ =	sdelay $0x1  }
0x1ef: {  	[tilespmem:s1+$0x9C20] =	vst v7;
	v7 =	vld [tilespmem:s1+$0x1C30]  }
0x1f0: {  	v29 =	vld [tilespmem:s6+$0x11C30];
	_ =	sdelay $0x2  }
0x1f1: {  	s6 =	sadd.s32 $0x1, s4  }
0x1f2: {  	s8 =	sadd.s32 $0x7FFF39, s4;
	p0 =	sgt.s32 s6, $0xC7  }
0x1f3: {  	s6 =	smov.u32 @p0 s8;
	v7 =	vadd.f32 v29, v7  }
0x1f4: {  	s6 =	sshll.u32 s6, $0x9  }
0x1f5: {  	s6 =	sshra.s32 s6, $0x2;
	[tilespmem:s1+$0x9C30] =	vst v7;
	v7 =	vld [tilespmem:s1+$0x1C80]  }
0x1f6: {  	v30 =	vld [tilespmem:s6+$0x11C00];
	_ =	sdelay $0x4  }
0x1f7: {  	v7 =	vadd.f32 v30, v7;
	_ =	sdelay $0x1  }
0x1f8: {  	[tilespmem:s1+$0x9C80] =	vst v7;
	v7 =	vld [tilespmem:s1+$0x1C90]  }
0x1f9: {  	v31 =	vld [tilespmem:s6+$0x11C10];
	_ =	sdelay $0x4  }
0x1fa: {  	v7 =	vadd.f32 v31, v7;
	_ =	sdelay $0x1  }
0x1fb: {  	[tilespmem:s1+$0x9C90] =	vst v7;
	v7 =	vld [tilespmem:s1+$0x1CA0]  }
0x1fc: {  	v32 =	vld [tilespmem:s6+$0x11C20];
	_ =	sdelay $0x2  }
0x1fd: {  	v6 =	vadd.f32 v8, v6;
	_ =	sdelay $0x1  }
0x1fe: {  	[tilespmem:s7+$0x9CA0] =	vst v6;
	v6 =	vld [tilespmem:s7+$0x1CB0];
	v7 =	vadd.f32 v32, v7  }
0x1ff: {  	v8 =	vld [tilespmem:s3+$0x11C30]  }
0x200: {  	[tilespmem:s1+$0x9CA0] =	vst v7;
	v7 =	vld [tilespmem:s1+$0x1CB0]  }
0x201: {  	v33 =	vld [tilespmem:s6+$0x11C30]  }
0x202: {  	s3 =	sadd.s32 $0x2, s9  }
0x203: {  	p0 =	sgt.s32 s3, $0xC7;
	s6 =	sadd.s32 $0x7FFF3A, s9  }
0x204: {  	v6 =	vadd.f32 v8, v6;
	s3 =	smov.u32 @p0 s6;
	s6 =	sadd.s32 $0x2, s4  }
0x205: {  	s8 =	sadd.s32 $0x7FFF3A, s4;
	s3 =	sshll.u32 s3, $0x9;
	p0 =	sgt.s32 s6, $0xC7  }
0x206: {  	v8 =	vld [tilespmem:s7+$0x1D00];
	[tilespmem:s7+$0x9CB0] =	vst v6;
	s3 =	sshra.s32 s3, $0x2;
	s6 =	smov.u32 @p0 s8;
	v6 =	vadd.f32 v33, v7  }
0x207: {  	s6 =	sshll.u32 s6, $0x9;
	v7 =	vld [tilespmem:s3+$0x11C00]  }
0x208: {  	v34 =	vld [tilespmem:s1+$0x1D00];
	s6 =	sshra.s32 s6, $0x2;
	[tilespmem:s1+$0x9CB0] =	vst v6  }
0x209: {  	v6 =	vld [tilespmem:s6+$0x11C00];
	_ =	sdelay $0x2  }
0x20a: {  	v7 =	vadd.f32 v7, v8;
	_ =	sdelay $0x1  }
0x20b: {  	v8 =	vld [tilespmem:s7+$0x1D10];
	[tilespmem:s7+$0x9D00] =	vst v7;
	v6 =	vadd.f32 v6, v34  }
0x20c: {  	v7 =	vld [tilespmem:s3+$0x11C10]  }
0x20d: {  	v35 =	vld [tilespmem:s1+$0x1D10];
	[tilespmem:s1+$0x9D00] =	vst v6  }
0x20e: {  	v6 =	vld [tilespmem:s6+$0x11C10];
	_ =	sdelay $0x2  }
0x20f: {  	v7 =	vadd.f32 v7, v8;
	_ =	sdelay $0x1  }
0x210: {  	v8 =	vld [tilespmem:s7+$0x1D20];
	[tilespmem:s7+$0x9D10] =	vst v7;
	v6 =	vadd.f32 v6, v35  }
0x211: {  	v7 =	vld [tilespmem:s3+$0x11C20]  }
0x212: {  	v36 =	vld [tilespmem:s1+$0x1D20];
	[tilespmem:s1+$0x9D10] =	vst v6  }
0x213: {  	v6 =	vld [tilespmem:s6+$0x11C20];
	_ =	sdelay $0x2  }
0x214: {  	v7 =	vadd.f32 v7, v8;
	_ =	sdelay $0x1  }
0x215: {  	v8 =	vld [tilespmem:s7+$0x1D30];
	[tilespmem:s7+$0x9D20] =	vst v7;
	v6 =	vadd.f32 v6, v36  }
0x216: {  	v7 =	vld [tilespmem:s3+$0x11C30]  }
0x217: {  	v37 =	vld [tilespmem:s1+$0x1D30];
	[tilespmem:s1+$0x9D20] =	vst v6  }
0x218: {  	v6 =	vld [tilespmem:s6+$0x11C30]  }
0x219: {  	s3 =	sadd.s32 $0x3, s9  }
0x21a: {  	p0 =	sgt.s32 s3, $0xC7;
	s6 =	sadd.s32 $0x7FFF3B, s9  }
0x21b: {  	s3 =	smov.u32 @p0 s6;
	s6 =	sadd.s32 $0x3, s4;
	v7 =	vadd.f32 v7, v8  }
0x21c: {  	s8 =	sadd.s32 $0x7FFF3B, s4;
	s3 =	sshll.u32 s3, $0x9;
	p0 =	sgt.s32 s6, $0xC7  }
0x21d: {  	v8 =	vld [tilespmem:s7+$0x1D80];
	s3 =	sshra.s32 s3, $0x2;
	s6 =	smov.u32 @p0 s8;
	[tilespmem:s7+$0x9D30] =	vst v7;
	v6 =	vadd.f32 v6, v37  }
0x21e: {  	s6 =	sshll.u32 s6, $0x9;
	v7 =	vld [tilespmem:s3+$0x11C00]  }
0x21f: {  	v38 =	vld [tilespmem:s1+$0x1D80];
	s6 =	sshra.s32 s6, $0x2;
	[tilespmem:s1+$0x9D30] =	vst v6  }
0x220: {  	v6 =	vld [tilespmem:s6+$0x11C00];
	_ =	sdelay $0x2  }
0x221: {  	v7 =	vadd.f32 v7, v8;
	_ =	sdelay $0x1  }
0x222: {  	v8 =	vld [tilespmem:s7+$0x1D90];
	[tilespmem:s7+$0x9D80] =	vst v7;
	v6 =	vadd.f32 v6, v38  }
0x223: {  	v7 =	vld [tilespmem:s3+$0x11C10]  }
0x224: {  	v39 =	vld [tilespmem:s1+$0x1D90];
	[tilespmem:s1+$0x9D80] =	vst v6  }
0x225: {  	v6 =	vld [tilespmem:s6+$0x11C10];
	_ =	sdelay $0x2  }
0x226: {  	v7 =	vadd.f32 v7, v8;
	_ =	sdelay $0x1  }
0x227: {  	v8 =	vld [tilespmem:s7+$0x1DA0];
	[tilespmem:s7+$0x9D90] =	vst v7;
	v6 =	vadd.f32 v6, v39  }
0x228: {  	v7 =	vld [tilespmem:s3+$0x11C20]  }
0x229: {  	v40 =	vld [tilespmem:s1+$0x1DA0];
	[tilespmem:s1+$0x9D90] =	vst v6  }
0x22a: {  	v6 =	vld [tilespmem:s6+$0x11C20]  }
0x22b: {  	v5 =	vadd.f32 v25, v5;
	_ =	sdelay $0x1  }
0x22c: {  	v41 =	vld [tilespmem:s0+$0x1DB0];
	[tilespmem:s0+$0x9DA0] =	vst v5;
	v5 =	vadd.f32 v7, v8  }
0x22d: {  	v7 =	vld [tilespmem:s11+$0x11C30]  }
0x22e: {  	v8 =	vld [tilespmem:s7+$0x1DB0];
	[tilespmem:s7+$0x9DA0] =	vst v5;
	v5 =	vadd.f32 v6, v40  }
0x22f: {  	v6 =	vld [tilespmem:s3+$0x11C30]  }
0x230: {  	v42 =	vld [tilespmem:s1+$0x1DB0];
	s3 =	sadd.s32 $0x4, s10;
	[tilespmem:s1+$0x9DA0] =	vst v5  }
0x231: {  	s5 =	sadd.s32 $0x7FFF3C, s10;
	p0 =	sgt.s32 s3, $0xC7;
	v5 =	vld [tilespmem:s6+$0x11C30]  }
0x232: {  	s3 =	smov.u32 @p0 s5;
	s5 =	sadd.s32 $0x4, s9;
	v7 =	vadd.f32 v7, v41  }
0x233: {  	s3 =	sshll.u32 s3, $0x9;
	p0 =	sgt.s32 s5, $0xC7;
	s6 =	sadd.s32 $0x7FFF3C, s9  }
0x234: {  	v43 =	vld [tilespmem:s0+$0x1E00];
	s3 =	sshra.s32 s3, $0x2;
	s5 =	smov.u32 @p0 s6;
	[tilespmem:s0+$0x9DB0] =	vst v7;
	s6 =	sadd.s32 $0x4, s4;
	v6 =	vadd.f32 v6, v8  }
0x235: {  	s8 =	sadd.s32 $0x7FFF3C, s4;
	s5 =	sshll.u32 s5, $0x9;
	v7 =	vld [tilespmem:s3+$0x11C00];
	p0 =	sgt.s32 s6, $0xC7  }
0x236: {  	v8 =	vld [tilespmem:s7+$0x1E00];
	s5 =	sshra.s32 s5, $0x2;
	s6 =	smov.u32 @p0 s8;
	[tilespmem:s7+$0x9DB0] =	vst v6;
	v5 =	vadd.f32 v5, v42  }
0x237: {  	s6 =	sshll.u32 s6, $0x9;
	v6 =	vld [tilespmem:s5+$0x11C00]  }
0x238: {  	v44 =	vld [tilespmem:s1+$0x1E00];
	s6 =	sshra.s32 s6, $0x2;
	[tilespmem:s1+$0x9DB0] =	vst v5  }
0x239: {  	v5 =	vld [tilespmem:s6+$0x11C00]  }
0x23a: {  	v7 =	vadd.f32 v7, v43;
	_ =	sdelay $0x1  }
0x23b: {  	v45 =	vld [tilespmem:s0+$0x1E10];
	[tilespmem:s0+$0x9E00] =	vst v7;
	v6 =	vadd.f32 v6, v8  }
0x23c: {  	v7 =	vld [tilespmem:s3+$0x11C10]  }
0x23d: {  	v8 =	vld [tilespmem:s7+$0x1E10];
	[tilespmem:s7+$0x9E00] =	vst v6;
	v5 =	vadd.f32 v5, v44  }
0x23e: {  	v6 =	vld [tilespmem:s5+$0x11C10]  }
0x23f: {  	v46 =	vld [tilespmem:s1+$0x1E10];
	[tilespmem:s1+$0x9E00] =	vst v5  }
0x240: {  	v5 =	vld [tilespmem:s6+$0x11C10]  }
0x241: {  	v7 =	vadd.f32 v7, v45;
	_ =	sdelay $0x1  }
0x242: {  	v47 =	vld [tilespmem:s0+$0x1E20];
	[tilespmem:s0+$0x9E10] =	vst v7;
	v6 =	vadd.f32 v6, v8  }
0x243: {  	v7 =	vld [tilespmem:s3+$0x11C20]  }
0x244: {  	v8 =	vld [tilespmem:s7+$0x1E20];
	[tilespmem:s7+$0x9E10] =	vst v6;
	v5 =	vadd.f32 v5, v46  }
0x245: {  	v6 =	vld [tilespmem:s5+$0x11C20]  }
0x246: {  	v48 =	vld [tilespmem:s1+$0x1E20];
	[tilespmem:s1+$0x9E10] =	vst v5  }
0x247: {  	v5 =	vld [tilespmem:s6+$0x11C20]  }
0x248: {  	v7 =	vadd.f32 v7, v47;
	_ =	sdelay $0x1  }
0x249: {  	v49 =	vld [tilespmem:s0+$0x1E30];
	[tilespmem:s0+$0x9E20] =	vst v7;
	v6 =	vadd.f32 v6, v8  }
0x24a: {  	v7 =	vld [tilespmem:s3+$0x11C30]  }
0x24b: {  	v8 =	vld [tilespmem:s7+$0x1E30];
	[tilespmem:s7+$0x9E20] =	vst v6;
	v5 =	vadd.f32 v5, v48  }
0x24c: {  	v6 =	vld [tilespmem:s5+$0x11C30]  }
0x24d: {  	v50 =	vld [tilespmem:s1+$0x1E30];
	s3 =	sadd.s32 $0x5, s10;
	[tilespmem:s1+$0x9E20] =	vst v5  }
0x24e: {  	p0 =	sgt.s32 s3, $0xC7;
	s5 =	sadd.s32 $0x7FFF3D, s10;
	v5 =	vld [tilespmem:s6+$0x11C30]  }
0x24f: {  	s3 =	smov.u32 @p0 s5;
	s5 =	sadd.s32 $0x5, s9;
	v7 =	vadd.f32 v7, v49  }
0x250: {  	s3 =	sshll.u32 s3, $0x9;
	p0 =	sgt.s32 s5, $0xC7;
	s6 =	sadd.s32 $0x7FFF3D, s9  }
0x251: {  	v51 =	vld [tilespmem:s0+$0x1E80];
	s3 =	sshra.s32 s3, $0x2;
	s5 =	smov.u32 @p0 s6;
	s6 =	sadd.s32 $0x5, s4;
	[tilespmem:s0+$0x9E30] =	vst v7;
	v6 =	vadd.f32 v6, v8  }
0x252: {  	s8 =	sadd.s32 $0x7FFF3D, s4;
	s5 =	sshll.u32 s5, $0x9;
	p0 =	sgt.s32 s6, $0xC7;
	v7 =	vld [tilespmem:s3+$0x11C00]  }
0x253: {  	v8 =	vld [tilespmem:s7+$0x1E80];
	s5 =	sshra.s32 s5, $0x2;
	s6 =	smov.u32 @p0 s8;
	[tilespmem:s7+$0x9E30] =	vst v6;
	v5 =	vadd.f32 v5, v50  }
0x254: {  	s6 =	sshll.u32 s6, $0x9;
	v6 =	vld [tilespmem:s5+$0x11C00]  }
0x255: {  	v3 =	vadd.f32 v3, v4;
	v4 =	vld [tilespmem:s1+$0x1E80];
	s6 =	sshra.s32 s6, $0x2;
	[tilespmem:s1+$0x9E30] =	vst v5  }
0x256: {  	v5 =	vld [tilespmem:s6+$0x11C00]  }
0x257: {  	[tilespmem:s22+$0x9F90] =	vst v3;
	v3 =	vadd.f32 v7, v51  }
0x258: {  	v52 =	vld [tilespmem:s0+$0x1E90]  }
0x259: {  	v54 =	vld [tilespmem:s29+$0x1EB0];
	[tilespmem:s0+$0x9E80] =	vst v3;
	v3 =	vadd.f32 v6, v8  }
0x25a: {  	v6 =	vld [tilespmem:s3+$0x11C10]  }
0x25b: {  	v8 =	vld [tilespmem:s7+$0x1E90];
	[tilespmem:s7+$0x9E80] =	vst v3;
	v3 =	vadd.f32 v5, v4  }
0x25c: {  	v4 =	vld [tilespmem:s5+$0x11C10]  }
0x25d: {  	v5 =	vld [tilespmem:s1+$0x1E90];
	[tilespmem:s1+$0x9E80] =	vst v3  }
0x25e: {  	v53 =	vld [tilespmem:s6+$0x11C10]  }
0x25f: {  	v55 =	vld [tilespmem:s29+$0x1F00];
	v6 =	vadd.f32 v6, v52  }
0x260: {  	v7 =	vld [tilespmem:s28+$0x11C20]  }
0x261: {  	[tilespmem:s0+$0x9E90] =	vst v6;
	v6 =	vld [tilespmem:s0+$0x1EA0];
	v4 =	vadd.f32 v4, v8  }
0x262: {  	v8 =	vld [tilespmem:s3+$0x11C20]  }
0x263: {  	[tilespmem:s7+$0x9E90] =	vst v4;
	v4 =	vadd.f32 v53, v5;
	v5 =	vld [tilespmem:s7+$0x1EA0]  }
0x264: {  	v1 =	vadd.f32 v2, v1;
	v2 =	vld [tilespmem:s5+$0x11C20]  }
0x265: {  	v0 =	vadd.f32 v7, v0;
	v7 =	vld [tilespmem:s1+$0x1EA0];
	[tilespmem:s1+$0x9E90] =	vst v4  }
0x266: {  	[tilespmem:s29+$0x9EA0] =	vst v1;
	v1 =	vld [tilespmem:s6+$0x11C20]  }
0x267: {  	v56 =	vld [tilespmem:s29+$0x1F10];
	v6 =	vadd.f32 v8, v6  }
0x268: {  	v4 =	vld [tilespmem:s2+$0x11C30]  }
0x269: {  	v8 =	vld [tilespmem:s0+$0x1EB0];
	[tilespmem:s0+$0x9EA0] =	vst v6;
	v2 =	vadd.f32 v2, v5  }
0x26a: {  	v5 =	vld [tilespmem:s3+$0x11C30]  }
0x26b: {  	s2 =	sadd.s32 $0x6, s30;
	v6 =	vld [tilespmem:s7+$0x1EB0];
	[tilespmem:s7+$0x9EA0] =	vst v2;
	v1 =	vadd.f32 v1, v7  }
0x26c: {  	p0 =	sgt.s32 s2, $0xC7;
	s3 =	sadd.s32 $0x7FFF3E, s30;
	v2 =	vld [tilespmem:s5+$0x11C30]  }
0x26d: {  	s2 =	smov.u32 @p0 s3;
	s3 =	sadd.s32 $0x6, s10;
	v4 =	vadd.f32 v4, v54;
	v7 =	vld [tilespmem:s1+$0x1EB0];
	[tilespmem:s1+$0x9EA0] =	vst v1  }
0x26e: {  	s2 =	sshll.u32 s2, $0x9;
	p0 =	sgt.s32 s3, $0xC7;
	s5 =	sadd.s32 $0x7FFF3E, s10;
	v1 =	vld [tilespmem:s6+$0x11C30]  }
0x26f: {  	v57 =	vld [tilespmem:s29+$0x1F20];
	s2 =	sshra.s32 s2, $0x2;
	s3 =	smov.u32 @p0 s5;
	s5 =	sadd.s32 $0x6, s9;
	[tilespmem:s29+$0x9EB0] =	vst v4;
	v4 =	vadd.f32 v5, v8  }
0x270: {  	s3 =	sshll.u32 s3, $0x9;
	p0 =	sgt.s32 s5, $0xC7;
	v5 =	vld [tilespmem:s2+$0x11C00];
	s6 =	sadd.s32 $0x7FFF3E, s9  }
0x271: {  	v8 =	vld [tilespmem:s0+$0x1F00];
	s3 =	sshra.s32 s3, $0x2;
	s5 =	smov.u32 @p0 s6;
	s6 =	sadd.s32 $0x6, s4;
	[tilespmem:s0+$0x9EB0] =	vst v4;
	v2 =	vadd.f32 v2, v6  }
0x272: {  	s8 =	sadd.s32 $0x7FFF3E, s4;
	s5 =	sshll.u32 s5, $0x9;
	p0 =	sgt.s32 s6, $0xC7;
	v4 =	vld [tilespmem:s3+$0x11C00]  }
0x273: {  	v6 =	vld [tilespmem:s7+$0x1F00];
	s5 =	sshra.s32 s5, $0x2;
	s6 =	smov.u32 @p0 s8;
	[tilespmem:s7+$0x9EB0] =	vst v2;
	v1 =	vadd.f32 v1, v7  }
0x274: {  	s6 =	sshll.u32 s6, $0x9;
	v2 =	vld [tilespmem:s5+$0x11C00]  }
0x275: {  	v5 =	vadd.f32 v5, v55;
	s6 =	sshra.s32 s6, $0x2;
	v7 =	vld [tilespmem:s1+$0x1F00];
	[tilespmem:s1+$0x9EB0] =	vst v1  }
0x276: {  	v1 =	vld [tilespmem:s6+$0x11C00]  }
0x277: {  	v58 =	vld [tilespmem:s29+$0x1F30];
	[tilespmem:s29+$0x9F00] =	vst v5;
	v4 =	vadd.f32 v4, v8  }
0x278: {  	v5 =	vld [tilespmem:s2+$0x11C10]  }
0x279: {  	v8 =	vld [tilespmem:s0+$0x1F10];
	[tilespmem:s0+$0x9F00] =	vst v4;
	v2 =	vadd.f32 v2, v6  }
0x27a: {  	v4 =	vld [tilespmem:s3+$0x11C10]  }
0x27b: {  	v6 =	vld [tilespmem:s7+$0x1F10];
	[tilespmem:s7+$0x9F00] =	vst v2;
	v1 =	vadd.f32 v1, v7  }
0x27c: {  	v2 =	vld [tilespmem:s5+$0x11C10]  }
0x27d: {  	v5 =	vadd.f32 v5, v56;
	v7 =	vld [tilespmem:s1+$0x1F10];
	[tilespmem:s1+$0x9F00] =	vst v1  }
0x27e: {  	v1 =	vld [tilespmem:s6+$0x11C10]  }
0x27f: {  	v59 =	vld [tilespmem:s29+$0x1F80];
	[tilespmem:s29+$0x9F10] =	vst v5;
	v4 =	vadd.f32 v4, v8  }
0x280: {  	v5 =	vld [tilespmem:s2+$0x11C20]  }
0x281: {  	v8 =	vld [tilespmem:s0+$0x1F20];
	[tilespmem:s0+$0x9F10] =	vst v4;
	v2 =	vadd.f32 v2, v6  }
0x282: {  	v4 =	vld [tilespmem:s3+$0x11C20]  }
0x283: {  	v6 =	vld [tilespmem:s7+$0x1F20];
	[tilespmem:s7+$0x9F10] =	vst v2;
	v1 =	vadd.f32 v1, v7  }
0x284: {  	v2 =	vld [tilespmem:s5+$0x11C20]  }
0x285: {  	v5 =	vadd.f32 v5, v57;
	v7 =	vld [tilespmem:s1+$0x1F20];
	[tilespmem:s1+$0x9F10] =	vst v1  }
0x286: {  	v1 =	vld [tilespmem:s6+$0x11C20]  }
0x287: {  	v60 =	vld [tilespmem:s29+$0x1F90];
	[tilespmem:s29+$0x9F20] =	vst v5;
	v4 =	vadd.f32 v4, v8  }
0x288: {  	v5 =	vld [tilespmem:s2+$0x11C30]  }
0x289: {  	v8 =	vld [tilespmem:s0+$0x1F30];
	[tilespmem:s0+$0x9F20] =	vst v4;
	v2 =	vadd.f32 v2, v6  }
0x28a: {  	v4 =	vld [tilespmem:s3+$0x11C30]  }
0x28b: {  	s2 =	sadd.s32 $0x7, s30;
	v6 =	vld [tilespmem:s7+$0x1F30];
	[tilespmem:s7+$0x9F20] =	vst v2;
	v1 =	vadd.f32 v1, v7  }
0x28c: {  	p0 =	sgt.s32 s2, $0xC7;
	s3 =	sadd.s32 $0x7FFF3F, s30;
	v2 =	vld [tilespmem:s5+$0x11C30]  }
0x28d: {  	s2 =	smov.u32 @p0 s3;
	s3 =	sadd.s32 $0x7, s10;
	v5 =	vadd.f32 v5, v58;
	v7 =	vld [tilespmem:s1+$0x1F30];
	[tilespmem:s1+$0x9F20] =	vst v1  }
0x28e: {  	s2 =	sshll.u32 s2, $0x9;
	p0 =	sgt.s32 s3, $0xC7;
	s5 =	sadd.s32 $0x7FFF3F, s10;
	v1 =	vld [tilespmem:s6+$0x11C30]  }
0x28f: {  	v61 =	vld [tilespmem:s29+$0x1FA0];
	s2 =	sshra.s32 s2, $0x2;
	s3 =	smov.u32 @p0 s5;
	s5 =	sadd.s32 $0x7, s9;
	[tilespmem:s29+$0x9F30] =	vst v5;
	v4 =	vadd.f32 v4, v8  }
0x290: {  	s3 =	sshll.u32 s3, $0x9;
	p0 =	sgt.s32 s5, $0xC7;
	v5 =	vld [tilespmem:s2+$0x11C00];
	s6 =	sadd.s32 $0x7FFF3F, s9  }
0x291: {  	v8 =	vld [tilespmem:s0+$0x1F80];
	s3 =	sshra.s32 s3, $0x2;
	s5 =	smov.u32 @p0 s6;
	s6 =	sadd.s32 $0x7, s4;
	[tilespmem:s0+$0x9F30] =	vst v4;
	v2 =	vadd.f32 v2, v6  }
0x292: {  	s4 =	sadd.s32 $0x7FFF3F, s4;
	s5 =	sshll.u32 s5, $0x9;
	p0 =	sgt.s32 s6, $0xC7;
	v4 =	vld [tilespmem:s3+$0x11C00]  }
0x293: {  	v6 =	vld [tilespmem:s7+$0x1F80];
	s5 =	sshra.s32 s5, $0x2;
	s6 =	smov.u32 @p0 s4;
	[tilespmem:s7+$0x9F30] =	vst v2;
	v1 =	vadd.f32 v1, v7  }
0x294: {  	s4 =	sshll.u32 s6, $0x9;
	v2 =	vld [tilespmem:s5+$0x11C00]  }
0x295: {  	v5 =	vadd.f32 v5, v59;
	s4 =	sshra.s32 s4, $0x2;
	v7 =	vld [tilespmem:s1+$0x1F80];
	[tilespmem:s1+$0x9F30] =	vst v1  }
0x296: {  	v1 =	vld [tilespmem:s4+$0x11C00]  }
0x297: {  	v62 =	vld [tilespmem:s29+$0x1FB0];
	[tilespmem:s29+$0x9F80] =	vst v5;
	v4 =	vadd.f32 v4, v8  }
0x298: {  	v5 =	vld [tilespmem:s2+$0x11C10]  }
0x299: {  	v8 =	vld [tilespmem:s0+$0x1F90];
	[tilespmem:s0+$0x9F80] =	vst v4;
	v2 =	vadd.f32 v2, v6  }
0x29a: {  	v4 =	vld [tilespmem:s3+$0x11C10]  }
0x29b: {  	v6 =	vld [tilespmem:s7+$0x1F90];
	[tilespmem:s7+$0x9F80] =	vst v2;
	v1 =	vadd.f32 v1, v7  }
0x29c: {  	v2 =	vld [tilespmem:s5+$0x11C10]  }
0x29d: {  	v5 =	vadd.f32 v5, v60;
	v7 =	vld [tilespmem:s1+$0x1F90];
	[tilespmem:s1+$0x9F80] =	vst v1  }
0x29e: {  	v1 =	vld [tilespmem:s4+$0x11C10]  }
0x29f: {  	v3 =	vld [tilespmem:s22+$0x1FB0];
	[tilespmem:s29+$0x9F90] =	vst v5;
	v4 =	vadd.f32 v4, v8  }
0x2a0: {  	v5 =	vld [tilespmem:s2+$0x11C20]  }
0x2a1: {  	v8 =	vld [tilespmem:s0+$0x1FA0];
	[tilespmem:s0+$0x9F90] =	vst v4;
	v2 =	vadd.f32 v2, v6  }
0x2a2: {  	v4 =	vld [tilespmem:s3+$0x11C20]  }
0x2a3: {  	v6 =	vld [tilespmem:s7+$0x1FA0];
	[tilespmem:s7+$0x9F90] =	vst v2;
	v1 =	vadd.f32 v1, v7  }
0x2a4: {  	v2 =	vld [tilespmem:s5+$0x11C20]  }
0x2a5: {  	v5 =	vadd.f32 v5, v61;
	v7 =	vld [tilespmem:s1+$0x1FA0];
	[tilespmem:s1+$0x9F90] =	vst v1  }
0x2a6: {  	[tilespmem:s22+$0x9FA0] =	vst v0;
	v1 =	vld [tilespmem:s4+$0x11C20]  }
0x2a7: {  	v0 =	vld [tilespmem:s28+$0x11C30];
	[tilespmem:s29+$0x9FA0] =	vst v5;
	v4 =	vadd.f32 v4, v8  }
0x2a8: {  	v5 =	vld [tilespmem:s2+$0x11C30]  }
0x2a9: {  	v8 =	vld [tilespmem:s0+$0x1FB0];
	[tilespmem:s0+$0x9FA0] =	vst v4;
	v2 =	vadd.f32 v2, v6  }
0x2aa: {  	v4 =	vld [tilespmem:s3+$0x11C30]  }
0x2ab: {  	v6 =	vld [tilespmem:s7+$0x1FB0];
	[tilespmem:s7+$0x9FA0] =	vst v2;
	v1 =	vadd.f32 v1, v7  }
0x2ac: {  	v2 =	vld [tilespmem:s5+$0x11C30]  }
0x2ad: {  	v7 =	vld [tilespmem:s1+$0x1FB0];
	[tilespmem:s1+$0x9FA0] =	vst v1  }
0x2ae: {  	v0 =	vadd.f32 v0, v3;
	v1 =	vld [tilespmem:s4+$0x11C30]  }
0x2af: {  	v3 =	vadd.f32 v5, v62  }
0x2b0: {  	[tilespmem:s22+$0x9FB0] =	vst v0;
	v0 =	vadd.f32 v4, v8  }
0x2b1: {  	[tilespmem:s29+$0x9FB0] =	vst v3  }
0x2b2: {  	[tilespmem:s0+$0x9FB0] =	vst v0;
	v2 =	vadd.f32 v2, v6  }
0x2b3: {  	s12 =	rddreg [dreg:$0xc];
	v0 =	vadd.f32 v1, v7  }
0x2b4: {  	s0 =	rddreg [dreg:$0x6];
	s17 =	sor.u32 $0x80, s12;
	[tilespmem:s7+$0x9FB0] =	vst v2  }
0x2b5: {  	s16 =	simm.s32 $0x3;
	s14 =	simm.s32 $0x9C00;
	s3 =	smulhi.u32 $0x51EB851F, s17;
	[tilespmem:s1+$0x9FB0] =	vst v0  }
0x2b6: {  	s13 =	simm.s32 $0x0;
	s0 =	sadd.s32 s0, s12;
	s1 =	rddreg [dreg:$0x5]  }
0x2b7: {  	s0 =	sshll.u32 s0, $0x4;
	s18 =	sshrl.u32 s3, $0x6;
	s15 =	rddreg [dreg:$0xa]  }
0x2b8: {  	s0 =	sadd.s32 s1, s0;
	s2 =	sshll.u32 s15, $0xA;
	p0 =	seq.s32 s15, $0x18  }
0x2b9: {  	[hbm4b:s0+s13] =	stream.linear.scatter [tilespmem:s14], [sflag:$0x3], $0x4000, $0x38;
	[tilespmem:$0x18000] =	vst v63  }
0x2ba: {  	s0 =	sshrl.u32 @!p0 s2, $0x2;
	s1 =	simm.s32 @!p0 $0x80;
	_ =	swait.ge [sflag:s16], $0x4000  }
0x2bb: {  	[dreg:$0xb] =	wrdreg s2;
	s0 =	sadd.s32 @!p0 $0x100, s0;
	[sflag:s16] =	ssyncset.done $0x0  }
0x2bc: {  	s2 =	simm.s32 @!p0 $0x1C00;
	s4 =	rddreg [dreg:$0x3];
	[sflag:s16] =	ssyncadd.s32 $0xFFFFC000  }
0x2bd: {  	[tilespmem:s2], [sflag:$0x1] =	stream.indirect.gather @!p0 [hbm4b:s4+s1], $0x80, s0, s1, $0xb8;
	[tilespmem:$0x18000] =	vst v63  }
0x2be: {  	s0 =	smul.u32 $0xC8, s18  }
0x2bf: {  	s19 =	simm.s32 $0x2  }
0x2c0: {  	s1 =	simm.s32 $0x0;
	_ =	swait.ge [sflag:s19], $0x4000;
	s0 =	ssub.s32 s17, s0  }
0x2c1: {  	[dreg:$0xd] =	wrdreg s17;
	[sflag:s19] =	ssyncset.done $0x0;
	s2 =	sshll.u32 s0, $0x7  }
0x2c2: {  	[sflag:s19] =	ssyncadd.s32 $0xFFFFC000;
	p1 =	sgt.s32 s0, $0xC7;
	s3 =	sadd.s32 $0xFFFF9C00, s2  }
0x2c3: {  	v0 =	vld [tilespmem:s1+$0x5C00];
	s2 =	smov.u32 @p1 s3  }
0x2c4: {  	v1 =	vld [tilespmem:s2+$0x11C00];
	_ =	sdelay $0x4  }
0x2c5: {  	v0 =	vadd.f32 v1, v0;
	_ =	sdelay $0x1  }
0x2c6: {  	[tilespmem:s1+$0xDC00] =	vst v0;
	v0 =	vld [tilespmem:s1+$0x5C10]  }
0x2c7: {  	v1 =	vld [tilespmem:s2+$0x11C10];
	_ =	sdelay $0x4  }
0x2c8: {  	v0 =	vadd.f32 v1, v0;
	_ =	sdelay $0x1  }
0x2c9: {  	[tilespmem:s1+$0xDC10] =	vst v0;
	v0 =	vld [tilespmem:s1+$0x5C20]  }
0x2ca: {  	v1 =	vld [tilespmem:s2+$0x11C20];
	_ =	sdelay $0x4  }
0x2cb: {  	v0 =	vadd.f32 v1, v0;
	_ =	sdelay $0x1  }
0x2cc: {  	[tilespmem:s1+$0xDC20] =	vst v0;
	v0 =	vld [tilespmem:s1+$0x5C30]  }
0x2cd: {  	v1 =	vld [tilespmem:s2+$0x11C30];
	_ =	sdelay $0x2  }
0x2ce: {  	s2 =	sadd.s32 $0x1, s0  }
0x2cf: {  	s3 =	sadd.s32 $0x7FFF39, s0;
	p1 =	sgt.s32 s2, $0xC7  }
0x2d0: {  	s2 =	smov.u32 @p1 s3;
	v0 =	vadd.f32 v1, v0  }
0x2d1: {  	s2 =	sshll.u32 s2, $0x9  }
0x2d2: {  	s20 =	sshra.s32 s2, $0x2;
	[tilespmem:s1+$0xDC30] =	vst v0;
	v0 =	vld [tilespmem:s1+$0x5C80]  }
0x2d3: {  	v1 =	vld [tilespmem:s20+$0x11C00];
	_ =	sdelay $0x4  }
0x2d4: {  	v0 =	vadd.f32 v1, v0;
	_ =	sdelay $0x1  }
0x2d5: {  	[tilespmem:s1+$0xDC80] =	vst v0;
	v0 =	vld [tilespmem:s1+$0x5C90]  }
0x2d6: {  	v1 =	vld [tilespmem:s20+$0x11C10];
	_ =	sdelay $0x4  }
0x2d7: {  	v0 =	vadd.f32 v1, v0;
	_ =	sdelay $0x1  }
0x2d8: {  	[tilespmem:s1+$0xDC90] =	vst v0;
	v0 =	vld [tilespmem:s1+$0x5CA0]  }
0x2d9: {  	v1 =	vld [tilespmem:s20+$0x11C20];
	_ =	sdelay $0x4  }
0x2da: {  	s2 =	sadd.s32 $0x8, s0;
	v0 =	vadd.f32 v1, v0  }
0x2db: {  	s4 =	sadd.s32 $0xFFFFFF40, s0;
	p1 =	sgt.s32 s2, $0xC7  }
0x2dc: {  	s2 =	smov.u32 @p1 s4;
	[tilespmem:s1+$0xDCA0] =	vst v0;
	v0 =	vld [tilespmem:s1+$0x5CB0]  }
0x2dd: {  	s4 =	sshll.u32 s2, $0x7;
	v1 =	vld [tilespmem:s20+$0x11C30]  }
0x2de: {  	s24 =	simm.s32 $0x400;
	p1 =	sgt.s32 s2, $0xC7;
	s3 =	sadd.s32 $0xFFFF9C00, s4  }
0x2df: {  	v2 =	vld [tilespmem:s24+$0x5C00];
	s4 =	smov.u32 @p1 s3  }
0x2e0: {  	s3 =	sadd.s32 $0x2, s0;
	v3 =	vld [tilespmem:s4+$0x11C00]  }
0x2e1: {  	s5 =	sadd.s32 $0x7FFF3A, s0;
	p1 =	sgt.s32 s3, $0xC7  }
0x2e2: {  	s3 =	smov.u32 @p1 s5;
	v0 =	vadd.f32 v1, v0  }
0x2e3: {  	s3 =	sshll.u32 s3, $0x9  }
0x2e4: {  	s3 =	sshra.s32 s3, $0x2;
	v1 =	vld [tilespmem:s1+$0x5D00];
	[tilespmem:s1+$0xDCB0] =	vst v0  }
0x2e5: {  	v2 =	vadd.f32 v3, v2;
	v0 =	vld [tilespmem:s3+$0x11C00];
	_ =	sdelay $0x1  }
0x2e6: {  	[tilespmem:s24+$0xDC00] =	vst v2;
	v2 =	vld [tilespmem:s24+$0x5C10]  }
0x2e7: {  	v3 =	vld [tilespmem:s4+$0x11C10];
	_ =	sdelay $0x1  }
0x2e8: {  	v0 =	vadd.f32 v0, v1;
	_ =	sdelay $0x1  }
0x2e9: {  	v1 =	vld [tilespmem:s1+$0x5D10];
	[tilespmem:s1+$0xDD00] =	vst v0  }
0x2ea: {  	v2 =	vadd.f32 v3, v2;
	v0 =	vld [tilespmem:s3+$0x11C10];
	_ =	sdelay $0x1  }
0x2eb: {  	[tilespmem:s24+$0xDC10] =	vst v2;
	v2 =	vld [tilespmem:s24+$0x5C20]  }
0x2ec: {  	v3 =	vld [tilespmem:s4+$0x11C20];
	_ =	sdelay $0x1  }
0x2ed: {  	v0 =	vadd.f32 v0, v1;
	_ =	sdelay $0x1  }
0x2ee: {  	v1 =	vld [tilespmem:s1+$0x5D20];
	[tilespmem:s1+$0xDD10] =	vst v0  }
0x2ef: {  	v0 =	vadd.f32 v3, v2;
	v2 =	vld [tilespmem:s3+$0x11C20];
	_ =	sdelay $0x4  }
0x2f0: {  	[tilespmem:s24+$0xDC20] =	vst v0;
	v0 =	vld [tilespmem:s24+$0x5C30];
	v1 =	vadd.f32 v2, v1  }
0x2f1: {  	v3 =	vld [tilespmem:s4+$0x11C30]  }
0x2f2: {  	v2 =	vld [tilespmem:s1+$0x5D30];
	[tilespmem:s1+$0xDD20] =	vst v1  }
0x2f3: {  	s4 =	sadd.s32 $0x1, s2;
	v1 =	vld [tilespmem:s3+$0x11C30]  }
0x2f4: {  	s5 =	sadd.s32 $0x7FFF39, s2;
	p1 =	sgt.s32 s4, $0xC7  }
0x2f5: {  	s4 =	smov.u32 @p1 s5  }
0x2f6: {  	s21 =	sshll.u32 s4, $0x9;
	s4 =	sadd.s32 $0x3, s0;
	v0 =	vadd.f32 v3, v0  }
0x2f7: {  	s5 =	sadd.s32 $0x7FFF3B, s0;
	p1 =	sgt.s32 s4, $0xC7  }
0x2f8: {  	s4 =	smov.u32 @p1 s5;
	s3 =	sshra.s32 s21, $0x2;
	[tilespmem:s24+$0xDC30] =	vst v0;
	v0 =	vld [tilespmem:s24+$0x5C80];
	v1 =	vadd.f32 v1, v2  }
0x2f9: {  	s4 =	sshll.u32 s4, $0x9;
	v3 =	vld [tilespmem:s3+$0x11C00]  }
0x2fa: {  	s4 =	sshra.s32 s4, $0x2;
	v2 =	vld [tilespmem:s1+$0x5D80];
	[tilespmem:s1+$0xDD30] =	vst v1  }
0x2fb: {  	v1 =	vld [tilespmem:s4+$0x11C00];
	_ =	sdelay $0x2  }
0x2fc: {  	v0 =	vadd.f32 v3, v0;
	_ =	sdelay $0x1  }
0x2fd: {  	[tilespmem:s24+$0xDC80] =	vst v0;
	v0 =	vld [tilespmem:s24+$0x5C90];
	v1 =	vadd.f32 v1, v2  }
0x2fe: {  	v2 =	vld [tilespmem:s3+$0x11C10]  }
0x2ff: {  	v3 =	vld [tilespmem:s1+$0x5D90];
	[tilespmem:s1+$0xDD80] =	vst v1  }
0x300: {  	v1 =	vld [tilespmem:s4+$0x11C10];
	_ =	sdelay $0x2  }
0x301: {  	v0 =	vadd.f32 v2, v0;
	_ =	sdelay $0x1  }
0x302: {  	[tilespmem:s24+$0xDC90] =	vst v0;
	v0 =	vadd.f32 v1, v3;
	v1 =	vld [tilespmem:s24+$0x5CA0]  }
0x303: {  	v3 =	vld [tilespmem:s3+$0x11C20]  }
0x304: {  	v2 =	vld [tilespmem:s1+$0x5DA0];
	[tilespmem:s1+$0xDD90] =	vst v0  }
0x305: {  	v0 =	vld [tilespmem:s4+$0x11C20];
	_ =	sdelay $0x2  }
0x306: {  	v1 =	vadd.f32 v3, v1  }
0x307: {  	s8 =	sadd.s32 $0x8, s2  }
0x308: {  	p1 =	sgt.s32 s8, $0xC7;
	s5 =	sadd.s32 $0xFFFFFF40, s2;
	[tilespmem:s24+$0xDCA0] =	vst v1;
	v1 =	vld [tilespmem:s24+$0x5CB0];
	v0 =	vadd.f32 v0, v2  }
0x309: {  	s8 =	smov.u32 @p1 s5;
	v2 =	vld [tilespmem:s1+$0x5DB0]  }
0x30a: {  	v3 =	vld [tilespmem:s3+$0x11C30];
	s3 =	sshll.u32 s8, $0x7;
	[tilespmem:s1+$0xDDA0] =	vst v0  }
0x30b: {  	s25 =	simm.s32 $0x800;
	p1 =	sgt.s32 s8, $0xC7;
	v0 =	vld [tilespmem:s4+$0x11C30];
	s4 =	sadd.s32 $0xFFFF9C00, s3  }
0x30c: {  	v4 =	vld [tilespmem:s25+$0x5C00];
	s3 =	smov.u32 @p1 s4  }
0x30d: {  	s4 =	sadd.s32 $0x2, s2;
	v5 =	vld [tilespmem:s3+$0x11C00]  }
0x30e: {  	s6 =	sadd.s32 $0x7FFF3A, s2;
	s5 =	sadd.s32 $0x4, s0;
	p1 =	sgt.s32 s4, $0xC7  }
0x30f: {  	s7 =	sadd.s32 $0x7FFF3C, s0;
	p2 =	sgt.s32 s5, $0xC7;
	v1 =	vadd.f32 v3, v1;
	s4 =	smov.u32 @p1 s6  }
0x310: {  	s5 =	smov.u32 @p2 s7;
	v3 =	vld [tilespmem:s24+$0x5D00];
	s4 =	sshll.u32 s4, $0x9;
	v0 =	vadd.f32 v0, v2  }
0x311: {  	s5 =	sshll.u32 s5, $0x9;
	[tilespmem:s24+$0xDCB0] =	vst v1;
	s4 =	sshra.s32 s4, $0x2;
	v2 =	vld [tilespmem:s1+$0x5E00]  }
0x312: {  	s5 =	sshra.s32 s5, $0x2;
	v1 =	vadd.f32 v5, v4;
	[tilespmem:s1+$0xDDB0] =	vst v0;
	v0 =	vld [tilespmem:s4+$0x11C00]  }
0x313: {  	v4 =	vld [tilespmem:s5+$0x11C00]  }
0x314: {  	[tilespmem:s25+$0xDC00] =	vst v1;
	v1 =	vld [tilespmem:s25+$0x5C10]  }
0x315: {  	v5 =	vld [tilespmem:s3+$0x11C10];
	_ =	sdelay $0x1  }
0x316: {  	v0 =	vadd.f32 v0, v3  }
0x317: {  	v3 =	vld [tilespmem:s24+$0x5D10];
	v2 =	vadd.f32 v4, v2  }
0x318: {  	v4 =	vld [tilespmem:s1+$0x5E10];
	[tilespmem:s24+$0xDD00] =	vst v0  }
0x319: {  	v0 =	vadd.f32 v5, v1;
	v1 =	vld [tilespmem:s4+$0x11C10];
	[tilespmem:s1+$0xDE00] =	vst v2  }
0x31a: {  	v2 =	vld [tilespmem:s5+$0x11C10];
	_ =	sdelay $0x2  }
0x31b: {  	[tilespmem:s25+$0xDC10] =	vst v0;
	v0 =	vld [tilespmem:s25+$0x5C20]  }
0x31c: {  	v5 =	vld [tilespmem:s3+$0x11C20];
	v1 =	vadd.f32 v1, v3  }
0x31d: {  	v3 =	vld [tilespmem:s24+$0x5D20];
	v2 =	vadd.f32 v2, v4  }
0x31e: {  	v4 =	vld [tilespmem:s1+$0x5E20];
	[tilespmem:s24+$0xDD10] =	vst v1  }
0x31f: {  	v1 =	vld [tilespmem:s4+$0x11C20];
	[tilespmem:s1+$0xDE10] =	vst v2  }
0x320: {  	v2 =	vld [tilespmem:s5+$0x11C20]  }
0x321: {  	v0 =	vadd.f32 v5, v0;
	_ =	sdelay $0x1  }
0x322: {  	[tilespmem:s25+$0xDC20] =	vst v0;
	v0 =	vld [tilespmem:s25+$0x5C30]  }
0x323: {  	v5 =	vld [tilespmem:s3+$0x11C30];
	v1 =	vadd.f32 v1, v3  }
0x324: {  	v3 =	vld [tilespmem:s24+$0x5D30];
	v2 =	vadd.f32 v2, v4  }
0x325: {  	v4 =	vld [tilespmem:s1+$0x5E30];
	[tilespmem:s24+$0xDD20] =	vst v1  }
0x326: {  	s3 =	sadd.s32 $0x1, s8;
	v1 =	vld [tilespmem:s4+$0x11C30];
	[tilespmem:s1+$0xDE20] =	vst v2  }
0x327: {  	s6 =	sadd.s32 $0x7FFF39, s8;
	p1 =	sgt.s32 s3, $0xC7;
	v2 =	vld [tilespmem:s5+$0x11C30]  }
0x328: {  	s3 =	smov.u32 @p1 s6;
	v0 =	vadd.f32 v5, v0  }
0x329: {  	s6 =	sadd.s32 $0x7FFF3B, s2;
	s3 =	sshll.u32 s3, $0x9;
	s4 =	sadd.s32 $0x3, s2  }
0x32a: {  	s3 =	sshra.s32 s3, $0x2;
	s5 =	sadd.s32 $0x5, s0;
	p1 =	sgt.s32 s4, $0xC7;
	[tilespmem:s25+$0xDC30] =	vst v0;
	v0 =	vld [tilespmem:s25+$0x5C80]  }
0x32b: {  	s7 =	sadd.s32 $0x7FFF3D, s0;
	p2 =	sgt.s32 s5, $0xC7;
	s4 =	smov.u32 @p1 s6;
	v5 =	vld [tilespmem:s3+$0x11C00];
	v1 =	vadd.f32 v1, v3  }
0x32c: {  	s5 =	smov.u32 @p2 s7;
	s4 =	sshll.u32 s4, $0x9;
	v3 =	vld [tilespmem:s24+$0x5D80];
	v2 =	vadd.f32 v2, v4  }
0x32d: {  	s5 =	sshll.u32 s5, $0x9;
	s22 =	sshra.s32 s4, $0x2;
	v4 =	vld [tilespmem:s1+$0x5E80];
	[tilespmem:s24+$0xDD30] =	vst v1  }
0x32e: {  	s5 =	sshra.s32 s5, $0x2;
	v1 =	vld [tilespmem:s22+$0x11C00];
	[tilespmem:s1+$0xDE30] =	vst v2  }
0x32f: {  	v2 =	vld [tilespmem:s5+$0x11C00];
	_ =	sdelay $0x1  }
0x330: {  	v0 =	vadd.f32 v5, v0  }
0x331: {  	v5 =	vld [tilespmem:s24+$0x5D90]  }
0x332: {  	[tilespmem:s25+$0xDC80] =	vst v0;
	v0 =	vld [tilespmem:s25+$0x5C90];
	v1 =	vadd.f32 v1, v3  }
0x333: {  	v3 =	vld [tilespmem:s3+$0x11C10];
	v2 =	vadd.f32 v2, v4  }
0x334: {  	v4 =	vld [tilespmem:s1+$0x5E90];
	[tilespmem:s24+$0xDD80] =	vst v1  }
0x335: {  	v1 =	vld [tilespmem:s22+$0x11C10];
	[tilespmem:s1+$0xDE80] =	vst v2  }
0x336: {  	v2 =	vld [tilespmem:s5+$0x11C10];
	_ =	sdelay $0x1  }
0x337: {  	v0 =	vadd.f32 v3, v0  }
0x338: {  	v3 =	vld [tilespmem:s24+$0x5DA0]  }
0x339: {  	[tilespmem:s25+$0xDC90] =	vst v0;
	v0 =	vadd.f32 v1, v5;
	v1 =	vld [tilespmem:s25+$0x5CA0]  }
0x33a: {  	v5 =	vld [tilespmem:s1+$0x5EA0];
	v2 =	vadd.f32 v2, v4  }
0x33b: {  	v4 =	vld [tilespmem:s3+$0x11C20];
	[tilespmem:s24+$0xDD90] =	vst v0  }
0x33c: {  	v0 =	vld [tilespmem:s22+$0x11C20];
	[tilespmem:s1+$0xDE90] =	vst v2  }
0x33d: {  	v2 =	vld [tilespmem:s5+$0x11C20];
	_ =	sdelay $0x2  }
0x33e: {  	v1 =	vadd.f32 v4, v1;
	v4 =	vld [tilespmem:s1+$0x5EB0]  }
0x33f: {  	s4 =	sadd.s32 $0x8, s8;
	v0 =	vadd.f32 v0, v3;
	v3 =	vld [tilespmem:s24+$0x5DB0]  }
0x340: {  	s7 =	sadd.s32 $0xFFFFFF40, s8;
	p1 =	sgt.s32 s4, $0xC7;
	[tilespmem:s25+$0xDCA0] =	vst v1;
	v1 =	vld [tilespmem:s25+$0x5CB0];
	v2 =	vadd.f32 v2, v5  }
0x341: {  	s4 =	smov.u32 @p1 s7;
	v5 =	vld [tilespmem:s3+$0x11C30];
	[tilespmem:s24+$0xDDA0] =	vst v0  }
0x342: {  	s26 =	simm.s32 $0xC00;
	s3 =	sshll.u32 s4, $0x7;
	v0 =	vld [tilespmem:s22+$0x11C30];
	[tilespmem:s1+$0xDEA0] =	vst v2  }
0x343: {  	s10 =	sadd.s32 $0x7FFF3E, s0;
	p1 =	sgt.s32 s4, $0xC7;
	v2 =	vld [tilespmem:s5+$0x11C30];
	s5 =	sadd.s32 $0xFFFF9C00, s3  }
0x344: {  	v6 =	vld [tilespmem:s26+$0x5C00];
	s9 =	sadd.s32 $0x7FFF3A, s8;
	s3 =	smov.u32 @p1 s5;
	s5 =	sadd.s32 $0x2, s8  }
0x345: {  	s6 =	sadd.s32 $0x6, s0;
	s7 =	sadd.s32 $0x4, s2;
	v7 =	vld [tilespmem:s3+$0x11C00];
	p2 =	sgt.s32 s5, $0xC7  }
0x346: {  	v8 =	vld [tilespmem:s1+$0x5F00];
	v1 =	vadd.f32 v5, v1;
	s5 =	smov.u32 @p2 s9;
	p2 =	sgt.s32 s7, $0xC7;
	s9 =	sadd.s32 $0x7FFF3C, s2  }
0x347: {  	p1 =	sgt.s32 s6, $0xC7;
	v5 =	vld [tilespmem:s25+$0x5D00];
	s7 =	smov.u32 @p2 s9;
	s5 =	sshll.u32 s5, $0x9;
	v0 =	vadd.f32 v0, v3  }
0x348: {  	s6 =	smov.u32 @p1 s10;
	v3 =	vld [tilespmem:s24+$0x5E00];
	[tilespmem:s25+$0xDCB0] =	vst v1;
	s7 =	sshll.u32 s7, $0x9;
	s5 =	sshra.s32 s5, $0x2;
	v1 =	vadd.f32 v2, v4  }
0x349: {  	s6 =	sshll.u32 s6, $0x9;
	s7 =	sshra.s32 s7, $0x2;
	[tilespmem:s24+$0xDDB0] =	vst v0;
	v0 =	vld [tilespmem:s5+$0x11C00]  }
0x34a: {  	s6 =	sshra.s32 s6, $0x2;
	v2 =	vadd.f32 v7, v6;
	[tilespmem:s1+$0xDEB0] =	vst v1;
	v1 =	vld [tilespmem:s7+$0x11C00]  }
0x34b: {  	v4 =	vld [tilespmem:s6+$0x11C00]  }
0x34c: {  	[tilespmem:s26+$0xDC00] =	vst v2;
	v2 =	vld [tilespmem:s26+$0x5C10]  }
0x34d: {  	v6 =	vld [tilespmem:s3+$0x11C10]  }
0x34e: {  	v7 =	vld [tilespmem:s1+$0x5F10];
	v0 =	vadd.f32 v0, v5  }
0x34f: {  	v5 =	vld [tilespmem:s25+$0x5D10];
	v1 =	vadd.f32 v1, v3  }
0x350: {  	v3 =	vld [tilespmem:s24+$0x5E10];
	[tilespmem:s25+$0xDD00] =	vst v0;
	v0 =	vadd.f32 v4, v8  }
0x351: {  	v4 =	vld [tilespmem:s5+$0x11C10];
	[tilespmem:s24+$0xDE00] =	vst v1  }
0x352: {  	v1 =	vadd.f32 v6, v2;
	v2 =	vld [tilespmem:s7+$0x11C10];
	[tilespmem:s1+$0xDF00] =	vst v0  }
0x353: {  	v0 =	vld [tilespmem:s6+$0x11C10]  }
0x354: {  	v8 =	vld [tilespmem:s1+$0x5F20]  }
0x355: {  	[tilespmem:s26+$0xDC10] =	vst v1;
	v1 =	vld [tilespmem:s26+$0x5C20]  }
0x356: {  	v6 =	vld [tilespmem:s3+$0x11C20];
	v4 =	vadd.f32 v4, v5  }
0x357: {  	v5 =	vld [tilespmem:s25+$0x5D20];
	v2 =	vadd.f32 v2, v3  }
0x358: {  	v3 =	vld [tilespmem:s24+$0x5E20];
	[tilespmem:s25+$0xDD10] =	vst v4;
	v0 =	vadd.f32 v0, v7  }
0x359: {  	v4 =	vld [tilespmem:s5+$0x11C20];
	[tilespmem:s24+$0xDE10] =	vst v2  }
0x35a: {  	v2 =	vld [tilespmem:s7+$0x11C20];
	[tilespmem:s1+$0xDF10] =	vst v0  }
0x35b: {  	v1 =	vadd.f32 v6, v1;
	v0 =	vld [tilespmem:s6+$0x11C20]  }
0x35c: {  	v7 =	vld [tilespmem:s1+$0x5F30]  }
0x35d: {  	[tilespmem:s26+$0xDC20] =	vst v1;
	v1 =	vld [tilespmem:s26+$0x5C30]  }
0x35e: {  	v6 =	vld [tilespmem:s3+$0x11C30];
	v4 =	vadd.f32 v4, v5  }
0x35f: {  	s3 =	sadd.s32 $0x1, s4;
	v5 =	vld [tilespmem:s25+$0x5D30];
	v2 =	vadd.f32 v2, v3  }
0x360: {  	s9 =	sadd.s32 $0x7FFF39, s4;
	p1 =	sgt.s32 s3, $0xC7;
	v3 =	vld [tilespmem:s24+$0x5E30];
	[tilespmem:s25+$0xDD20] =	vst v4;
	v0 =	vadd.f32 v0, v8  }
0x361: {  	s3 =	smov.u32 @p1 s9;
	v4 =	vld [tilespmem:s5+$0x11C30];
	[tilespmem:s24+$0xDE20] =	vst v2  }
0x362: {  	s16 =	simm.s32 $0x4000;
	s3 =	sshll.u32 s3, $0x9;
	v2 =	vld [tilespmem:s7+$0x11C30];
	[tilespmem:s1+$0xDF20] =	vst v0  }
0x363: {  	s11 =	sadd.s32 $0x7FFF3D, s8;
	s23 =	sshra.s32 s3, $0x2;
	s3 =	sadd.s32 $0x3, s8;
	v1 =	vadd.f32 v6, v1;
	v0 =	vld [tilespmem:s6+$0x11C30]  }
0x364: {  	s9 =	sadd.s32 $0x7FFF3B, s8;
	v8 =	vld [tilespmem:s1+$0x5F80];
	s7 =	sadd.s32 $0x5, s2;
	p2 =	sgt.s32 s3, $0xC7  }
0x365: {  	s12 =	sadd.s32 $0x7, s8;
	s3 =	smov.u32 @p2 s9;
	p2 =	sgt.s32 s7, $0xC7;
	[tilespmem:s26+$0xDC30] =	vst v1;
	v1 =	vld [tilespmem:s26+$0x5C80]  }
0x366: {  	s6 =	sadd.s32 $0x7, s0;
	s9 =	sadd.s32 $0x7FFF3D, s2;
	s0 =	sadd.s32 $0x7FFF3F, s0;
	v6 =	vld [tilespmem:s23+$0x11C00];
	v4 =	vadd.f32 v4, v5  }
0x367: {  	p1 =	sgt.s32 s6, $0xC7;
	s7 =	smov.u32 @p2 s9;
	s3 =	sshll.u32 s3, $0x9;
	v5 =	vld [tilespmem:s25+$0x5D80];
	v2 =	vadd.f32 v2, v3  }
0x368: {  	s6 =	smov.u32 @p1 s0;
	s7 =	sshll.u32 s7, $0x9;
	s0 =	sshra.s32 s3, $0x2;
	v3 =	vld [tilespmem:s24+$0x5E80];
	[tilespmem:s25+$0xDD30] =	vst v4;
	v0 =	vadd.f32 v0, v7  }
0x369: {  	s13 =	sadd.s32 $0x3, s4;
	s10 =	sshll.u32 s6, $0x9;
	s6 =	sshra.s32 s7, $0x2;
	v4 =	vld [tilespmem:s0+$0x11C00];
	[tilespmem:s24+$0xDE30] =	vst v2  }
0x36a: {  	s14 =	sadd.s32 $0x7FFF3B, s4;
	s9 =	sadd.s32 $0x6, s2;
	s31 =	sshra.s32 s10, $0x2;
	v2 =	vld [tilespmem:s6+$0x11C00];
	[tilespmem:s1+$0xDF30] =	vst v0  }
0x36b: {  	s17 =	sadd.s32 $0x4, s4;
	p1 =	sgt.s32 s9, $0xC7;
	s3 =	sadd.s32 $0x7FFF3E, s2;
	v1 =	vadd.f32 v6, v1;
	v0 =	vld [tilespmem:s31+$0x11C00]  }
0x36c: {  	s19 =	sadd.s32 $0x5, s4;
	s21 =	sadd.s32 $0x6, s4;
	s9 =	smov.u32 @p1 s3;
	v7 =	vld [tilespmem:s1+$0x5F90]  }
0x36d: {  	s22 =	sadd.s32 $0x7, s4;
	s7 =	simm.s32 $0x5000;
	s3 =	sshll.u32 s9, $0x9;
	[tilespmem:s26+$0xDC80] =	vst v1;
	v1 =	vld [tilespmem:s26+$0x5C90]  }
0x36e: {  	s10 =	sadd.s32 $0x7, s2;
	s2 =	sadd.s32 $0x7FFF3F, s2;
	s9 =	sadd.s32 $0x7FFF3C, s8;
	v6 =	vld [tilespmem:s23+$0x11C10];
	v4 =	vadd.f32 v4, v5  }
0x36f: {  	p1 =	sgt.s32 s10, $0xC7;
	s15 =	sshra.s32 s3, $0x2;
	s3 =	sadd.s32 $0x5, s8;
	v5 =	vld [tilespmem:s25+$0x5D90];
	v2 =	vadd.f32 v2, v3  }
0x370: {  	s10 =	smov.u32 @p1 s2;
	s2 =	sadd.s32 $0x4, s8;
	p2 =	sgt.s32 s3, $0xC7;
	v3 =	vld [tilespmem:s24+$0x5E90];
	[tilespmem:s25+$0xDD80] =	vst v4;
	v0 =	vadd.f32 v0, v8  }
0x371: {  	p1 =	sgt.s32 s2, $0xC7;
	s10 =	sshll.u32 s10, $0x9;
	s3 =	smov.u32 @p2 s11;
	v4 =	vld [tilespmem:s0+$0x11C10];
	[tilespmem:s24+$0xDE80] =	vst v2  }
0x372: {  	s11 =	sadd.s32 $0x7FFF3E, s8;
	p2 =	sgt.s32 s12, $0xC7;
	s2 =	smov.u32 @p1 s9;
	v2 =	vld [tilespmem:s6+$0x11C10];
	[tilespmem:s1+$0xDF80] =	vst v0  }
0x373: {  	s9 =	sadd.s32 $0x6, s8;
	s8 =	sadd.s32 $0x7FFF3F, s8;
	s10 =	sshra.s32 s10, $0x2;
	v1 =	vadd.f32 v6, v1;
	v0 =	vld [tilespmem:s31+$0x11C10]  }
0x374: {  	v63 =	vld [tilespmem:s24+$0x5EA0];
	s3 =	sshll.u32 s3, $0x9;
	p1 =	sgt.s32 s9, $0xC7;
	s12 =	smov.u32 @p2 s8  }
0x375: {  	s8 =	sadd.s32 $0x7FFF3A, s4;
	p2 =	sgt.s32 s13, $0xC7;
	s2 =	sshll.u32 s2, $0x9;
	[tilespmem:s26+$0xDC90] =	vst v1;
	v1 =	vld [tilespmem:s26+$0x5CA0]  }
0x376: {  	s18 =	sshra.s32 s3, $0x2;
	s9 =	smov.u32 @p1 s11;
	s11 =	sadd.s32 $0x2, s4;
	v6 =	vld [tilespmem:s23+$0x11C20];
	v4 =	vadd.f32 v4, v5  }
0x377: {  	s13 =	smov.u32 @p2 s14;
	p2 =	sgt.s32 s19, $0xC7;
	s14 =	sadd.s32 $0x7FFF3D, s4;
	v8 =	vld [tilespmem:s1+$0x5FA0];
	v2 =	vadd.f32 v2, v3  }
0x378: {  	s2 =	sshra.s32 s2, $0x2;
	s12 =	sshll.u32 s12, $0x9;
	p1 =	sgt.s32 s11, $0xC7;
	v5 =	vld [tilespmem:s25+$0x5DA0];
	[tilespmem:s25+$0xDD90] =	vst v4;
	v0 =	vadd.f32 v0, v7  }
0x379: {  	s19 =	smov.u32 @p2 s14;
	s9 =	sshll.u32 s9, $0x9;
	s28 =	sshra.s32 s12, $0x2;
	v4 =	vld [tilespmem:s0+$0x11C20];
	[tilespmem:s24+$0xDE90] =	vst v2  }
0x37a: {  	s12 =	simm.s32 $0x7000;
	s13 =	sshll.u32 s13, $0x9;
	s11 =	smov.u32 @p1 s8;
	v7 =	vld [tilespmem:s6+$0x11C20];
	[tilespmem:s1+$0xDF90] =	vst v0  }
0x37b: {  	s8 =	sadd.s32 $0x7FFF3C, s4;
	p1 =	sgt.s32 s17, $0xC7;
	s20 =	sshra.s32 s9, $0x2;
	v1 =	vadd.f32 v6, v1;
	v6 =	vld [tilespmem:s31+$0x11C20]  }
0x37c: {  	s19 =	sshll.u32 s19, $0x9;
	s17 =	smov.u32 @p1 s8;
	p1 =	sgt.s32 s21, $0xC7;
	v2 =	vld [tilespmem:s25+$0x5DB0]  }
0x37d: {  	s8 =	sadd.s32 $0x7FFF3E, s4;
	s11 =	sshll.u32 s11, $0x9;
	s9 =	sshra.s32 s19, $0x2;
	v0 =	vld [tilespmem:s1+$0x5FB0]  }
0x37e: {  	s21 =	smov.u32 @p1 s8;
	p1 =	sgt.s32 s22, $0xC7;
	s8 =	sadd.s32 $0x7FFF3F, s4;
	[tilespmem:s26+$0xDCA0] =	vst v1;
	v1 =	vld [tilespmem:s24+$0x5EB0];
	v5 =	vadd.f32 v4, v5  }
0x37f: {  	s14 =	sshra.s32 s11, $0x2;
	s11 =	sshra.s32 s13, $0x2;
	s17 =	sshll.u32 s17, $0x9;
	v3 =	vld [tilespmem:s23+$0x11C30];
	v7 =	vadd.f32 v7, v63  }
0x380: {  	s22 =	smov.u32 @p1 s8;
	s8 =	simm.s32 $0x6000;
	s13 =	sshra.s32 s17, $0x2;
	v4 =	vld [tilespmem:s26+$0x5CB0];
	[tilespmem:s25+$0xDDA0] =	vst v5;
	v8 =	vadd.f32 v6, v8  }
0x381: {  	s21 =	sshll.u32 s21, $0x9;
	s17 =	simm.s32 $0x8000;
	s23 =	sshll.u32 s22, $0x9;
	v5 =	vld [tilespmem:s0+$0x11C30];
	[tilespmem:s24+$0xDEA0] =	vst v7  }
0x382: {  	s30 =	sshra.s32 s21, $0x2;
	s29 =	sshra.s32 s23, $0x2;
	s0 =	sadd.s32 $0x8, s4;
	v6 =	vld [tilespmem:s6+$0x11C30];
	[tilespmem:s1+$0xDFA0] =	vst v8  }
.LBB2_5:
0x383: {  	p1 =	sne.s32 s17, $0xF000  }
0x384: {  	p2 =	sgt.s32 s0, $0xC7;
	s3 =	sadd.s32 $0xFFFFFF40, s4;
	v7 =	vld [tilespmem:s31+$0x11C30];
	s4 =	smov.u32 s0  }
0x385: {  	s16 =	sshra.s32 s16, $0x2;
	s19 =	smov.u32 s9;
	s4 =	smov.u32 @p2 s3;
	v8 =	vld [tilespmem:s24+$0x5F00]  }
0x386: {  	p2 =	sgt.s32 s4, $0xC7;
	s6 =	sshll.u32 s4, $0x7;
	s0 =	sadd.s32 $0x1, s4;
	v3 =	vadd.f32 v3, v4;
	v4 =	vld [tilespmem:s25+$0x5E00]  }
0x387: {  	s5 =	sadd.s32 $0x7FFF39, s4;
	s3 =	sadd.s32 $0xFFFF9C00, s6;
	p3 =	sgt.s32 s0, $0xC7;
	v9 =	vld [tilespmem:s26+$0x5D00];
	v2 =	vadd.f32 v5, v2  }
0x388: {  	v5 =	vld [tilespmem:s16+$0x5C00];
	s6 =	smov.u32 @p2 s3;
	s0 =	smov.u32 @p3 s5;
	s3 =	sadd.s32 $0x2, s4;
	[tilespmem:s26+$0xDCB0] =	vst v3;
	v1 =	vadd.f32 v6, v1  }
0x389: {  	s5 =	sadd.s32 $0x7FFF3A, s4;
	v3 =	vld [tilespmem:s6+$0x11C00];
	s0 =	sshll.u32 s0, $0x9;
	p2 =	sgt.s32 s3, $0xC7;
	[tilespmem:s25+$0xDDB0] =	vst v2;
	v0 =	vadd.f32 v7, v0  }
0x38a: {  	s0 =	sshra.s32 s0, $0x2;
	s3 =	smov.u32 @p2 s5;
	s5 =	sadd.s32 $0x3, s4;
	v2 =	vld [tilespmem:s14+$0x11C00];
	[tilespmem:s24+$0xDEB0] =	vst v1  }
0x38b: {  	s9 =	sadd.s32 $0x7FFF3B, s4;
	s3 =	sshll.u32 s3, $0x9;
	p2 =	sgt.s32 s5, $0xC7;
	v1 =	vld [tilespmem:s2+$0x11C00];
	[tilespmem:s1+$0xDFB0] =	vst v0  }
0x38c: {  	s1 =	sadd.s32 $0x4, s4;
	s3 =	sshra.s32 s3, $0x2;
	s5 =	smov.u32 @p2 s9;
	v0 =	vld [tilespmem:s15+$0x11C00]  }
0x38d: {  	p2 =	sgt.s32 s1, $0xC7;
	s9 =	sadd.s32 $0x7FFF3C, s4;
	s5 =	sshll.u32 s5, $0x9;
	v6 =	vld [tilespmem:s24+$0x5F10]  }
0x38e: {  	s1 =	smov.u32 @p2 s9;
	s9 =	sadd.s32 $0x5, s4;
	v3 =	vadd.f32 v3, v5;
	s5 =	sshra.s32 s5, $0x2;
	v5 =	vld [tilespmem:s25+$0x5E10]  }
0x38f: {  	s22 =	sadd.s32 $0x7FFF3D, s4;
	s1 =	sshll.u32 s1, $0x9;
	p2 =	sgt.s32 s9, $0xC7;
	v2 =	vadd.f32 v2, v9;
	v7 =	vld [tilespmem:s26+$0x5D10]  }
0x390: {  	s21 =	sshra.s32 s1, $0x2;
	s9 =	smov.u32 @p2 s22;
	s1 =	sadd.s32 $0x6, s4;
	[tilespmem:s16+$0xDC00] =	vst v3;
	v3 =	vld [tilespmem:s16+$0x5C10];
	v1 =	vadd.f32 v1, v4  }
0x391: {  	s22 =	sadd.s32 $0x7FFF3E, s4;
	s9 =	sshll.u32 s9, $0x9;
	p2 =	sgt.s32 s1, $0xC7;
	v4 =	vld [tilespmem:s6+$0x11C10];
	[tilespmem:s26+$0xDD00] =	vst v2;
	v0 =	vadd.f32 v0, v8  }
0x392: {  	s31 =	sadd.s32 $0x7, s4;
	s9 =	sshra.s32 s9, $0x2;
	s1 =	smov.u32 @p2 s22;
	v2 =	vld [tilespmem:s14+$0x11C10];
	[tilespmem:s25+$0xDE00] =	vst v1  }
0x393: {  	s23 =	sadd.s32 $0x7FFF3F, s4;
	p2 =	sgt.s32 s31, $0xC7;
	s1 =	sshll.u32 s1, $0x9;
	v1 =	vld [tilespmem:s2+$0x11C10];
	[tilespmem:s24+$0xDF00] =	vst v0  }
0x394: {  	s31 =	smov.u32 @p2 s23;
	s22 =	sshra.s32 s1, $0x2;
	s1 =	smov.u32 s24;
	v0 =	vld [tilespmem:s15+$0x11C10]  }
0x395: {  	s23 =	sshll.u32 s31, $0x9;
	s24 =	smov.u32 s25;
	s25 =	smov.u32 s26;
	v8 =	vld [tilespmem:s1+$0x5F20]  }
0x396: {  	s26 =	smov.u32 s16;
	s31 =	smov.u32 s10;
	s23 =	sshra.s32 s23, $0x2;
	v3 =	vadd.f32 v4, v3;
	v4 =	vld [tilespmem:s24+$0x5E20]  }
0x397: {  	s10 =	smov.u32 s28;
	s28 =	smov.u32 s29;
	s29 =	smov.u32 s23;
	v2 =	vadd.f32 v2, v7;
	v7 =	vld [tilespmem:s25+$0x5D20]  }
0x398: {  	s16 =	smov.u32 s7;
	s7 =	smov.u32 s8;
	s8 =	smov.u32 s12;
	[tilespmem:s26+$0xDC10] =	vst v3;
	v3 =	vld [tilespmem:s26+$0x5C20];
	v1 =	vadd.f32 v1, v5  }
0x399: {  	s12 =	smov.u32 s17;
	v5 =	vld [tilespmem:s6+$0x11C20];
	[tilespmem:s25+$0xDD10] =	vst v2;
	v0 =	vadd.f32 v0, v6  }
0x39a: {  	v2 =	vld [tilespmem:s14+$0x11C20];
	[tilespmem:s24+$0xDE10] =	vst v1  }
0x39b: {  	v1 =	vld [tilespmem:s2+$0x11C20];
	[tilespmem:s1+$0xDF10] =	vst v0  }
0x39c: {  	v0 =	vld [tilespmem:s15+$0x11C20]  }
0x39d: {  	v6 =	vld [tilespmem:s1+$0x5F30]  }
0x39e: {  	v3 =	vadd.f32 v5, v3;
	v5 =	vld [tilespmem:s24+$0x5E30]  }
0x39f: {  	v2 =	vadd.f32 v2, v7;
	v7 =	vld [tilespmem:s25+$0x5D30]  }
0x3a0: {  	[tilespmem:s26+$0xDC20] =	vst v3;
	v3 =	vld [tilespmem:s26+$0x5C30];
	v1 =	vadd.f32 v1, v4  }
0x3a1: {  	v4 =	vld [tilespmem:s6+$0x11C30];
	[tilespmem:s25+$0xDD20] =	vst v2;
	v0 =	vadd.f32 v0, v8  }
0x3a2: {  	v2 =	vld [tilespmem:s14+$0x11C30];
	[tilespmem:s24+$0xDE20] =	vst v1;
	s14 =	smov.u32 s3  }
0x3a3: {  	v1 =	vld [tilespmem:s2+$0x11C30];
	[tilespmem:s1+$0xDF20] =	vst v0;
	s2 =	smov.u32 s13;
	s13 =	smov.u32 s21  }
0x3a4: {  	v0 =	vld [tilespmem:s15+$0x11C30];
	s15 =	smov.u32 s20;
	s20 =	smov.u32 s30;
	s30 =	smov.u32 s22  }
0x3a5: {  	v8 =	vld [tilespmem:s1+$0x5F80]  }
0x3a6: {  	v3 =	vadd.f32 v4, v3;
	v4 =	vld [tilespmem:s24+$0x5E80]  }
0x3a7: {  	v2 =	vadd.f32 v2, v7;
	v7 =	vld [tilespmem:s25+$0x5D80]  }
0x3a8: {  	[tilespmem:s26+$0xDC30] =	vst v3;
	v3 =	vld [tilespmem:s26+$0x5C80];
	v1 =	vadd.f32 v1, v5  }
0x3a9: {  	v5 =	vld [tilespmem:s0+$0x11C00];
	[tilespmem:s25+$0xDD30] =	vst v2;
	v0 =	vadd.f32 v0, v6  }
0x3aa: {  	v2 =	vld [tilespmem:s11+$0x11C00];
	[tilespmem:s24+$0xDE30] =	vst v1  }
0x3ab: {  	v1 =	vld [tilespmem:s18+$0x11C00];
	[tilespmem:s1+$0xDF30] =	vst v0  }
0x3ac: {  	v0 =	vld [tilespmem:s31+$0x11C00]  }
0x3ad: {  	v6 =	vld [tilespmem:s1+$0x5F90]  }
0x3ae: {  	v3 =	vadd.f32 v5, v3;
	v5 =	vld [tilespmem:s24+$0x5E90]  }
0x3af: {  	v2 =	vadd.f32 v2, v7;
	v7 =	vld [tilespmem:s25+$0x5D90]  }
0x3b0: {  	[tilespmem:s26+$0xDC80] =	vst v3;
	v3 =	vld [tilespmem:s26+$0x5C90];
	v1 =	vadd.f32 v1, v4  }
0x3b1: {  	v4 =	vld [tilespmem:s0+$0x11C10];
	[tilespmem:s25+$0xDD80] =	vst v2;
	v0 =	vadd.f32 v0, v8  }
0x3b2: {  	v2 =	vld [tilespmem:s11+$0x11C10];
	[tilespmem:s24+$0xDE80] =	vst v1  }
0x3b3: {  	v1 =	vld [tilespmem:s18+$0x11C10];
	[tilespmem:s1+$0xDF80] =	vst v0  }
0x3b4: {  	v0 =	vld [tilespmem:s31+$0x11C10]  }
0x3b5: {  	v8 =	vld [tilespmem:s1+$0x5FA0]  }
0x3b6: {  	v3 =	vadd.f32 v4, v3;
	v9 =	vld [tilespmem:s24+$0x5EA0]  }
0x3b7: {  	v2 =	vadd.f32 v2, v7;
	v4 =	vld [tilespmem:s25+$0x5DA0]  }
0x3b8: {  	[tilespmem:s26+$0xDC90] =	vst v3;
	v3 =	vld [tilespmem:s26+$0x5CA0];
	v1 =	vadd.f32 v1, v5  }
0x3b9: {  	v5 =	vld [tilespmem:s0+$0x11C20];
	[tilespmem:s25+$0xDD90] =	vst v2;
	v0 =	vadd.f32 v0, v6  }
0x3ba: {  	v2 =	vld [tilespmem:s11+$0x11C20];
	[tilespmem:s24+$0xDE90] =	vst v1  }
0x3bb: {  	v6 =	vld [tilespmem:s18+$0x11C20];
	[tilespmem:s1+$0xDF90] =	vst v0  }
0x3bc: {  	v7 =	vld [tilespmem:s31+$0x11C20]  }
0x3bd: {  	v0 =	vld [tilespmem:s1+$0x5FB0]  }
0x3be: {  	v3 =	vadd.f32 v5, v3;
	v1 =	vld [tilespmem:s24+$0x5EB0]  }
.Ltmp3:
0x3bf: {  	v5 =	vadd.f32 v2, v4;
	v2 =	vld [tilespmem:s25+$0x5DB0];
	(pc) =	sbr.rel @p1 .LBB2_5-.Ltmp3, $4  }
0x3c0: {  	[tilespmem:s26+$0xDCA0] =	vst v3;
	v4 =	vld [tilespmem:s26+$0x5CB0];
	v6 =	vadd.f32 v6, v9  }
0x3c1: {  	v3 =	vld [tilespmem:s0+$0x11C30];
	[tilespmem:s25+$0xDDA0] =	vst v5;
	v7 =	vadd.f32 v7, v8  }
0x3c2: {  	v5 =	vld [tilespmem:s11+$0x11C30];
	[tilespmem:s24+$0xDEA0] =	vst v6;
	s11 =	smov.u32 s5  }
0x3c3: {  	s17 =	sadd.s32 $0x1000, s17;
	s0 =	sadd.s32 $0x8, s4;
	v6 =	vld [tilespmem:s18+$0x11C30];
	[tilespmem:s1+$0xDFA0] =	vst v7;
	s18 =	smov.u32 s19  }
0x3c4: {  	v7 =	vld [tilespmem:s31+$0x11C30]  }
0x3c5: {  	v8 =	vld [tilespmem:s24+$0x5F00]  }
0x3c6: {  	p1 =	sgt.s32 s0, $0xC7;
	s3 =	sadd.s32 $0xFFFFFF40, s4;
	v9 =	vld [tilespmem:s25+$0x5E00]  }
0x3c7: {  	v28 =	vld [tilespmem:s26+$0x5D00];
	s0 =	smov.u32 @p1 s3  }
0x3c8: {  	v10 =	vld [tilespmem:s24+$0x5F10];
	s3 =	sshll.u32 s0, $0x7  }
0x3c9: {  	s31 =	sshra.s32 s16, $0x2;
	v34 =	vld [tilespmem:s25+$0x5E10];
	p1 =	sgt.s32 s0, $0xC7;
	v3 =	vadd.f32 v3, v4;
	s4 =	sadd.s32 $0xFFFF9C00, s3  }
0x3ca: {  	v29 =	vld [tilespmem:s31+$0x5C00];
	v2 =	vadd.f32 v5, v2;
	s3 =	smov.u32 @p1 s4  }
0x3cb: {  	[tilespmem:s26+$0xDCB0] =	vst v3;
	v1 =	vadd.f32 v6, v1;
	v30 =	vld [tilespmem:s3+$0x11C00]  }
0x3cc: {  	[tilespmem:s25+$0xDDB0] =	vst v2;
	v31 =	vld [tilespmem:s14+$0x11C00]  }
0x3cd: {  	[tilespmem:s24+$0xDEB0] =	vst v1;
	v32 =	vld [tilespmem:s2+$0x11C00]  }
0x3ce: {  	v33 =	vld [tilespmem:s15+$0x11C00]  }
0x3cf: {  	v35 =	vld [tilespmem:s26+$0x5D10]  }
0x3d0: {  	v40 =	vld [tilespmem:s24+$0x5F20];
	v3 =	vadd.f32 v30, v29  }
0x3d1: {  	v41 =	vld [tilespmem:s25+$0x5E20];
	v2 =	vadd.f32 v31, v28  }
0x3d2: {  	v36 =	vld [tilespmem:s31+$0x5C10];
	v1 =	vadd.f32 v32, v9;
	[tilespmem:s31+$0xDC00] =	vst v3  }
0x3d3: {  	[tilespmem:s26+$0xDD00] =	vst v2;
	v38 =	vadd.f32 v33, v8;
	v37 =	vld [tilespmem:s3+$0x11C10]  }
0x3d4: {  	v39 =	vld [tilespmem:s14+$0x11C10];
	[tilespmem:s25+$0xDE00] =	vst v1  }
0x3d5: {  	v1 =	vld [tilespmem:s2+$0x11C10];
	[tilespmem:s24+$0xDF00] =	vst v38  }
0x3d6: {  	v2 =	vld [tilespmem:s15+$0x11C10]  }
0x3d7: {  	v43 =	vld [tilespmem:s26+$0x5D20]  }
0x3d8: {  	v48 =	vld [tilespmem:s24+$0x5F30];
	v3 =	vadd.f32 v37, v36  }
0x3d9: {  	v49 =	vld [tilespmem:s25+$0x5E30];
	v42 =	vadd.f32 v39, v35  }
0x3da: {  	v44 =	vld [tilespmem:s31+$0x5C20];
	v1 =	vadd.f32 v1, v34;
	[tilespmem:s31+$0xDC10] =	vst v3  }
0x3db: {  	[tilespmem:s26+$0xDD10] =	vst v42;
	v46 =	vadd.f32 v2, v10;
	v45 =	vld [tilespmem:s3+$0x11C20]  }
0x3dc: {  	v0 =	vadd.f32 v7, v0;
	v47 =	vld [tilespmem:s14+$0x11C20];
	[tilespmem:s25+$0xDE10] =	vst v1  }
0x3dd: {  	v1 =	vld [tilespmem:s2+$0x11C20];
	[tilespmem:s24+$0xDF10] =	vst v46  }
0x3de: {  	[tilespmem:s1+$0xDFB0] =	vst v0;
	v0 =	vld [tilespmem:s15+$0x11C20]  }
0x3df: {  	v50 =	vld [tilespmem:s26+$0x5D30]  }
0x3e0: {  	v51 =	vld [tilespmem:s31+$0x5C30]  }
0x3e1: {  	v53 =	vld [tilespmem:s24+$0x5F80]  }
0x3e2: {  	v54 =	vld [tilespmem:s25+$0x5E80]  }
0x3e3: {  	v55 =	vld [tilespmem:s26+$0x5D80]  }
0x3e4: {  	v56 =	vld [tilespmem:s31+$0x5C80]  }
0x3e5: {  	v58 =	vld [tilespmem:s24+$0x5F90]  }
0x3e6: {  	v59 =	vld [tilespmem:s25+$0x5E90]  }
0x3e7: {  	v60 =	vld [tilespmem:s26+$0x5D90]  }
0x3e8: {  	v61 =	vld [tilespmem:s31+$0x5C90]  }
0x3e9: {  	v63 =	vld [tilespmem:s24+$0x5FA0]  }
0x3ea: {  	v12 =	vld [tilespmem:s25+$0x5EA0];
	v3 =	vadd.f32 v45, v44  }
0x3eb: {  	v13 =	vld [tilespmem:s26+$0x5DA0]  }
0x3ec: {  	v14 =	vld [tilespmem:s31+$0x5CA0];
	[tilespmem:s31+$0xDC20] =	vst v3  }
0x3ed: {  	v52 =	vld [tilespmem:s3+$0x11C30]  }
0x3ee: {  	v17 =	vld [tilespmem:s25+$0x5EB0];
	v1 =	vadd.f32 v1, v41  }
0x3ef: {  	v18 =	vld [tilespmem:s26+$0x5DB0]  }
0x3f0: {  	s1 =	sadd.s32 $0x1, s0;
	v19 =	vld [tilespmem:s31+$0x5CB0];
	[tilespmem:s25+$0xDE20] =	vst v1  }
0x3f1: {  	p1 =	sgt.s32 s1, $0xC7;
	v1 =	vld [tilespmem:s2+$0x11C30];
	s2 =	sadd.s32 $0x7FFF39, s0  }
0x3f2: {  	v24 =	vld [tilespmem:s25+$0x5F00];
	s1 =	smov.u32 @p1 s2;
	v3 =	vadd.f32 v52, v51  }
0x3f3: {  	v25 =	vld [tilespmem:s26+$0x5E00];
	s1 =	sshll.u32 s1, $0x9  }
0x3f4: {  	v26 =	vld [tilespmem:s31+$0x5D00];
	s1 =	sshra.s32 s1, $0x2;
	[tilespmem:s31+$0xDC30] =	vst v3  }
0x3f5: {  	v57 =	vld [tilespmem:s1+$0x11C00]  }
0x3f6: {  	v33 =	vld [tilespmem:s25+$0x5F10];
	v2 =	vadd.f32 v47, v43  }
0x3f7: {  	v34 =	vld [tilespmem:s26+$0x5E10]  }
0x3f8: {  	v35 =	vld [tilespmem:s31+$0x5D10];
	[tilespmem:s26+$0xDD20] =	vst v2  }
0x3f9: {  	v2 =	vld [tilespmem:s14+$0x11C30]  }
0x3fa: {  	v38 =	vld [tilespmem:s25+$0x5F20];
	v3 =	vadd.f32 v57, v56  }
0x3fb: {  	s16 =	sshra.s32 s8, $0x2;
	v39 =	vld [tilespmem:s26+$0x5E20];
	v0 =	vadd.f32 v0, v40  }
0x3fc: {  	v11 =	vld [tilespmem:s16+$0x5C00];
	[tilespmem:s31+$0xDC80] =	vst v3  }
0x3fd: {  	[tilespmem:s24+$0xDF20] =	vst v0;
	v62 =	vld [tilespmem:s1+$0x11C10]  }
0x3fe: {  	v0 =	vld [tilespmem:s15+$0x11C30];
	v2 =	vadd.f32 v2, v50  }
0x3ff: {  	v44 =	vld [tilespmem:s26+$0x5E30]  }
0x400: {  	v40 =	vld [tilespmem:s31+$0x5D20];
	[tilespmem:s26+$0xDD30] =	vst v2  }
0x401: {  	s15 =	sshra.s32 s7, $0x2;
	v1 =	vadd.f32 v1, v49;
	v2 =	vld [tilespmem:s11+$0x11C00]  }
0x402: {  	v27 =	vld [tilespmem:s15+$0x5C00];
	v3 =	vadd.f32 v62, v61  }
0x403: {  	v36 =	vld [tilespmem:s15+$0x5C10];
	v0 =	vadd.f32 v0, v48;
	[tilespmem:s25+$0xDE30] =	vst v1  }
0x404: {  	v1 =	vld [tilespmem:s18+$0x11C00];
	[tilespmem:s31+$0xDC90] =	vst v3  }
0x405: {  	[tilespmem:s24+$0xDF30] =	vst v0;
	v15 =	vld [tilespmem:s1+$0x11C20]  }
0x406: {  	v0 =	vld [tilespmem:s10+$0x11C00];
	v2 =	vadd.f32 v2, v55  }
0x407: {  	v41 =	vld [tilespmem:s15+$0x5C20]  }
0x408: {  	v49 =	vld [tilespmem:s16+$0x5C10];
	[tilespmem:s26+$0xDD80] =	vst v2  }
0x409: {  	v1 =	vadd.f32 v1, v54;
	v2 =	vld [tilespmem:s11+$0x11C10]  }
0x40a: {  	v56 =	vld [tilespmem:s26+$0x5E80];
	v3 =	vadd.f32 v15, v14  }
0x40b: {  	v57 =	vld [tilespmem:s16+$0x5C20];
	v0 =	vadd.f32 v0, v53;
	[tilespmem:s25+$0xDE80] =	vst v1  }
0x40c: {  	s4 =	sadd.s32 $0x8, s0;
	v1 =	vld [tilespmem:s18+$0x11C10];
	[tilespmem:s31+$0xDCA0] =	vst v3  }
0x40d: {  	p1 =	sgt.s32 s4, $0xC7;
	[tilespmem:s24+$0xDF80] =	vst v0;
	v20 =	vld [tilespmem:s1+$0x11C30];
	s1 =	sadd.s32 $0xFFFFFF40, s0  }
0x40e: {  	s12 =	sshra.s32 s12, $0x2;
	s2 =	sadd.s32 $0x2, s0;
	v0 =	vld [tilespmem:s10+$0x11C10];
	v2 =	vadd.f32 v2, v60;
	s4 =	smov.u32 @p1 s1  }
0x40f: {  	s3 =	sadd.s32 $0x7FFF3A, s0;
	p2 =	sgt.s32 s2, $0xC7;
	v54 =	vld [tilespmem:s12+$0x5C10];
	s5 =	sshll.u32 s4, $0x7  }
0x410: {  	s2 =	smov.u32 @p2 s3;
	v60 =	vld [tilespmem:s12+$0x5C20];
	[tilespmem:s26+$0xDD90] =	vst v2;
	p1 =	sgt.s32 s4, $0xC7;
	s3 =	sadd.s32 $0xFFFF9C00, s5  }
0x411: {  	v1 =	vadd.f32 v1, v59;
	v2 =	vld [tilespmem:s11+$0x11C20];
	s5 =	smov.u32 @p1 s3  }
0x412: {  	v29 =	vld [tilespmem:s5+$0x11C00]  }
0x413: {  	v62 =	vld [tilespmem:s15+$0x5C80];
	v0 =	vadd.f32 v0, v58;
	[tilespmem:s25+$0xDE90] =	vst v1  }
0x414: {  	v1 =	vld [tilespmem:s18+$0x11C20]  }
0x415: {  	v59 =	vld [tilespmem:s31+$0x5D80];
	[tilespmem:s24+$0xDF90] =	vst v0  }
0x416: {  	v16 =	vld [tilespmem:s10+$0x11C20];
	v2 =	vadd.f32 v2, v13  }
0x417: {  	v0 =	vld [tilespmem:s24+$0x5FB0];
	v5 =	vadd.f32 v29, v27  }
0x418: {  	v13 =	vld [tilespmem:s12+$0x5C00];
	[tilespmem:s26+$0xDDA0] =	vst v2  }
0x419: {  	v1 =	vadd.f32 v1, v12;
	v22 =	vld [tilespmem:s11+$0x11C30];
	[tilespmem:s15+$0xDC00] =	vst v5  }
0x41a: {  	v37 =	vld [tilespmem:s5+$0x11C10]  }
0x41b: {  	v14 =	vld [tilespmem:s31+$0x5D30];
	v21 =	vadd.f32 v16, v63;
	[tilespmem:s25+$0xDEA0] =	vst v1  }
0x41c: {  	v23 =	vld [tilespmem:s18+$0x11C30]  }
0x41d: {  	v15 =	vld [tilespmem:s15+$0x5C30];
	[tilespmem:s24+$0xDFA0] =	vst v21  }
0x41e: {  	v1 =	vld [tilespmem:s10+$0x11C30];
	v4 =	vadd.f32 v22, v18  }
0x41f: {  	s7 =	sadd.s32 $0x8, s4;
	v3 =	vadd.f32 v20, v19;
	v19 =	vld [tilespmem:s16+$0x5C30];
	v5 =	vadd.f32 v37, v36  }
0x420: {  	p1 =	sgt.s32 s7, $0xC7;
	s3 =	sadd.s32 $0xFFFFFF40, s4;
	v22 =	vld [tilespmem:s12+$0x5C30];
	[tilespmem:s26+$0xDDB0] =	vst v4  }
0x421: {  	s2 =	sshll.u32 s2, $0x9;
	s7 =	smov.u32 @p1 s3;
	v28 =	vadd.f32 v23, v17;
	v31 =	vld [tilespmem:s13+$0x11C00];
	[tilespmem:s15+$0xDC10] =	vst v5  }
0x422: {  	s2 =	sshra.s32 s2, $0x2;
	s3 =	sshll.u32 s7, $0x7;
	[tilespmem:s31+$0xDCB0] =	vst v3;
	v42 =	vld [tilespmem:s5+$0x11C20]  }
0x423: {  	p1 =	sgt.s32 s7, $0xC7;
	s6 =	sadd.s32 $0xFFFF9C00, s3;
	v30 =	vld [tilespmem:s2+$0x11C00];
	[tilespmem:s25+$0xDEB0] =	vst v28  }
0x424: {  	s3 =	smov.u32 @p1 s6;
	v32 =	vld [tilespmem:s20+$0x11C00]  }
0x425: {  	v45 =	vld [tilespmem:s3+$0x11C00]  }
0x426: {  	s8 =	sadd.s32 $0x8, s7;
	v27 =	vld [tilespmem:s16+$0x5C80]  }
0x427: {  	s11 =	sadd.s32 $0xFFFFFF40, s7;
	p2 =	sgt.s32 s8, $0xC7;
	v3 =	vadd.f32 v31, v25;
	v25 =	vld [tilespmem:s31+$0x5D90];
	v5 =	vadd.f32 v42, v41  }
0x428: {  	s8 =	smov.u32 @p2 s11;
	v4 =	vadd.f32 v30, v26;
	v26 =	vld [tilespmem:s15+$0x5C90]  }
0x429: {  	s6 =	sshll.u32 s8, $0x7;
	v30 =	vld [tilespmem:s12+$0x5C80];
	[tilespmem:s15+$0xDC20] =	vst v5  }
0x42a: {  	p1 =	sgt.s32 s8, $0xC7;
	v12 =	vld [tilespmem:s5+$0x11C30];
	s5 =	sadd.s32 $0xFFFF9C00, s6  }
0x42b: {  	v2 =	vadd.f32 v32, v24;
	v24 =	vld [tilespmem:s26+$0x5E90];
	s6 =	smov.u32 @p1 s5  }
0x42c: {  	v46 =	vld [tilespmem:s6+$0x11C00]  }
0x42d: {  	v47 =	vadd.f32 v45, v11;
	v45 =	vld [tilespmem:s12+$0x5CA0];
	[tilespmem:s26+$0xDE00] =	vst v3  }
0x42e: {  	[tilespmem:s31+$0xDD00] =	vst v4;
	v3 =	vld [tilespmem:s13+$0x11C10]  }
0x42f: {  	v4 =	vld [tilespmem:s2+$0x11C10];
	[tilespmem:s25+$0xDF00] =	vst v2  }
0x430: {  	[tilespmem:s16+$0xDC00] =	vst v47;
	v2 =	vld [tilespmem:s20+$0x11C10]  }
0x431: {  	v50 =	vld [tilespmem:s3+$0x11C10];
	v51 =	vadd.f32 v46, v13  }
0x432: {  	v37 =	vld [tilespmem:s12+$0x5C90]  }
0x433: {  	v3 =	vadd.f32 v3, v34;
	v34 =	vld [tilespmem:s16+$0x5C90];
	[tilespmem:s12+$0xDC00] =	vst v51  }
0x434: {  	v55 =	vld [tilespmem:s6+$0x11C10]  }
0x435: {  	v4 =	vadd.f32 v4, v35;
	v2 =	vadd.f32 v2, v33;
	v33 =	vld [tilespmem:s15+$0x5CA0]  }
0x436: {  	v9 =	vadd.f32 v50, v49;
	v49 =	vld [tilespmem:s15+$0x5D00]  }
0x437: {  	v50 =	vld [tilespmem:s16+$0x5CB0];
	[tilespmem:s31+$0xDD10] =	vst v4  }
0x438: {  	[tilespmem:s26+$0xDE10] =	vst v3;
	v4 =	vld [tilespmem:s2+$0x11C20]  }
0x439: {  	v3 =	vld [tilespmem:s13+$0x11C20];
	[tilespmem:s25+$0xDF10] =	vst v2;
	v8 =	vadd.f32 v55, v54  }
0x43a: {  	v2 =	vld [tilespmem:s25+$0x5F30];
	[tilespmem:s16+$0xDC10] =	vst v9  }
0x43b: {  	v58 =	vld [tilespmem:s3+$0x11C20];
	[tilespmem:s12+$0xDC10] =	vst v8  }
0x43c: {  	v61 =	vld [tilespmem:s6+$0x11C20]  }
0x43d: {  	v43 =	vld [tilespmem:s20+$0x11C20]  }
0x43e: {  	v41 =	vld [tilespmem:s15+$0x5CB0];
	v4 =	vadd.f32 v4, v40  }
0x43f: {  	v42 =	vld [tilespmem:s16+$0x5CA0]  }
0x440: {  	v3 =	vadd.f32 v3, v39;
	v39 =	vld [tilespmem:s26+$0x5EA0];
	v17 =	vadd.f32 v58, v57;
	[tilespmem:s31+$0xDD20] =	vst v4  }
0x441: {  	v48 =	vld [tilespmem:s2+$0x11C30];
	v8 =	vadd.f32 v61, v60  }
0x442: {  	v40 =	vld [tilespmem:s31+$0x5DA0];
	s5 =	sadd.s32 $0x3, s0;
	s2 =	sadd.s32 $0x1, s4;
	[tilespmem:s16+$0xDC20] =	vst v17  }
0x443: {  	s11 =	sadd.s32 $0x7FFF39, s4;
	p2 =	sgt.s32 s5, $0xC7;
	p1 =	sgt.s32 s2, $0xC7;
	v20 =	vld [tilespmem:s3+$0x11C30];
	[tilespmem:s12+$0xDC20] =	vst v8  }
0x444: {  	s3 =	sadd.s32 $0x1, s7;
	s2 =	smov.u32 @p1 s11;
	s11 =	sadd.s32 $0x7FFF3B, s0;
	v23 =	vld [tilespmem:s6+$0x11C30]  }
0x445: {  	v57 =	vld [tilespmem:s15+$0x5D10];
	v12 =	vadd.f32 v12, v15;
	p1 =	sgt.s32 s3, $0xC7;
	s5 =	smov.u32 @p2 s11  }
0x446: {  	v58 =	vld [tilespmem:s16+$0x5D00];
	[tilespmem:s26+$0xDE20] =	vst v3;
	s2 =	sshll.u32 s2, $0x9;
	s11 =	sshll.u32 s5, $0x9;
	v5 =	vadd.f32 v48, v14;
	s6 =	sadd.s32 $0x7FFF39, s7  }
0x447: {  	v3 =	vld [tilespmem:s25+$0x5F80];
	s17 =	sshra.s32 s2, $0x2;
	[tilespmem:s15+$0xDC30] =	vst v12;
	s3 =	smov.u32 @p1 s6;
	s6 =	sadd.s32 $0x1, s8  }
0x448: {  	s18 =	sshra.s32 s11, $0x2;
	v63 =	vld [tilespmem:s17+$0x11C00];
	s11 =	sadd.s32 $0x7FFF39, s8;
	[tilespmem:s31+$0xDD30] =	vst v5;
	v5 =	vadd.f32 v20, v19;
	p1 =	sgt.s32 s6, $0xC7  }
0x449: {  	v53 =	vld [tilespmem:s13+$0x11C30];
	s3 =	sshll.u32 s3, $0x9;
	s6 =	smov.u32 @p1 s11;
	v8 =	vadd.f32 v23, v22  }
0x44a: {  	v52 =	vadd.f32 v43, v38;
	v18 =	vld [tilespmem:s18+$0x11C00];
	[tilespmem:s16+$0xDC30] =	vst v5;
	s3 =	sshra.s32 s3, $0x2;
	s6 =	sshll.u32 s6, $0x9  }
0x44b: {  	v28 =	vld [tilespmem:s3+$0x11C00];
	s6 =	sshra.s32 s6, $0x2;
	[tilespmem:s12+$0xDC30] =	vst v8  }
0x44c: {  	[tilespmem:s25+$0xDF20] =	vst v52;
	v31 =	vld [tilespmem:s6+$0x11C00]  }
0x44d: {  	v4 =	vld [tilespmem:s20+$0x11C30];
	v12 =	vadd.f32 v63, v62  }
0x44e: {  	v13 =	vld [tilespmem:s25+$0x5F90];
	v6 =	vadd.f32 v53, v44  }
0x44f: {  	v53 =	vld [tilespmem:s12+$0x5CB0];
	[tilespmem:s15+$0xDC80] =	vst v12;
	v7 =	vadd.f32 v18, v59  }
0x450: {  	[tilespmem:s26+$0xDE30] =	vst v6;
	v29 =	vld [tilespmem:s17+$0x11C10];
	v5 =	vadd.f32 v28, v27  }
0x451: {  	v19 =	vld [tilespmem:s12+$0x5D10];
	[tilespmem:s31+$0xDD80] =	vst v7;
	v7 =	vadd.f32 v31, v30  }
0x452: {  	v21 =	vld [tilespmem:s9+$0x11C00];
	[tilespmem:s16+$0xDC80] =	vst v5  }
0x453: {  	v35 =	vld [tilespmem:s3+$0x11C10];
	[tilespmem:s12+$0xDC80] =	vst v7  }
0x454: {  	v38 =	vld [tilespmem:s6+$0x11C10]  }
0x455: {  	v20 =	vld [tilespmem:s26+$0x5F00];
	v10 =	vadd.f32 v29, v26  }
0x456: {  	v63 =	vld [tilespmem:s15+$0x5D20]  }
0x457: {  	v55 =	vld [tilespmem:s26+$0x5EB0];
	[tilespmem:s15+$0xDC90] =	vst v10  }
0x458: {  	v36 =	vld [tilespmem:s17+$0x11C20];
	v5 =	vadd.f32 v35, v34  }
0x459: {  	v9 =	vadd.f32 v21, v56;
	v56 =	vld [tilespmem:s31+$0x5DB0];
	v7 =	vadd.f32 v38, v37  }
0x45a: {  	v32 =	vld [tilespmem:s18+$0x11C10];
	[tilespmem:s16+$0xDC90] =	vst v5  }
0x45b: {  	v43 =	vld [tilespmem:s3+$0x11C20];
	[tilespmem:s12+$0xDC90] =	vst v7  }
0x45c: {  	v46 =	vld [tilespmem:s6+$0x11C20]  }
0x45d: {  	v18 =	vld [tilespmem:s16+$0x5D10];
	v8 =	vadd.f32 v36, v33  }
0x45e: {  	v21 =	vld [tilespmem:s31+$0x5E00]  }
0x45f: {  	v16 =	vld [tilespmem:s15+$0x5E20];
	v6 =	vadd.f32 v32, v25;
	[tilespmem:s15+$0xDCA0] =	vst v8  }
0x460: {  	[tilespmem:s26+$0xDE80] =	vst v9;
	v44 =	vld [tilespmem:s17+$0x11C30];
	v5 =	vadd.f32 v43, v42  }
0x461: {  	v9 =	vld [tilespmem:s9+$0x11C10];
	[tilespmem:s31+$0xDD90] =	vst v6;
	v6 =	vadd.f32 v46, v45  }
0x462: {  	v26 =	vld [tilespmem:s12+$0x5D20];
	[tilespmem:s16+$0xDCA0] =	vst v5  }
0x463: {  	s5 =	sadd.s32 $0x2, s4;
	v51 =	vld [tilespmem:s3+$0x11C30];
	[tilespmem:s12+$0xDCA0] =	vst v6  }
0x464: {  	p1 =	sgt.s32 s5, $0xC7;
	s11 =	sadd.s32 $0x7FFF3A, s4;
	v54 =	vld [tilespmem:s6+$0x11C30]  }
0x465: {  	v29 =	vld [tilespmem:s16+$0x5D30];
	s5 =	smov.u32 @p1 s11;
	v48 =	vadd.f32 v44, v41;
	s3 =	sadd.s32 $0x2, s7  }
0x466: {  	v61 =	vld [tilespmem:s12+$0x5D00];
	s5 =	sshll.u32 s5, $0x9;
	p1 =	sgt.s32 s3, $0xC7;
	s6 =	sadd.s32 $0x7FFF3A, s7  }
0x467: {  	v9 =	vadd.f32 v9, v24;
	v32 =	vld [tilespmem:s31+$0x5E10];
	s5 =	sshra.s32 s5, $0x2;
	[tilespmem:s15+$0xDCB0] =	vst v48;
	s3 =	smov.u32 @p1 s6;
	s6 =	sadd.s32 $0x2, s8  }
0x468: {  	s11 =	sadd.s32 $0x7FFF3A, s8;
	v52 =	vld [tilespmem:s5+$0x11C00];
	v5 =	vadd.f32 v51, v50;
	p1 =	sgt.s32 s6, $0xC7  }
0x469: {  	[tilespmem:s26+$0xDE90] =	vst v9;
	v47 =	vld [tilespmem:s18+$0x11C20];
	s3 =	sshll.u32 s3, $0x9;
	s6 =	smov.u32 @p1 s11;
	v6 =	vadd.f32 v54, v53  }
0x46a: {  	v9 =	vld [tilespmem:s9+$0x11C20];
	s3 =	sshra.s32 s3, $0x2;
	[tilespmem:s16+$0xDCB0] =	vst v5;
	s6 =	sshll.u32 s6, $0x9  }
0x46b: {  	v59 =	vld [tilespmem:s3+$0x11C00];
	s6 =	sshra.s32 s6, $0x2;
	[tilespmem:s12+$0xDCB0] =	vst v6  }
0x46c: {  	v6 =	vld [tilespmem:s6+$0x11C00]  }
0x46d: {  	v22 =	vld [tilespmem:s15+$0x5D30];
	v7 =	vadd.f32 v52, v49  }
0x46e: {  	v23 =	vld [tilespmem:s16+$0x5D20]  }
0x46f: {  	v9 =	vadd.f32 v9, v39;
	v39 =	vld [tilespmem:s15+$0x5DA0];
	[tilespmem:s15+$0xDD00] =	vst v7  }
0x470: {  	v60 =	vld [tilespmem:s5+$0x11C10];
	v5 =	vadd.f32 v59, v58  }
0x471: {  	v10 =	vadd.f32 v47, v40;
	v40 =	vld [tilespmem:s16+$0x5D90];
	v6 =	vadd.f32 v6, v61  }
0x472: {  	v47 =	vld [tilespmem:s15+$0x5DB0];
	[tilespmem:s16+$0xDD00] =	vst v5  }
0x473: {  	v5 =	vld [tilespmem:s3+$0x11C10];
	[tilespmem:s12+$0xDD00] =	vst v6  }
0x474: {  	v6 =	vld [tilespmem:s6+$0x11C10]  }
0x475: {  	v33 =	vld [tilespmem:s15+$0x5D90];
	[tilespmem:s31+$0xDDA0] =	vst v10;
	v62 =	vadd.f32 v60, v57  }
0x476: {  	[tilespmem:s26+$0xDEA0] =	vst v9;
	v10 =	vld [tilespmem:s18+$0x11C30]  }
0x477: {  	v9 =	vld [tilespmem:s9+$0x11C30];
	[tilespmem:s15+$0xDD10] =	vst v62  }
0x478: {  	v7 =	vld [tilespmem:s5+$0x11C20];
	v5 =	vadd.f32 v5, v18  }
0x479: {  	v28 =	vld [tilespmem:s15+$0x5D80];
	v6 =	vadd.f32 v6, v19  }
0x47a: {  	v17 =	vld [tilespmem:s16+$0x5E10];
	[tilespmem:s16+$0xDD10] =	vst v5  }
0x47b: {  	v24 =	vld [tilespmem:s3+$0x11C20];
	[tilespmem:s12+$0xDD10] =	vst v6  }
0x47c: {  	v6 =	vld [tilespmem:s6+$0x11C20]  }
0x47d: {  	v30 =	vld [tilespmem:s12+$0x5D30];
	v7 =	vadd.f32 v7, v63  }
0x47e: {  	v31 =	vld [tilespmem:s26+$0x5F10]  }
0x47f: {  	v8 =	vadd.f32 v10, v56;
	v9 =	vadd.f32 v9, v55;
	v56 =	vld [tilespmem:s15+$0x5E00];
	[tilespmem:s15+$0xDD20] =	vst v7  }
0x480: {  	s2 =	sadd.s32 $0x4, s0;
	v25 =	vld [tilespmem:s5+$0x11C30];
	v5 =	vadd.f32 v24, v23  }
0x481: {  	s9 =	sadd.s32 $0x7FFF3C, s0;
	v44 =	vld [tilespmem:s12+$0x5D90];
	[tilespmem:s26+$0xDEB0] =	vst v9;
	p1 =	sgt.s32 s2, $0xC7;
	s5 =	sadd.s32 $0x3, s4;
	v6 =	vadd.f32 v6, v26  }
0x482: {  	v9 =	vld [tilespmem:s30+$0x11C00];
	s2 =	smov.u32 @p1 s9;
	s9 =	sadd.s32 $0x7FFF3B, s4;
	p1 =	sgt.s32 s5, $0xC7;
	[tilespmem:s16+$0xDD20] =	vst v5  }
0x483: {  	s5 =	smov.u32 @p1 s9;
	v5 =	vld [tilespmem:s3+$0x11C30];
	[tilespmem:s12+$0xDD20] =	vst v6  }
0x484: {  	s5 =	sshll.u32 s5, $0x9;
	s3 =	sadd.s32 $0x3, s7;
	v6 =	vld [tilespmem:s6+$0x11C30]  }
0x485: {  	v34 =	vld [tilespmem:s16+$0x5D80];
	s19 =	sshra.s32 s5, $0x2;
	s5 =	sadd.s32 $0x7FFF3B, s7;
	v27 =	vadd.f32 v25, v22;
	p1 =	sgt.s32 s3, $0xC7  }
0x486: {  	v48 =	vld [tilespmem:s16+$0x5DA0];
	s3 =	smov.u32 @p1 s5  }
0x487: {  	v37 =	vld [tilespmem:s12+$0x5D80];
	v9 =	vadd.f32 v9, v20;
	[tilespmem:s15+$0xDD30] =	vst v27;
	s3 =	sshll.u32 s3, $0x9;
	s6 =	sadd.s32 $0x3, s8  }
0x488: {  	v7 =	vld [tilespmem:s19+$0x11C00];
	s20 =	sshra.s32 s3, $0x2;
	s3 =	sadd.s32 $0x7FFF3B, s8;
	v5 =	vadd.f32 v5, v29;
	p1 =	sgt.s32 s6, $0xC7  }
0x489: {  	v20 =	vld [tilespmem:s15+$0x5E30];
	[tilespmem:s26+$0xDF00] =	vst v9;
	s6 =	smov.u32 @p1 s3;
	v6 =	vadd.f32 v6, v30  }
0x48a: {  	v9 =	vld [tilespmem:s30+$0x11C10];
	[tilespmem:s16+$0xDD30] =	vst v5;
	s3 =	sshll.u32 s6, $0x9  }
0x48b: {  	v35 =	vld [tilespmem:s20+$0x11C00];
	s6 =	sshra.s32 s3, $0x2;
	[tilespmem:s12+$0xDD30] =	vst v6  }
0x48c: {  	v6 =	vld [tilespmem:s6+$0x11C00]  }
0x48d: {  	v52 =	vld [tilespmem:s12+$0x5DA0];
	s2 =	sshll.u32 s2, $0x9;
	v7 =	vadd.f32 v7, v28  }
0x48e: {  	[tilespmem:s31+$0xDDB0] =	vst v8;
	v46 =	vld [tilespmem:s31+$0x5E20];
	s2 =	sshra.s32 s2, $0x2  }
0x48f: {  	v8 =	vld [tilespmem:s2+$0x11C00];
	[tilespmem:s15+$0xDD80] =	vst v7  }
0x490: {  	v36 =	vld [tilespmem:s19+$0x11C10];
	v5 =	vadd.f32 v35, v34  }
0x491: {  	v9 =	vadd.f32 v9, v31;
	v31 =	vld [tilespmem:s31+$0x5F00];
	v42 =	vadd.f32 v6, v37  }
0x492: {  	v57 =	vld [tilespmem:s16+$0x5DB0];
	[tilespmem:s16+$0xDD80] =	vst v5  }
0x493: {  	v41 =	vld [tilespmem:s20+$0x11C10];
	[tilespmem:s12+$0xDD80] =	vst v42  }
0x494: {  	v8 =	vadd.f32 v8, v21;
	v45 =	vld [tilespmem:s6+$0x11C10]  }
0x495: {  	v60 =	vld [tilespmem:s15+$0x5E10];
	[tilespmem:s26+$0xDF10] =	vst v9;
	v38 =	vadd.f32 v36, v33  }
0x496: {  	v55 =	vld [tilespmem:s30+$0x11C20];
	[tilespmem:s31+$0xDE00] =	vst v8  }
0x497: {  	v8 =	vld [tilespmem:s2+$0x11C10];
	[tilespmem:s15+$0xDD90] =	vst v38  }
0x498: {  	v43 =	vld [tilespmem:s19+$0x11C20];
	v7 =	vadd.f32 v41, v40  }
0x499: {  	v62 =	vld [tilespmem:s12+$0x5E00];
	v49 =	vadd.f32 v45, v44  }
0x49a: {  	v63 =	vld [tilespmem:s31+$0x5E80];
	[tilespmem:s16+$0xDD90] =	vst v7  }
0x49b: {  	v50 =	vld [tilespmem:s20+$0x11C20];
	[tilespmem:s12+$0xDD90] =	vst v49  }
0x49c: {  	v8 =	vadd.f32 v8, v32;
	v53 =	vld [tilespmem:s6+$0x11C20]  }
0x49d: {  	v58 =	vld [tilespmem:s12+$0x5DB0];
	v6 =	vadd.f32 v43, v39  }
0x49e: {  	v59 =	vld [tilespmem:s31+$0x5E30];
	[tilespmem:s31+$0xDE10] =	vst v8  }
0x49f: {  	v54 =	vld [tilespmem:s2+$0x11C20];
	[tilespmem:s15+$0xDDA0] =	vst v6  }
0x4a0: {  	v51 =	vld [tilespmem:s19+$0x11C30];
	v7 =	vadd.f32 v50, v48  }
0x4a1: {  	v21 =	vld [tilespmem:s16+$0x5E20];
	v8 =	vadd.f32 v53, v52  }
0x4a2: {  	v61 =	vld [tilespmem:s16+$0x5E00];
	[tilespmem:s16+$0xDDA0] =	vst v7  }
0x4a3: {  	s3 =	sadd.s32 $0x4, s4;
	v7 =	vld [tilespmem:s20+$0x11C30];
	[tilespmem:s12+$0xDDA0] =	vst v8  }
0x4a4: {  	s9 =	sadd.s32 $0x7FFF3C, s4;
	v12 =	vadd.f32 v54, v46;
	p1 =	sgt.s32 s3, $0xC7;
	v8 =	vld [tilespmem:s6+$0x11C30]  }
0x4a5: {  	v22 =	vld [tilespmem:s12+$0x5E20];
	s5 =	sadd.s32 $0x4, s7;
	s3 =	smov.u32 @p1 s9;
	v10 =	vadd.f32 v51, v47  }
0x4a6: {  	v25 =	vld [tilespmem:s16+$0x5E30];
	[tilespmem:s31+$0xDE20] =	vst v12;
	p1 =	sgt.s32 s5, $0xC7;
	s3 =	sshll.u32 s3, $0x9;
	s6 =	sadd.s32 $0x7FFF3C, s7  }
0x4a7: {  	v12 =	vld [tilespmem:s2+$0x11C30];
	s3 =	sshra.s32 s3, $0x2;
	[tilespmem:s15+$0xDDB0] =	vst v10;
	s5 =	smov.u32 @p1 s6;
	s6 =	sadd.s32 $0x4, s8  }
0x4a8: {  	s2 =	sadd.s32 $0x7FFF3C, s8;
	v10 =	vld [tilespmem:s3+$0x11C00];
	v7 =	vadd.f32 v7, v57;
	p1 =	sgt.s32 s6, $0xC7  }
0x4a9: {  	v18 =	vld [tilespmem:s12+$0x5E10];
	s21 =	sshll.u32 s5, $0x9;
	s6 =	smov.u32 @p1 s2;
	v8 =	vadd.f32 v8, v58  }
0x4aa: {  	v27 =	vld [tilespmem:s31+$0x5EB0];
	s9 =	sadd.s32 $0x5, s0;
	s5 =	sshra.s32 s21, $0x2;
	[tilespmem:s16+$0xDDB0] =	vst v7;
	s6 =	sshll.u32 s6, $0x9  }
0x4ab: {  	p1 =	sgt.s32 s9, $0xC7;
	s2 =	sadd.s32 $0x7FFF3D, s0;
	v7 =	vld [tilespmem:s5+$0x11C00];
	s6 =	sshra.s32 s6, $0x2;
	[tilespmem:s12+$0xDDB0] =	vst v8  }
0x4ac: {  	v12 =	vadd.f32 v12, v59;
	s9 =	smov.u32 @p1 s2;
	v8 =	vld [tilespmem:s6+$0x11C00]  }
0x4ad: {  	v32 =	vld [tilespmem:s15+$0x5EA0];
	v9 =	vadd.f32 v10, v56;
	s2 =	sshll.u32 s9, $0x9  }
0x4ae: {  	v19 =	vld [tilespmem:s31+$0x5E90];
	[tilespmem:s31+$0xDE30] =	vst v12;
	s9 =	sshra.s32 s2, $0x2  }
0x4af: {  	[tilespmem:s15+$0xDE00] =	vst v9;
	v12 =	vld [tilespmem:s9+$0x11C00]  }
0x4b0: {  	v9 =	vld [tilespmem:s3+$0x11C10];
	v7 =	vadd.f32 v7, v61  }
0x4b1: {  	v28 =	vld [tilespmem:s15+$0x5E90];
	v8 =	vadd.f32 v8, v62  }
0x4b2: {  	v23 =	vld [tilespmem:s31+$0x5EA0];
	[tilespmem:s16+$0xDE00] =	vst v7  }
0x4b3: {  	v7 =	vld [tilespmem:s5+$0x11C10];
	[tilespmem:s12+$0xDE00] =	vst v8  }
0x4b4: {  	v12 =	vadd.f32 v12, v63;
	v8 =	vld [tilespmem:s6+$0x11C10]  }
0x4b5: {  	v24 =	vld [tilespmem:s15+$0x5E80];
	v9 =	vadd.f32 v9, v60  }
0x4b6: {  	v54 =	vld [tilespmem:s15+$0x5F10];
	[tilespmem:s31+$0xDE80] =	vst v12  }
0x4b7: {  	[tilespmem:s15+$0xDE10] =	vst v9;
	v12 =	vld [tilespmem:s9+$0x11C10]  }
0x4b8: {  	v9 =	vld [tilespmem:s3+$0x11C20];
	v7 =	vadd.f32 v7, v17  }
0x4b9: {  	v26 =	vld [tilespmem:s12+$0x5E30];
	v8 =	vadd.f32 v8, v18  }
0x4ba: {  	v33 =	vld [tilespmem:s16+$0x5E90];
	[tilespmem:s16+$0xDE10] =	vst v7  }
0x4bb: {  	v7 =	vld [tilespmem:s5+$0x11C20];
	[tilespmem:s12+$0xDE10] =	vst v8  }
0x4bc: {  	v12 =	vadd.f32 v12, v19;
	v8 =	vld [tilespmem:s6+$0x11C20]  }
0x4bd: {  	v36 =	vld [tilespmem:s15+$0x5EB0];
	v9 =	vadd.f32 v9, v16  }
0x4be: {  	v29 =	vld [tilespmem:s16+$0x5E80];
	[tilespmem:s31+$0xDE90] =	vst v12  }
0x4bf: {  	[tilespmem:s15+$0xDE20] =	vst v9;
	v12 =	vld [tilespmem:s9+$0x11C20]  }
0x4c0: {  	v9 =	vld [tilespmem:s3+$0x11C30];
	v7 =	vadd.f32 v7, v21  }
0x4c1: {  	v38 =	vld [tilespmem:s12+$0x5EA0];
	v8 =	vadd.f32 v8, v22  }
0x4c2: {  	v59 =	vld [tilespmem:s26+$0x5F80];
	[tilespmem:s16+$0xDE20] =	vst v7  }
0x4c3: {  	s2 =	sadd.s32 $0x5, s4;
	v7 =	vld [tilespmem:s5+$0x11C30];
	[tilespmem:s12+$0xDE20] =	vst v8  }
0x4c4: {  	p1 =	sgt.s32 s2, $0xC7;
	s3 =	sadd.s32 $0x7FFF3D, s4;
	v12 =	vadd.f32 v12, v23;
	v8 =	vld [tilespmem:s6+$0x11C30]  }
0x4c5: {  	v30 =	vld [tilespmem:s12+$0x5E80];
	s2 =	smov.u32 @p1 s3;
	s3 =	sadd.s32 $0x5, s7;
	v9 =	vadd.f32 v9, v20  }
0x4c6: {  	v34 =	vld [tilespmem:s12+$0x5E90];
	s2 =	sshll.u32 s2, $0x9;
	p1 =	sgt.s32 s3, $0xC7;
	s5 =	sadd.s32 $0x7FFF3D, s7;
	[tilespmem:s31+$0xDEA0] =	vst v12  }
0x4c7: {  	s2 =	sshra.s32 s2, $0x2;
	[tilespmem:s15+$0xDE30] =	vst v9;
	s3 =	smov.u32 @p1 s5;
	s5 =	sadd.s32 $0x5, s8;
	v12 =	vld [tilespmem:s9+$0x11C30]  }
0x4c8: {  	v9 =	vld [tilespmem:s2+$0x11C00];
	p1 =	sgt.s32 s5, $0xC7;
	s6 =	sadd.s32 $0x7FFF3D, s8;
	v7 =	vadd.f32 v7, v25  }
0x4c9: {  	v35 =	vld [tilespmem:s31+$0x5F10];
	s3 =	sshll.u32 s3, $0x9;
	s5 =	smov.u32 @p1 s6;
	v8 =	vadd.f32 v8, v26  }
0x4ca: {  	v5 =	vld [tilespmem:s26+$0x5F20];
	s3 =	sshra.s32 s3, $0x2;
	s9 =	sadd.s32 $0x6, s0;
	s5 =	sshll.u32 s5, $0x9;
	[tilespmem:s16+$0xDE30] =	vst v7  }
0x4cb: {  	p1 =	sgt.s32 s9, $0xC7;
	s6 =	sadd.s32 $0x7FFF3E, s0;
	s22 =	sshra.s32 s5, $0x2;
	v7 =	vld [tilespmem:s3+$0x11C00];
	[tilespmem:s12+$0xDE30] =	vst v8  }
0x4cc: {  	s9 =	smov.u32 @p1 s6;
	v12 =	vadd.f32 v12, v27;
	v8 =	vld [tilespmem:s22+$0x11C00]  }
0x4cd: {  	v37 =	vld [tilespmem:s16+$0x5EA0];
	v9 =	vadd.f32 v9, v24;
	s23 =	sshll.u32 s9, $0x9  }
0x4ce: {  	v42 =	vld [tilespmem:s31+$0x5F20];
	s5 =	sshra.s32 s23, $0x2;
	[tilespmem:s31+$0xDEB0] =	vst v12  }
0x4cf: {  	[tilespmem:s15+$0xDE80] =	vst v9;
	v12 =	vld [tilespmem:s5+$0x11C00]  }
0x4d0: {  	v9 =	vld [tilespmem:s2+$0x11C10];
	v7 =	vadd.f32 v7, v29  }
0x4d1: {  	v41 =	vld [tilespmem:s26+$0x5F30];
	v8 =	vadd.f32 v8, v30  }
0x4d2: {  	v15 =	vld [tilespmem:s16+$0x5F20];
	[tilespmem:s16+$0xDE80] =	vst v7  }
0x4d3: {  	v7 =	vld [tilespmem:s3+$0x11C10];
	[tilespmem:s12+$0xDE80] =	vst v8  }
0x4d4: {  	v12 =	vadd.f32 v12, v31;
	v8 =	vld [tilespmem:s22+$0x11C10]  }
0x4d5: {  	v44 =	vld [tilespmem:s16+$0x5EB0];
	v9 =	vadd.f32 v9, v28  }
0x4d6: {  	v5 =	vadd.f32 v55, v5;
	v47 =	vld [tilespmem:s15+$0x5F00];
	[tilespmem:s31+$0xDF00] =	vst v12  }
0x4d7: {  	[tilespmem:s15+$0xDE90] =	vst v9;
	v12 =	vld [tilespmem:s5+$0x11C10]  }
0x4d8: {  	[tilespmem:s26+$0xDF20] =	vst v5;
	v9 =	vld [tilespmem:s2+$0x11C20];
	v7 =	vadd.f32 v7, v33  }
0x4d9: {  	v51 =	vld [tilespmem:s30+$0x11C30];
	v8 =	vadd.f32 v8, v34  }
0x4da: {  	v50 =	vld [tilespmem:s12+$0x5EB0];
	[tilespmem:s16+$0xDE90] =	vst v7  }
0x4db: {  	v7 =	vld [tilespmem:s3+$0x11C20];
	[tilespmem:s12+$0xDE90] =	vst v8  }
0x4dc: {  	v39 =	vadd.f32 v12, v35;
	v40 =	vld [tilespmem:s22+$0x11C20]  }
0x4dd: {  	v53 =	vld [tilespmem:s16+$0x5F00];
	v9 =	vadd.f32 v9, v32  }
0x4de: {  	v2 =	vadd.f32 v4, v2;
	v56 =	vld [tilespmem:s12+$0x5F00];
	[tilespmem:s31+$0xDF10] =	vst v39  }
0x4df: {  	[tilespmem:s15+$0xDEA0] =	vst v9;
	v43 =	vld [tilespmem:s5+$0x11C20]  }
0x4e0: {  	[tilespmem:s25+$0xDF30] =	vst v2;
	v9 =	vld [tilespmem:s2+$0x11C30];
	v7 =	vadd.f32 v7, v37  }
0x4e1: {  	v58 =	vld [tilespmem:s28+$0x11C00];
	v45 =	vadd.f32 v40, v38  }
0x4e2: {  	v60 =	vld [tilespmem:s16+$0x5F10];
	[tilespmem:s16+$0xDEA0] =	vst v7  }
0x4e3: {  	s2 =	sadd.s32 $0x6, s4;
	v46 =	vld [tilespmem:s3+$0x11C30];
	[tilespmem:s12+$0xDEA0] =	vst v45  }
0x4e4: {  	s9 =	sadd.s32 $0x7FFF3E, s4;
	p1 =	sgt.s32 s2, $0xC7;
	v8 =	vadd.f32 v43, v42;
	v49 =	vld [tilespmem:s22+$0x11C30]  }
0x4e5: {  	v61 =	vld [tilespmem:s15+$0x5F20];
	s2 =	smov.u32 @p1 s9;
	v9 =	vadd.f32 v9, v36  }
0x4e6: {  	v3 =	vadd.f32 v58, v3;
	v63 =	vld [tilespmem:s12+$0x5F10];
	s6 =	sadd.s32 $0x7FFF3E, s7;
	s2 =	sshll.u32 s2, $0x9;
	s3 =	sadd.s32 $0x6, s7;
	[tilespmem:s31+$0xDF20] =	vst v8  }
0x4e7: {  	s2 =	sshra.s32 s2, $0x2;
	[tilespmem:s15+$0xDEB0] =	vst v9;
	p1 =	sgt.s32 s3, $0xC7;
	v52 =	vld [tilespmem:s5+$0x11C30];
	s5 =	sadd.s32 $0x6, s8  }
0x4e8: {  	[tilespmem:s25+$0xDF80] =	vst v3;
	v48 =	vld [tilespmem:s2+$0x11C00];
	s3 =	smov.u32 @p1 s6;
	s6 =	sadd.s32 $0x7FFF3E, s8;
	p1 =	sgt.s32 s5, $0xC7;
	v7 =	vadd.f32 v46, v44  }
0x4e9: {  	v17 =	vld [tilespmem:s28+$0x11C10];
	s3 =	sshll.u32 s3, $0x9;
	s5 =	smov.u32 @p1 s6;
	v5 =	vadd.f32 v49, v50  }
0x4ea: {  	v18 =	vld [tilespmem:s12+$0x5F20];
	s3 =	sshra.s32 s3, $0x2;
	s5 =	sshll.u32 s5, $0x9;
	[tilespmem:s16+$0xDEB0] =	vst v7  }
0x4eb: {  	s5 =	sshra.s32 s5, $0x2;
	v7 =	vld [tilespmem:s3+$0x11C00];
	[tilespmem:s12+$0xDEB0] =	vst v5  }
0x4ec: {  	v57 =	vld [tilespmem:s5+$0x11C00]  }
0x4ed: {  	v21 =	vld [tilespmem:s26+$0x5F90];
	v6 =	vadd.f32 v48, v47  }
0x4ee: {  	v23 =	vld [tilespmem:s31+$0x5F30]  }
0x4ef: {  	v58 =	vld [tilespmem:s16+$0x5FB0];
	[tilespmem:s15+$0xDF00] =	vst v6  }
0x4f0: {  	v55 =	vld [tilespmem:s2+$0x11C10];
	v7 =	vadd.f32 v7, v53  }
0x4f1: {  	v22 =	vld [tilespmem:s25+$0x5FA0];
	v2 =	vadd.f32 v57, v56  }
0x4f2: {  	v24 =	vld [tilespmem:s15+$0x5F30];
	[tilespmem:s16+$0xDF00] =	vst v7  }
0x4f3: {  	v7 =	vld [tilespmem:s3+$0x11C10];
	[tilespmem:s12+$0xDF00] =	vst v2  }
0x4f4: {  	v2 =	vld [tilespmem:s5+$0x11C10]  }
0x4f5: {  	v25 =	vld [tilespmem:s26+$0x5FA0];
	v4 =	vadd.f32 v55, v54  }
0x4f6: {  	v26 =	vld [tilespmem:s16+$0x5F30];
	v8 =	vadd.f32 v51, v41  }
0x4f7: {  	v28 =	vld [tilespmem:s12+$0x5F30];
	[tilespmem:s15+$0xDF10] =	vst v4  }
0x4f8: {  	[tilespmem:s26+$0xDF30] =	vst v8;
	v62 =	vld [tilespmem:s2+$0x11C20];
	v6 =	vadd.f32 v7, v60  }
0x4f9: {  	v14 =	vld [tilespmem:s29+$0x11C00];
	v2 =	vadd.f32 v2, v63  }
0x4fa: {  	v29 =	vld [tilespmem:s31+$0x5F80];
	[tilespmem:s16+$0xDF10] =	vst v6  }
0x4fb: {  	v16 =	vld [tilespmem:s3+$0x11C20];
	[tilespmem:s12+$0xDF10] =	vst v2  }
0x4fc: {  	v20 =	vld [tilespmem:s5+$0x11C20]  }
0x4fd: {  	v31 =	vld [tilespmem:s15+$0x5F80];
	v4 =	vadd.f32 v62, v61  }
0x4fe: {  	v33 =	vld [tilespmem:s16+$0x5F80];
	v19 =	vadd.f32 v14, v59  }
0x4ff: {  	v35 =	vld [tilespmem:s12+$0x5F80];
	[tilespmem:s15+$0xDF20] =	vst v4  }
0x500: {  	[tilespmem:s26+$0xDF80] =	vst v19;
	v4 =	vld [tilespmem:s2+$0x11C30];
	v3 =	vadd.f32 v16, v15  }
0x501: {  	s2 =	sadd.s32 $0x7, s0;
	v2 =	vld [tilespmem:s29+$0x11C10];
	v5 =	vadd.f32 v20, v18  }
0x502: {  	v36 =	vld [tilespmem:s31+$0x5F90];
	s0 =	sadd.s32 $0x7FFF3F, s0;
	p1 =	sgt.s32 s2, $0xC7;
	[tilespmem:s16+$0xDF20] =	vst v3  }
0x503: {  	s2 =	smov.u32 @p1 s0;
	v3 =	vld [tilespmem:s3+$0x11C30];
	s3 =	sadd.s32 $0x7, s4;
	[tilespmem:s12+$0xDF20] =	vst v5  }
0x504: {  	v8 =	vadd.f32 v52, v23;
	s0 =	sshll.u32 s2, $0x9;
	s2 =	sadd.s32 $0x7FFF3F, s4;
	p1 =	sgt.s32 s3, $0xC7;
	v5 =	vld [tilespmem:s5+$0x11C30]  }
0x505: {  	v42 =	vld [tilespmem:s12+$0x5F90];
	v4 =	vadd.f32 v4, v24;
	s4 =	sadd.s32 $0x7, s7;
	s3 =	smov.u32 @p1 s2  }
0x506: {  	v43 =	vld [tilespmem:s31+$0x5FA0];
	[tilespmem:s31+$0xDF30] =	vst v8;
	v2 =	vadd.f32 v2, v21;
	p1 =	sgt.s32 s4, $0xC7;
	s2 =	sshll.u32 s3, $0x9;
	s3 =	sadd.s32 $0x7FFF3F, s7  }
0x507: {  	v38 =	vld [tilespmem:s15+$0x5F90];
	s0 =	sshra.s32 s0, $0x2;
	[tilespmem:s15+$0xDF30] =	vst v4;
	s4 =	smov.u32 @p1 s3;
	s3 =	sadd.s32 $0x7, s8  }
0x508: {  	v30 =	vld [tilespmem:s0+$0x11C00];
	[tilespmem:s26+$0xDF90] =	vst v2;
	s2 =	sshra.s32 s2, $0x2;
	s5 =	sadd.s32 $0x7FFF3F, s8;
	v2 =	vadd.f32 v3, v26;
	p1 =	sgt.s32 s3, $0xC7  }
0x509: {  	s4 =	sshll.u32 s4, $0x9;
	v32 =	vld [tilespmem:s2+$0x11C00];
	s3 =	smov.u32 @p1 s5;
	v5 =	vadd.f32 v5, v28  }
0x50a: {  	v40 =	vld [tilespmem:s16+$0x5F90];
	s4 =	sshra.s32 s4, $0x2;
	[tilespmem:s16+$0xDF30] =	vst v2;
	s3 =	sshll.u32 s3, $0x9  }
0x50b: {  	v34 =	vld [tilespmem:s4+$0x11C00];
	s3 =	sshra.s32 s3, $0x2;
	[tilespmem:s12+$0xDF30] =	vst v5  }
0x50c: {  	v5 =	vld [tilespmem:s3+$0x11C00]  }
0x50d: {  	v47 =	vld [tilespmem:s16+$0x5FA0];
	v8 =	vadd.f32 v30, v29  }
0x50e: {  	v51 =	vld [tilespmem:s25+$0x5FB0];
	v3 =	vadd.f32 v32, v31  }
0x50f: {  	v45 =	vld [tilespmem:s15+$0x5FA0];
	[tilespmem:s31+$0xDF80] =	vst v8  }
0x510: {  	v37 =	vld [tilespmem:s0+$0x11C10];
	[tilespmem:s15+$0xDF80] =	vst v3;
	v2 =	vadd.f32 v34, v33  }
0x511: {  	v39 =	vld [tilespmem:s2+$0x11C10];
	v5 =	vadd.f32 v5, v35  }
0x512: {  	v52 =	vld [tilespmem:s26+$0x5FB0];
	[tilespmem:s16+$0xDF80] =	vst v2  }
0x513: {  	v6 =	vadd.f32 v17, v13;
	v41 =	vld [tilespmem:s4+$0x11C10];
	[tilespmem:s12+$0xDF80] =	vst v5  }
0x514: {  	v5 =	vld [tilespmem:s3+$0x11C10]  }
0x515: {  	v49 =	vld [tilespmem:s12+$0x5FA0];
	[tilespmem:s25+$0xDF90] =	vst v6;
	v4 =	vadd.f32 v37, v36  }
0x516: {  	v6 =	vld [tilespmem:s28+$0x11C20];
	v3 =	vadd.f32 v39, v38  }
0x517: {  	v27 =	vld [tilespmem:s29+$0x11C20];
	[tilespmem:s31+$0xDF90] =	vst v4  }
0x518: {  	v44 =	vld [tilespmem:s0+$0x11C20];
	[tilespmem:s15+$0xDF90] =	vst v3;
	v2 =	vadd.f32 v41, v40  }
0x519: {  	v46 =	vld [tilespmem:s2+$0x11C20];
	v5 =	vadd.f32 v5, v42  }
0x51a: {  	v56 =	vld [tilespmem:s31+$0x5FB0];
	[tilespmem:s16+$0xDF90] =	vst v2  }
0x51b: {  	v6 =	vadd.f32 v6, v22;
	v48 =	vld [tilespmem:s4+$0x11C20];
	[tilespmem:s12+$0xDF90] =	vst v5  }
0x51c: {  	v9 =	vadd.f32 v27, v25;
	v50 =	vld [tilespmem:s3+$0x11C20]  }
0x51d: {  	v57 =	vld [tilespmem:s15+$0x5FB0];
	[tilespmem:s25+$0xDFA0] =	vst v6;
	v4 =	vadd.f32 v44, v43  }
0x51e: {  	v53 =	vld [tilespmem:s28+$0x11C30];
	[tilespmem:s26+$0xDFA0] =	vst v9;
	v3 =	vadd.f32 v46, v45  }
0x51f: {  	v9 =	vld [tilespmem:s29+$0x11C30];
	[tilespmem:s31+$0xDFA0] =	vst v4  }
0x520: {  	v4 =	vld [tilespmem:s0+$0x11C30];
	[tilespmem:s15+$0xDFA0] =	vst v3;
	v2 =	vadd.f32 v48, v47  }
0x521: {  	v55 =	vld [tilespmem:s2+$0x11C30];
	v54 =	vadd.f32 v50, v49  }
0x522: {  	v0 =	vadd.f32 v1, v0;
	v60 =	vld [tilespmem:s12+$0x5FB0];
	[tilespmem:s16+$0xDFA0] =	vst v2  }
0x523: {  	v59 =	vadd.f32 v53, v51;
	v2 =	vld [tilespmem:s4+$0x11C30];
	[tilespmem:s12+$0xDFA0] =	vst v54  }
0x524: {  	[tilespmem:s24+$0xDFB0] =	vst v0;
	v61 =	vadd.f32 v9, v52;
	v3 =	vld [tilespmem:s3+$0x11C30]  }
0x525: {  	[tilespmem:s25+$0xDFB0] =	vst v59;
	v4 =	vadd.f32 v4, v56  }
0x526: {  	[tilespmem:s26+$0xDFB0] =	vst v61;
	v62 =	vadd.f32 v55, v57  }
0x527: {  	[tilespmem:s31+$0xDFB0] =	vst v4  }
0x528: {  	[tilespmem:s15+$0xDFB0] =	vst v62;
	v1 =	vadd.f32 v2, v58  }
0x529: {  	s26 =	rddreg [dreg:$0x6];
	v63 =	vadd.f32 v3, v60  }
0x52a: {  	s1 =	rddreg [dreg:$0xd];
	[tilespmem:s16+$0xDFB0] =	vst v1  }
0x52b: {  	s30 =	simm.s32 $0xDC00;
	s0 =	sadd.s32 s26, s1;
	[tilespmem:s12+$0xDFB0] =	vst v63  }
0x52c: {  	s29 =	simm.s32 $0x0;
	s0 =	sshll.u32 s0, $0x4;
	s28 =	rddreg [dreg:$0x5]  }
.Ltmp4:
0x52d: {  	s31 =	simm.s32 $0x4;
	s0 =	sadd.s32 s28, s0;
	(pc) =	sbr.rel @p0 .LBB2_8-.Ltmp4, $4  }
0x52e: {  	[hbm4b:s0+s29] =	stream.linear.scatter [tilespmem:s30], [sflag:$0x4], $0x4000, $0x38;
	[tilespmem:$0x18000] =	vst v63  }
0x52f: {  	_ =	swait.ge [sflag:s31], $0x4000  }
0x530: {  	[sflag:s31] =	ssyncset.done $0x0  }
0x531: {  	[sflag:s31] =	ssyncadd.s32 $0xFFFFC000  }
.Ltmp5:
0x532: {  	s0 =	rddreg [dreg:$0xb];
	(pc) =	sbr.rel .LBB2_2-.Ltmp5, $4  }
0x533: {  	s1 =	rddreg [dreg:$0x3];
	s2 =	simm.s32 $0x80;
	s0 =	sshrl.u32 s0, $0x2  }
0x534: {  	s3 =	simm.s32 $0x5C00;
	s31 =	rddreg [dreg:$0xa];
	s0 =	sadd.s32 $0x180, s0  }
0x535: {  	[tilespmem:s3], [sflag:$0x2] =	stream.indirect.gather [hbm4b:s1+s2], $0x80, s0, s2, $0xb8;
	[tilespmem:$0x18000] =	vst v63  }
0x536: {  	s1 =	sadd.s32 $0x1, s31  }
.LBB2_9:
0x537: {  	_ =	sfence.sel $0x180000  }
0x538: {  	[bflag:$0x0] =	sbarrier.arrive $0xFFFF  }
0x539: {  	_ =	strace $0x90000047  }
0x53a: {  	s0 =	stileid.u32;
	[bflag:$0x2] =	sbarrier.arrive $0xFFFF  }
0x53b: {  	p0 =	sne.s32 s0, $0x0;
	s0 =	rddreg [dreg:$0x2]  }
0x53c: {  	s0 =	sadd.s32 @!p0 $0x100000, s0  }
0x53d: {  	[sflag:s0] =	ssyncadd.tile.s32 @!p0 $0x1;
	_ =	shalt  }
.Lfunc_end2:
_tile_overlayer_lowered:
.L_overlay_start_2:
0x53e: {  	(tag) =	ssettag $0x2  }
0x53f: {  	s0 =	rddreg [dreg:$0x0];
	s2 =	stileid.u32  }
0x540: {  	s1 =	rddreg [dreg:$0x1];
	p0 =	sne.s32 s2, $0x0  }
0x541: {  	s3 =	rddreg [dreg:$0x2];
	[bflag:$0x3] =	sbarrier.arrive $0xFFFF;
	s2 =	simm.s32 @!p0 $0x1C05  }
0x542: {  	[timem:s3], [sflag:s2] =	dma.local @!p0 [hbm:s0], s1  }
0x543: {  	s0 =	simm.s32 @!p0 $0x5  }
0x544: {  	_ =	swait.ge @!p0 [sflag:s0], s1  }
0x545: {  	s1 =	ssub.s32 @!p0 $0x0, s1;
	[sflag:s0] =	ssyncset.done @!p0 $0x0  }
0x546: {  	[sflag:s0] =	ssyncadd.s32 @!p0 s1  }
0x547: {  	[bflag:$0x3] =	sbarrier.arrive $0xFFFF  }
0x548: {  	_ =	shalt  }

</sc_bundles>
